<compile_context>
chip_gen: v7x
topology: tpu7x:2x2x1
jax: 0.10.2.dev20260603
libtpu: 0.0.44.dev20260713+nightly
codegen_flags: <defaults>
</compile_context>

<pallas_src>
import functools

import jax
import jax.numpy as jnp
from jax import lax
from jax.experimental import pallas as pl
from jax.experimental.pallas import tpu as pltpu
from jax.experimental.pallas import tpu_sc as plsc

B = 1024
CTX = 20
EMB = 64
HID = 128
LANES = 16
VOCAB = 100000

_NC = 2
_NS = 16
_NW = _NC * _NS
_B_PER_W = B // _NW
_IDX_PER_W = _B_PER_W * CTX
_GCHUNK = 128
_NCHUNK = _IDX_PER_W // _GCHUNK


def _pool_body(emb_hbm, idx_hbm, out_hbm, idx_v, big_v, rows_v, pooled_v, sem):
    wid = lax.axis_index("s") * _NC + lax.axis_index("c")
    obase = wid * _B_PER_W

    idx3 = idx_hbm.reshape(_NW, _B_PER_W, CTX)
    pltpu.sync_copy(idx3.at[wid], idx_v)

    for b in range(_B_PER_W):
        big_v[b, pl.ds(0, LANES)] = idx_v[b, pl.ds(0, LANES)] >> 1
        big_v[b, pl.ds(CTX - LANES, LANES)] = \
            idx_v[b, pl.ds(CTX - LANES, LANES)] >> 1

    copies = []
    for b in range(_B_PER_W):
        copies.append(pltpu.async_copy(
            emb_hbm.at[big_v.at[b]],
            rows_v.at[b],
            sem,
        ))
    for c in copies:
        c.wait()

    def body(b, carry):
        offa = (idx_v[b, pl.ds(0, LANES)] & 1) * EMB
        offb = (idx_v[b, pl.ds(CTX - LANES, LANES)] & 1) * EMB
        for ch in range(EMB // LANES):
            acc = rows_v[b, 0, pl.ds(offa[0] + ch * LANES, LANES)]
            for c in range(1, CTX):
                off = offa[c] if c < LANES else offb[c - (CTX - LANES)]
                acc = acc + rows_v[b, c, pl.ds(off + ch * LANES, LANES)]
            pooled_v[b, pl.ds(ch * LANES, LANES)] = acc
        return carry

    lax.fori_loop(0, _B_PER_W, body, None)
    pltpu.sync_copy(pooled_v, out_hbm.at[pl.ds(obase, _B_PER_W)])


_sc_pool = functools.partial(
    pl.kernel,
    mesh=plsc.VectorSubcoreMesh(core_axis_name="c", subcore_axis_name="s"),
    out_type=jax.ShapeDtypeStruct((B, EMB), jnp.float32),
    scratch_types=[
        pltpu.VMEM((_B_PER_W, CTX), jnp.int32),
        pltpu.VMEM((_B_PER_W, CTX), jnp.int32),
        pltpu.VMEM((_B_PER_W, CTX, 2 * EMB), jnp.float32),
        pltpu.VMEM((_B_PER_W, EMB), jnp.float32),
        pltpu.SemaphoreType.DMA,
    ],
)(_pool_body)


_VT = 2000
_NV = VOCAB // _VT


def _mlp_body(pooledT_ref, W1_ref, b1_ref, W2T_ref, b2_ref, outT_ref, hT_ref):
    @pl.when(pl.program_id(0) == 0)
    def _():
        hT = jax.lax.dot_general(
            W1_ref[...], pooledT_ref[...],
            dimension_numbers=(((0,), (0,)), ((), ())),
            preferred_element_type=jnp.float32)
        hT_ref[...] = jnp.maximum(hT + b1_ref[...], 0.0)

    outT_ref[...] = jnp.dot(W2T_ref[...], hT_ref[...],
                            preferred_element_type=jnp.float32) + b2_ref[...]


def _tc_mlp(pooledT, W1, b1, W2T, b2):
    return pl.pallas_call(
        _mlp_body,
        grid=(_NV,),
        in_specs=[
            pl.BlockSpec((EMB, B), lambda i: (0, 0)),
            pl.BlockSpec((EMB, HID), lambda i: (0, 0)),
            pl.BlockSpec((HID, 1), lambda i: (0, 0)),
            pl.BlockSpec((_VT, HID), lambda i: (i, 0)),
            pl.BlockSpec((_VT, 1), lambda i: (i, 0)),
        ],
        out_specs=pl.BlockSpec((_VT, B), lambda i: (i, 0)),
        out_shape=jax.ShapeDtypeStruct((VOCAB, B), jnp.float32),
        scratch_shapes=[pltpu.VMEM((HID, B), jnp.float32)],
        compiler_params=pltpu.CompilerParams(
            dimension_semantics=("arbitrary",)),
    )(pooledT, W1, b1, W2T, b2)


def kernel(inputs, emb, W1, b1, W2, b2):
    pooled = _sc_pool(emb.reshape(VOCAB // 2, 2 * EMB),
                      inputs.astype(jnp.int32))
    outT = _tc_mlp(pooled.T, W1, b1.reshape(HID, 1), W2.T,
                   b2.reshape(VOCAB, 1))
    return outT.T

# --- scband reference (transcript-rebuilt; emitter-appended) ---
"""Pipeline reference for scband-cbow-37769942401559 (READ-ONLY COPY).

The authoritative reference and input builder live on the scoring server;
editing this copy changes nothing except your own understanding.
"""

import jax, jax.numpy as jnp
import numpy as np

VOCAB = 100000
EMB = 64
HID = 128
B = 1024
CTX = 20

def setup_inputs(seed: int = 0) -> dict:
    key = jax.random.key(seed)
    k_idx, k_emb, k_w1, k_b1, k_w2, k_b2 = jax.random.split(key, 6)
    inputs = jax.random.randint(k_idx, (B, CTX), 0, VOCAB, dtype=jnp.int64)
    emb = jax.random.normal(k_emb, (VOCAB, EMB), dtype=jnp.float32) * 0.02
    W1 = jax.random.normal(k_w1, (EMB, HID), dtype=jnp.float32) * (1.0 / np.sqrt(EMB))
    b1 = jnp.zeros((HID,), dtype=jnp.float32)
    W2 = jax.random.normal(k_w2, (HID, VOCAB), dtype=jnp.float32) * (1.0 / np.sqrt(HID))
    b2 = jnp.zeros((VOCAB,), dtype=jnp.float32)
    return {"inputs": inputs, "emb": emb, "W1": W1, "b1": b1, "W2": W2, "b2": b2}

def reference(inputs, emb, W1, b1, W2, b2):
    # embedding lookup: gather rows from table, then sum over context dim
    gathered = jnp.take(emb, inputs, axis=0)          # [B, CTX, EMB]
    pooled = jnp.sum(gathered, axis=1)                # [B, EMB]
    h = jax.nn.relu(pooled @ W1 + b1)                 # [B, HID]
    out = h @ W2 + b2                                 # [B, VOCAB]
    return out

if __name__ == "__main__":
    import jax
    _d = setup_inputs()
    print(jax.jit(kernel)(*tuple(_d.values())))

</pallas_src>

<mosaic_0001>
#map = affine_map<(d0, d1) -> (0, 0)>
module attributes {stable_mosaic.version = 14 : i64} {
  func.func @_pool_body(%arg0: i32, %arg1: i32, %arg2: memref<50000x128xf32, #tpu.memory_space<hbm>>, %arg3: memref<1024x20xi32, #tpu.memory_space<hbm>>, %arg4: memref<1024x64xf32, #tpu.memory_space<hbm>>, %arg5: memref<32x20xi32, #tpu.memory_space<vmem>>, %arg6: memref<32x20xi32, #tpu.memory_space<vmem>>, %arg7: memref<32x20x128xf32, #tpu.memory_space<vmem>>, %arg8: memref<32x64xf32, #tpu.memory_space<vmem>>, %arg9: memref<!tpu.dma_semaphore, #tpu.memory_space<semaphore_mem>>) attributes {dimension_semantics = [#tpu.dimension_semantics<core_parallel>, #tpu.dimension_semantics<subcore_parallel>], iteration_bounds = array<i64: 2, 16>, scalar_prefetch = 0 : i64, scratch_operands = 5 : i64, tpu.core_type = #tpu.core_type<sc_vector_subcore>, window_params = [{transform_indices = #map}, {transform_indices = #map}, {transform_indices = #map}]} {
    %mul3A = arith.constant 2 : i32
    %mul3A_0 = arith.muli %arg1, %mul3A : i32
    %add3A = arith.addi %mul3A_0, %arg0 : i32
    %mul3A_1 = arith.constant 32 : i32
    %mul3A_2 = arith.muli %add3A, %mul3A_1 : i32
    "tpu.region"() ({
      %run_scoped3A = tpu.sem_alloc : memref<!tpu.dma_semaphore, #tpu.memory_space<semaphore_mem>>
      %dma_start3A_1666 = tpu.memref_reshape %arg3 : memref<1024x20xi32, #tpu.memory_space<hbm>> -> memref<32x32x20xi32, #tpu.memory_space<hbm>>
      %dma_start3A_1667 = arith.constant 0 : i32
      %dma_start3A_1668 = arith.constant 0 : i32
      %dma_start3A_1669 = tpu.memref_slice %dma_start3A_1666[%add3A, %dma_start3A_1667, %dma_start3A_1668] : memref<32x32x20xi32, #tpu.memory_space<hbm>> -> memref<1x32x20xi32, #tpu.memory_space<hbm>>
      %dma_start3A_1670 = tpu.memref_squeeze %dma_start3A_1669 : memref<1x32x20xi32, #tpu.memory_space<hbm>> -> memref<32x20xi32, #tpu.memory_space<hbm>>
      %dma_start3A_1671 = tpu.memref_reshape %arg3 : memref<1024x20xi32, #tpu.memory_space<hbm>> -> memref<32x32x20xi32, #tpu.memory_space<hbm>>
      %dma_start3A_1672 = arith.constant 0 : i32
      %dma_start3A_1673 = arith.constant 0 : i32
      %dma_start3A_1674 = tpu.memref_slice %dma_start3A_1671[%add3A, %dma_start3A_1672, %dma_start3A_1673] : memref<32x32x20xi32, #tpu.memory_space<hbm>> -> memref<1x32x20xi32, #tpu.memory_space<hbm>>
      %dma_start3A_1675 = tpu.memref_squeeze %dma_start3A_1674 : memref<1x32x20xi32, #tpu.memory_space<hbm>> -> memref<32x20xi32, #tpu.memory_space<hbm>>
      tpu.enqueue_dma source(%dma_start3A_1675 : memref<32x20xi32, #tpu.memory_space<hbm>>) target(%arg5 : memref<32x20xi32, #tpu.memory_space<vmem>>) target_semaphore(%run_scoped3A : memref<!tpu.dma_semaphore, #tpu.memory_space<semaphore_mem>>)
      %dma_wait3A_1676 = tpu.memref_reshape %arg3 : memref<1024x20xi32, #tpu.memory_space<hbm>> -> memref<32x32x20xi32, #tpu.memory_space<hbm>>
      %dma_wait3A_1677 = arith.constant 0 : i32
      %dma_wait3A_1678 = arith.constant 0 : i32
      %dma_wait3A_1679 = tpu.memref_slice %dma_wait3A_1676[%add3A, %dma_wait3A_1677, %dma_wait3A_1678] : memref<32x32x20xi32, #tpu.memory_space<hbm>> -> memref<1x32x20xi32, #tpu.memory_space<hbm>>
      %dma_wait3A_1680 = tpu.memref_squeeze %dma_wait3A_1679 : memref<1x32x20xi32, #tpu.memory_space<hbm>> -> memref<32x20xi32, #tpu.memory_space<hbm>>
      %dma_wait3A_1681 = tpu.memref_reshape %arg3 : memref<1024x20xi32, #tpu.memory_space<hbm>> -> memref<32x32x20xi32, #tpu.memory_space<hbm>>
      %dma_wait3A_1682 = arith.constant 0 : i32
      %dma_wait3A_1683 = arith.constant 0 : i32
      %dma_wait3A_1684 = tpu.memref_slice %dma_wait3A_1681[%add3A, %dma_wait3A_1682, %dma_wait3A_1683] : memref<32x32x20xi32, #tpu.memory_space<hbm>> -> memref<1x32x20xi32, #tpu.memory_space<hbm>>
      %dma_wait3A_1685 = tpu.memref_squeeze %dma_wait3A_1684 : memref<1x32x20xi32, #tpu.memory_space<hbm>> -> memref<32x20xi32, #tpu.memory_space<hbm>>
      tpu.wait_dma2 semaphore(%run_scoped3A : memref<!tpu.dma_semaphore, #tpu.memory_space<semaphore_mem>>) src(%dma_wait3A_1685 : memref<32x20xi32, #tpu.memory_space<hbm>>) dst(%arg5 : memref<32x20xi32, #tpu.memory_space<vmem>>)
      tpu.yield
    }) : () -> ()
    %get3A = arith.constant 0 : i32
    %get3A_3 = arith.index_cast %get3A : i32 to index
    %get3A_4 = arith.constant 0 : index
    %get3A_5 = tpu.vector_load %arg5[%get3A_3, %get3A_4] {strides = array<i32>} : memref<32x20xi32, #tpu.memory_space<vmem>>, vector<1x16xi32>,
    %get3A_6 = vector.shape_cast %get3A_5 : vector<1x16xi32> to vector<16xi32>
    %shift_right_arithmetic3A = arith.constant 1 : i32
    %shift_right_arithmetic3A_7 = vector.broadcast %shift_right_arithmetic3A : i32 to vector<16xi32>
    %shift_right_arithmetic3A_8 = arith.shrsi %get3A_6, %shift_right_arithmetic3A_7 : vector<16xi32>
    %swap3A = arith.constant 0 : i32
    %swap3A_9 = arith.index_cast %swap3A : i32 to index
    %swap3A_10 = arith.constant 0 : index
    %swap3A_11 = tpu.vector_load %arg6[%swap3A_9, %swap3A_10] {strides = array<i32>} : memref<32x20xi32, #tpu.memory_space<vmem>>, vector<1x16xi32>,
    %swap3A_12 = vector.shape_cast %swap3A_11 : vector<1x16xi32> to vector<16xi32>
    %swap3A_13 = vector.shape_cast %shift_right_arithmetic3A_8 : vector<16xi32> to vector<1x16xi32>
    tpu.vector_store %arg6[%swap3A_9, %swap3A_10], %swap3A_13 {strides = array<i32>} : memref<32x20xi32, #tpu.memory_space<vmem>>, vector<1x16xi32>,
    %get3A_14 = arith.constant 0 : i32
    %get3A_15 = arith.index_cast %get3A_14 : i32 to index
    %get3A_16 = arith.constant 4 : index
    %get3A_17 = tpu.vector_load %arg5[%get3A_15, %get3A_16] {strides = array<i32>} : memref<32x20xi32, #tpu.memory_space<vmem>>, vector<1x16xi32>,
    %get3A_18 = vector.shape_cast %get3A_17 : vector<1x16xi32> to vector<16xi32>
    %shift_right_arithmetic3A_19 = arith.constant 1 : i32
    %shift_right_arithmetic3A_20 = vector.broadcast %shift_right_arithmetic3A_19 : i32 to vector<16xi32>
    %shift_right_arithmetic3A_21 = arith.shrsi %get3A_18, %shift_right_arithmetic3A_20 : vector<16xi32>
    %swap3A_22 = arith.constant 0 : i32
    %swap3A_23 = arith.index_cast %swap3A_22 : i32 to index
    %swap3A_24 = arith.constant 4 : index
    %swap3A_25 = tpu.vector_load %arg6[%swap3A_23, %swap3A_24] {strides = array<i32>} : memref<32x20xi32, #tpu.memory_space<vmem>>, vector<1x16xi32>,
    %swap3A_26 = vector.shape_cast %swap3A_25 : vector<1x16xi32> to vector<16xi32>
    %swap3A_27 = vector.shape_cast %shift_right_arithmetic3A_21 : vector<16xi32> to vector<1x16xi32>
    tpu.vector_store %arg6[%swap3A_23, %swap3A_24], %swap3A_27 {strides = array<i32>} : memref<32x20xi32, #tpu.memory_space<vmem>>, vector<1x16xi32>,
    %get3A_28 = arith.constant 1 : i32
    %get3A_29 = arith.index_cast %get3A_28 : i32 to index
    %get3A_30 = arith.constant 0 : index
    %get3A_31 = tpu.vector_load %arg5[%get3A_29, %get3A_30] {strides = array<i32>} : memref<32x20xi32, #tpu.memory_space<vmem>>, vector<1x16xi32>,
    %get3A_32 = vector.shape_cast %get3A_31 : vector<1x16xi32> to vector<16xi32>
    %shift_right_arithmetic3A_33 = arith.constant 1 : i32
    %shift_right_arithmetic3A_34 = vector.broadcast %shift_right_arithmetic3A_33 : i32 to vector<16xi32>
    %shift_right_arithmetic3A_35 = arith.shrsi %get3A_32, %shift_right_arithmetic3A_34 : vector<16xi32>
    %swap3A_36 = arith.constant 1 : i32
    %swap3A_37 = arith.index_cast %swap3A_36 : i32 to index
    %swap3A_38 = arith.constant 0 : index
    %swap3A_39 = tpu.vector_load %arg6[%swap3A_37, %swap3A_38] {strides = array<i32>} : memref<32x20xi32, #tpu.memory_space<vmem>>, vector<1x16xi32>,
    %swap3A_40 = vector.shape_cast %swap3A_39 : vector<1x16xi32> to vector<16xi32>
    %swap3A_41 = vector.shape_cast %shift_right_arithmetic3A_35 : vector<16xi32> to vector<1x16xi32>
    tpu.vector_store %arg6[%swap3A_37, %swap3A_38], %swap3A_41 {strides = array<i32>} : memref<32x20xi32, #tpu.memory_space<vmem>>, vector<1x16xi32>,
    %get3A_42 = arith.constant 1 : i32
    %get3A_43 = arith.index_cast %get3A_42 : i32 to index
    %get3A_44 = arith.constant 4 : index
    %get3A_45 = tpu.vector_load %arg5[%get3A_43, %get3A_44] {strides = array<i32>} : memref<32x20xi32, #tpu.memory_space<vmem>>, vector<1x16xi32>,
    %get3A_46 = vector.shape_cast %get3A_45 : vector<1x16xi32> to vector<16xi32>
    %shift_right_arithmetic3A_47 = arith.constant 1 : i32
    %shift_right_arithmetic3A_48 = vector.broadcast %shift_right_arithmetic3A_47 : i32 to vector<16xi32>
    %shift_right_arithmetic3A_49 = arith.shrsi %get3A_46, %shift_right_arithmetic3A_48 : vector<16xi32>
    %swap3A_50 = arith.constant 1 : i32
    %swap3A_51 = arith.index_cast %swap3A_50 : i32 to index
    %swap3A_52 = arith.constant 4 : index
    %swap3A_53 = tpu.vector_load %arg6[%swap3A_51, %swap3A_52] {strides = array<i32>} : memref<32x20xi32, #tpu.memory_space<vmem>>, vector<1x16xi32>,
    %swap3A_54 = vector.shape_cast %swap3A_53 : vector<1x16xi32> to vector<16xi32>
    %swap3A_55 = vector.shape_cast %shift_right_arithmetic3A_49 : vector<16xi32> to vector<1x16xi32>
    tpu.vector_store %arg6[%swap3A_51, %swap3A_52], %swap3A_55 {strides = array<i32>} : memref<32x20xi32, #tpu.memory_space<vmem>>, vector<1x16xi32>,
    %get3A_56 = arith.constant 2 : i32
    %get3A_57 = arith.index_cast %get3A_56 : i32 to index
    %get3A_58 = arith.constant 0 : index
    %get3A_59 = tpu.vector_load %arg5[%get3A_57, %get3A_58] {strides = array<i32>} : memref<32x20xi32, #tpu.memory_space<vmem>>, vector<1x16xi32>,
    %get3A_60 = vector.shape_cast %get3A_59 : vector<1x16xi32> to vector<16xi32>
    %shift_right_arithmetic3A_61 = arith.constant 1 : i32
    %shift_right_arithmetic3A_62 = vector.broadcast %shift_right_arithmetic3A_61 : i32 to vector<16xi32>
    %shift_right_arithmetic3A_63 = arith.shrsi %get3A_60, %shift_right_arithmetic3A_62 : vector<16xi32>
    %swap3A_64 = arith.constant 2 : i32
    %swap3A_65 = arith.index_cast %swap3A_64 : i32 to index
    %swap3A_66 = arith.constant 0 : index
    %swap3A_67 = tpu.vector_load %arg6[%swap3A_65, %swap3A_66] {strides = array<i32>} : memref<32x20xi32, #tpu.memory_space<vmem>>, vector<1x16xi32>,
    %swap3A_68 = vector.shape_cast %swap3A_67 : vector<1x16xi32> to vector<16xi32>
    %swap3A_69 = vector.shape_cast %shift_right_arithmetic3A_63 : vector<16xi32> to vector<1x16xi32>
    tpu.vector_store %arg6[%swap3A_65, %swap3A_66], %swap3A_69 {strides = array<i32>} : memref<32x20xi32, #tpu.memory_space<vmem>>, vector<1x16xi32>,
    %get3A_70 = arith.constant 2 : i32
    %get3A_71 = arith.index_cast %get3A_70 : i32 to index
    %get3A_72 = arith.constant 4 : index
    %get3A_73 = tpu.vector_load %arg5[%get3A_71, %get3A_72] {strides = array<i32>} : memref<32x20xi32, #tpu.memory_space<vmem>>, vector<1x16xi32>,
    %get3A_74 = vector.shape_cast %get3A_73 : vector<1x16xi32> to vector<16xi32>
    %shift_right_arithmetic3A_75 = arith.constant 1 : i32
    %shift_right_arithmetic3A_76 = vector.broadcast %shift_right_arithmetic3A_75 : i32 to vector<16xi32>
    %shift_right_arithmetic3A_77 = arith.shrsi %get3A_74, %shift_right_arithmetic3A_76 : vector<16xi32>
    %swap3A_78 = arith.constant 2 : i32
    %swap3A_79 = arith.index_cast %swap3A_78 : i32 to index
    %swap3A_80 = arith.constant 4 : index
    %swap3A_81 = tpu.vector_load %arg6[%swap3A_79, %swap3A_80] {strides = array<i32>} : memref<32x20xi32, #tpu.memory_space<vmem>>, vector<1x16xi32>,
    %swap3A_82 = vector.shape_cast %swap3A_81 : vector<1x16xi32> to vector<16xi32>
    %swap3A_83 = vector.shape_cast %shift_right_arithmetic3A_77 : vector<16xi32> to vector<1x16xi32>
    tpu.vector_store %arg6[%swap3A_79, %swap3A_80], %swap3A_83 {strides = array<i32>} : memref<32x20xi32, #tpu.memory_space<vmem>>, vector<1x16xi32>,
    %get3A_84 = arith.constant 3 : i32
    %get3A_85 = arith.index_cast %get3A_84 : i32 to index
    %get3A_86 = arith.constant 0 : index
    %get3A_87 = tpu.vector_load %arg5[%get3A_85, %get3A_86] {strides = array<i32>} : memref<32x20xi32, #tpu.memory_space<vmem>>, vector<1x16xi32>,
    %get3A_88 = vector.shape_cast %get3A_87 : vector<1x16xi32> to vector<16xi32>
    %shift_right_arithmetic3A_89 = arith.constant 1 : i32
    %shift_right_arithmetic3A_90 = vector.broadcast %shift_right_arithmetic3A_89 : i32 to vector<16xi32>
    %shift_right_arithmetic3A_91 = arith.shrsi %get3A_88, %shift_right_arithmetic3A_90 : vector<16xi32>
    %swap3A_92 = arith.constant 3 : i32
    %swap3A_93 = arith.index_cast %swap3A_92 : i32 to index
    %swap3A_94 = arith.constant 0 : index
    %swap3A_95 = tpu.vector_load %arg6[%swap3A_93, %swap3A_94] {strides = array<i32>} : memref<32x20xi32, #tpu.memory_space<vmem>>, vector<1x16xi32>,
    %swap3A_96 = vector.shape_cast %swap3A_95 : vector<1x16xi32> to vector<16xi32>
    %swap3A_97 = vector.shape_cast %shift_right_arithmetic3A_91 : vector<16xi32> to vector<1x16xi32>
    tpu.vector_store %arg6[%swap3A_93, %swap3A_94], %swap3A_97 {strides = array<i32>} : memref<32x20xi32, #tpu.memory_space<vmem>>, vector<1x16xi32>,
    %get3A_98 = arith.constant 3 : i32
    %get3A_99 = arith.index_cast %get3A_98 : i32 to index
    %get3A_100 = arith.constant 4 : index
    %get3A_101 = tpu.vector_load %arg5[%get3A_99, %get3A_100] {strides = array<i32>} : memref<32x20xi32, #tpu.memory_space<vmem>>, vector<1x16xi32>,
    %get3A_102 = vector.shape_cast %get3A_101 : vector<1x16xi32> to vector<16xi32>
    %shift_right_arithmetic3A_103 = arith.constant 1 : i32
    %shift_right_arithmetic3A_104 = vector.broadcast %shift_right_arithmetic3A_103 : i32 to vector<16xi32>
    %shift_right_arithmetic3A_105 = arith.shrsi %get3A_102, %shift_right_arithmetic3A_104 : vector<16xi32>
    %swap3A_106 = arith.constant 3 : i32
    %swap3A_107 = arith.index_cast %swap3A_106 : i32 to index
    %swap3A_108 = arith.constant 4 : index
    %swap3A_109 = tpu.vector_load %arg6[%swap3A_107, %swap3A_108] {strides = array<i32>} : memref<32x20xi32, #tpu.memory_space<vmem>>, vector<1x16xi32>,
    %swap3A_110 = vector.shape_cast %swap3A_109 : vector<1x16xi32> to vector<16xi32>
    %swap3A_111 = vector.shape_cast %shift_right_arithmetic3A_105 : vector<16xi32> to vector<1x16xi32>
    tpu.vector_store %arg6[%swap3A_107, %swap3A_108], %swap3A_111 {strides = array<i32>} : memref<32x20xi32, #tpu.memory_space<vmem>>, vector<1x16xi32>,
    %get3A_112 = arith.constant 4 : i32
    %get3A_113 = arith.index_cast %get3A_112 : i32 to index
    %get3A_114 = arith.constant 0 : index
    %get3A_115 = tpu.vector_load %arg5[%get3A_113, %get3A_114] {strides = array<i32>} : memref<32x20xi32, #tpu.memory_space<vmem>>, vector<1x16xi32>,
    %get3A_116 = vector.shape_cast %get3A_115 : vector<1x16xi32> to vector<16xi32>
    %shift_right_arithmetic3A_117 = arith.constant 1 : i32
    %shift_right_arithmetic3A_118 = vector.broadcast %shift_right_arithmetic3A_117 : i32 to vector<16xi32>
    %shift_right_arithmetic3A_119 = arith.shrsi %get3A_116, %shift_right_arithmetic3A_118 : vector<16xi32>
    %swap3A_120 = arith.constant 4 : i32
    %swap3A_121 = arith.index_cast %swap3A_120 : i32 to index
    %swap3A_122 = arith.constant 0 : index
    %swap3A_123 = tpu.vector_load %arg6[%swap3A_121, %swap3A_122] {strides = array<i32>} : memref<32x20xi32, #tpu.memory_space<vmem>>, vector<1x16xi32>,
    %swap3A_124 = vector.shape_cast %swap3A_123 : vector<1x16xi32> to vector<16xi32>
    %swap3A_125 = vector.shape_cast %shift_right_arithmetic3A_119 : vector<16xi32> to vector<1x16xi32>
    tpu.vector_store %arg6[%swap3A_121, %swap3A_122], %swap3A_125 {strides = array<i32>} : memref<32x20xi32, #tpu.memory_space<vmem>>, vector<1x16xi32>,
    %get3A_126 = arith.constant 4 : i32
    %get3A_127 = arith.index_cast %get3A_126 : i32 to index
    %get3A_128 = arith.constant 4 : index
    %get3A_129 = tpu.vector_load %arg5[%get3A_127, %get3A_128] {strides = array<i32>} : memref<32x20xi32, #tpu.memory_space<vmem>>, vector<1x16xi32>,
    %get3A_130 = vector.shape_cast %get3A_129 : vector<1x16xi32> to vector<16xi32>
    %shift_right_arithmetic3A_131 = arith.constant 1 : i32
    %shift_right_arithmetic3A_132 = vector.broadcast %shift_right_arithmetic3A_131 : i32 to vector<16xi32>
    %shift_right_arithmetic3A_133 = arith.shrsi %get3A_130, %shift_right_arithmetic3A_132 : vector<16xi32>
    %swap3A_134 = arith.constant 4 : i32
    %swap3A_135 = arith.index_cast %swap3A_134 : i32 to index
    %swap3A_136 = arith.constant 4 : index
    %swap3A_137 = tpu.vector_load %arg6[%swap3A_135, %swap3A_136] {strides = array<i32>} : memref<32x20xi32, #tpu.memory_space<vmem>>, vector<1x16xi32>,
    %swap3A_138 = vector.shape_cast %swap3A_137 : vector<1x16xi32> to vector<16xi32>
    %swap3A_139 = vector.shape_cast %shift_right_arithmetic3A_133 : vector<16xi32> to vector<1x16xi32>
    tpu.vector_store %arg6[%swap3A_135, %swap3A_136], %swap3A_139 {strides = array<i32>} : memref<32x20xi32, #tpu.memory_space<vmem>>, vector<1x16xi32>,
    %get3A_140 = arith.constant 5 : i32
    %get3A_141 = arith.index_cast %get3A_140 : i32 to index
    %get3A_142 = arith.constant 0 : index
    %get3A_143 = tpu.vector_load %arg5[%get3A_141, %get3A_142] {strides = array<i32>} : memref<32x20xi32, #tpu.memory_space<vmem>>, vector<1x16xi32>,
    %get3A_144 = vector.shape_cast %get3A_143 : vector<1x16xi32> to vector<16xi32>
    %shift_right_arithmetic3A_145 = arith.constant 1 : i32
    %shift_right_arithmetic3A_146 = vector.broadcast %shift_right_arithmetic3A_145 : i32 to vector<16xi32>
    %shift_right_arithmetic3A_147 = arith.shrsi %get3A_144, %shift_right_arithmetic3A_146 : vector<16xi32>
    %swap3A_148 = arith.constant 5 : i32
    %swap3A_149 = arith.index_cast %swap3A_148 : i32 to index
    %swap3A_150 = arith.constant 0 : index
    %swap3A_151 = tpu.vector_load %arg6[%swap3A_149, %swap3A_150] {strides = array<i32>} : memref<32x20xi32, #tpu.memory_space<vmem>>, vector<1x16xi32>,
    %swap3A_152 = vector.shape_cast %swap3A_151 : vector<1x16xi32> to vector<16xi32>
    %swap3A_153 = vector.shape_cast %shift_right_arithmetic3A_147 : vector<16xi32> to vector<1x16xi32>
    tpu.vector_store %arg6[%swap3A_149, %swap3A_150], %swap3A_153 {strides = array<i32>} : memref<32x20xi32, #tpu.memory_space<vmem>>, vector<1x16xi32>,
    %get3A_154 = arith.constant 5 : i32
    %get3A_155 = arith.index_cast %get3A_154 : i32 to index
    %get3A_156 = arith.constant 4 : index
    %get3A_157 = tpu.vector_load %arg5[%get3A_155, %get3A_156] {strides = array<i32>} : memref<32x20xi32, #tpu.memory_space<vmem>>, vector<1x16xi32>,
    %get3A_158 = vector.shape_cast %get3A_157 : vector<1x16xi32> to vector<16xi32>
    %shift_right_arithmetic3A_159 = arith.constant 1 : i32
    %shift_right_arithmetic3A_160 = vector.broadcast %shift_right_arithmetic3A_159 : i32 to vector<16xi32>
    %shift_right_arithmetic3A_161 = arith.shrsi %get3A_158, %shift_right_arithmetic3A_160 : vector<16xi32>
    %swap3A_162 = arith.constant 5 : i32
    %swap3A_163 = arith.index_cast %swap3A_162 : i32 to index
    %swap3A_164 = arith.constant 4 : index
    %swap3A_165 = tpu.vector_load %arg6[%swap3A_163, %swap3A_164] {strides = array<i32>} : memref<32x20xi32, #tpu.memory_space<vmem>>, vector<1x16xi32>,
    %swap3A_166 = vector.shape_cast %swap3A_165 : vector<1x16xi32> to vector<16xi32>
    %swap3A_167 = vector.shape_cast %shift_right_arithmetic3A_161 : vector<16xi32> to vector<1x16xi32>
    tpu.vector_store %arg6[%swap3A_163, %swap3A_164], %swap3A_167 {strides = array<i32>} : memref<32x20xi32, #tpu.memory_space<vmem>>, vector<1x16xi32>,
    %get3A_168 = arith.constant 6 : i32
    %get3A_169 = arith.index_cast %get3A_168 : i32 to index
    %get3A_170 = arith.constant 0 : index
    %get3A_171 = tpu.vector_load %arg5[%get3A_169, %get3A_170] {strides = array<i32>} : memref<32x20xi32, #tpu.memory_space<vmem>>, vector<1x16xi32>,
    %get3A_172 = vector.shape_cast %get3A_171 : vector<1x16xi32> to vector<16xi32>
    %shift_right_arithmetic3A_173 = arith.constant 1 : i32
    %shift_right_arithmetic3A_174 = vector.broadcast %shift_right_arithmetic3A_173 : i32 to vector<16xi32>
    %shift_right_arithmetic3A_175 = arith.shrsi %get3A_172, %shift_right_arithmetic3A_174 : vector<16xi32>
    %swap3A_176 = arith.constant 6 : i32
    %swap3A_177 = arith.index_cast %swap3A_176 : i32 to index
    %swap3A_178 = arith.constant 0 : index
    %swap3A_179 = tpu.vector_load %arg6[%swap3A_177, %swap3A_178] {strides = array<i32>} : memref<32x20xi32, #tpu.memory_space<vmem>>, vector<1x16xi32>,
    %swap3A_180 = vector.shape_cast %swap3A_179 : vector<1x16xi32> to vector<16xi32>
    %swap3A_181 = vector.shape_cast %shift_right_arithmetic3A_175 : vector<16xi32> to vector<1x16xi32>
    tpu.vector_store %arg6[%swap3A_177, %swap3A_178], %swap3A_181 {strides = array<i32>} : memref<32x20xi32, #tpu.memory_space<vmem>>, vector<1x16xi32>,
    %get3A_182 = arith.constant 6 : i32
    %get3A_183 = arith.index_cast %get3A_182 : i32 to index
    %get3A_184 = arith.constant 4 : index
    %get3A_185 = tpu.vector_load %arg5[%get3A_183, %get3A_184] {strides = array<i32>} : memref<32x20xi32, #tpu.memory_space<vmem>>, vector<1x16xi32>,
    %get3A_186 = vector.shape_cast %get3A_185 : vector<1x16xi32> to vector<16xi32>
    %shift_right_arithmetic3A_187 = arith.constant 1 : i32
    %shift_right_arithmetic3A_188 = vector.broadcast %shift_right_arithmetic3A_187 : i32 to vector<16xi32>
    %shift_right_arithmetic3A_189 = arith.shrsi %get3A_186, %shift_right_arithmetic3A_188 : vector<16xi32>
    %swap3A_190 = arith.constant 6 : i32
    %swap3A_191 = arith.index_cast %swap3A_190 : i32 to index
    %swap3A_192 = arith.constant 4 : index
    %swap3A_193 = tpu.vector_load %arg6[%swap3A_191, %swap3A_192] {strides = array<i32>} : memref<32x20xi32, #tpu.memory_space<vmem>>, vector<1x16xi32>,
    %swap3A_194 = vector.shape_cast %swap3A_193 : vector<1x16xi32> to vector<16xi32>
    %swap3A_195 = vector.shape_cast %shift_right_arithmetic3A_189 : vector<16xi32> to vector<1x16xi32>
    tpu.vector_store %arg6[%swap3A_191, %swap3A_192], %swap3A_195 {strides = array<i32>} : memref<32x20xi32, #tpu.memory_space<vmem>>, vector<1x16xi32>,
    %get3A_196 = arith.constant 7 : i32
    %get3A_197 = arith.index_cast %get3A_196 : i32 to index
    %get3A_198 = arith.constant 0 : index
    %get3A_199 = tpu.vector_load %arg5[%get3A_197, %get3A_198] {strides = array<i32>} : memref<32x20xi32, #tpu.memory_space<vmem>>, vector<1x16xi32>,
    %get3A_200 = vector.shape_cast %get3A_199 : vector<1x16xi32> to vector<16xi32>
    %shift_right_arithmetic3A_201 = arith.constant 1 : i32
    %shift_right_arithmetic3A_202 = vector.broadcast %shift_right_arithmetic3A_201 : i32 to vector<16xi32>
    %shift_right_arithmetic3A_203 = arith.shrsi %get3A_200, %shift_right_arithmetic3A_202 : vector<16xi32>
    %swap3A_204 = arith.constant 7 : i32
    %swap3A_205 = arith.index_cast %swap3A_204 : i32 to index
    %swap3A_206 = arith.constant 0 : index
    %swap3A_207 = tpu.vector_load %arg6[%swap3A_205, %swap3A_206] {strides = array<i32>} : memref<32x20xi32, #tpu.memory_space<vmem>>, vector<1x16xi32>,
    %swap3A_208 = vector.shape_cast %swap3A_207 : vector<1x16xi32> to vector<16xi32>
    %swap3A_209 = vector.shape_cast %shift_right_arithmetic3A_203 : vector<16xi32> to vector<1x16xi32>
    tpu.vector_store %arg6[%swap3A_205, %swap3A_206], %swap3A_209 {strides = array<i32>} : memref<32x20xi32, #tpu.memory_space<vmem>>, vector<1x16xi32>,
    %get3A_210 = arith.constant 7 : i32
    %get3A_211 = arith.index_cast %get3A_210 : i32 to index
    %get3A_212 = arith.constant 4 : index
    %get3A_213 = tpu.vector_load %arg5[%get3A_211, %get3A_212] {strides = array<i32>} : memref<32x20xi32, #tpu.memory_space<vmem>>, vector<1x16xi32>,
    %get3A_214 = vector.shape_cast %get3A_213 : vector<1x16xi32> to vector<16xi32>
    %shift_right_arithmetic3A_215 = arith.constant 1 : i32
    %shift_right_arithmetic3A_216 = vector.broadcast %shift_right_arithmetic3A_215 : i32 to vector<16xi32>
    %shift_right_arithmetic3A_217 = arith.shrsi %get3A_214, %shift_right_arithmetic3A_216 : vector<16xi32>
    %swap3A_218 = arith.constant 7 : i32
    %swap3A_219 = arith.index_cast %swap3A_218 : i32 to index
    %swap3A_220 = arith.constant 4 : index
    %swap3A_221 = tpu.vector_load %arg6[%swap3A_219, %swap3A_220] {strides = array<i32>} : memref<32x20xi32, #tpu.memory_space<vmem>>, vector<1x16xi32>,
    %swap3A_222 = vector.shape_cast %swap3A_221 : vector<1x16xi32> to vector<16xi32>
    %swap3A_223 = vector.shape_cast %shift_right_arithmetic3A_217 : vector<16xi32> to vector<1x16xi32>
    tpu.vector_store %arg6[%swap3A_219, %swap3A_220], %swap3A_223 {strides = array<i32>} : memref<32x20xi32, #tpu.memory_space<vmem>>, vector<1x16xi32>,
    %get3A_224 = arith.constant 8 : i32
    %get3A_225 = arith.index_cast %get3A_224 : i32 to index
    %get3A_226 = arith.constant 0 : index
    %get3A_227 = tpu.vector_load %arg5[%get3A_225, %get3A_226] {strides = array<i32>} : memref<32x20xi32, #tpu.memory_space<vmem>>, vector<1x16xi32>,
    %get3A_228 = vector.shape_cast %get3A_227 : vector<1x16xi32> to vector<16xi32>
    %shift_right_arithmetic3A_229 = arith.constant 1 : i32
    %shift_right_arithmetic3A_230 = vector.broadcast %shift_right_arithmetic3A_229 : i32 to vector<16xi32>
    %shift_right_arithmetic3A_231 = arith.shrsi %get3A_228, %shift_right_arithmetic3A_230 : vector<16xi32>
    %swap3A_232 = arith.constant 8 : i32
    %swap3A_233 = arith.index_cast %swap3A_232 : i32 to index
    %swap3A_234 = arith.constant 0 : index
    %swap3A_235 = tpu.vector_load %arg6[%swap3A_233, %swap3A_234] {strides = array<i32>} : memref<32x20xi32, #tpu.memory_space<vmem>>, vector<1x16xi32>,
    %swap3A_236 = vector.shape_cast %swap3A_235 : vector<1x16xi32> to vector<16xi32>
    %swap3A_237 = vector.shape_cast %shift_right_arithmetic3A_231 : vector<16xi32> to vector<1x16xi32>
    tpu.vector_store %arg6[%swap3A_233, %swap3A_234], %swap3A_237 {strides = array<i32>} : memref<32x20xi32, #tpu.memory_space<vmem>>, vector<1x16xi32>,
    %get3A_238 = arith.constant 8 : i32
    %get3A_239 = arith.index_cast %get3A_238 : i32 to index
    %get3A_240 = arith.constant 4 : index
    %get3A_241 = tpu.vector_load %arg5[%get3A_239, %get3A_240] {strides = array<i32>} : memref<32x20xi32, #tpu.memory_space<vmem>>, vector<1x16xi32>,
    %get3A_242 = vector.shape_cast %get3A_241 : vector<1x16xi32> to vector<16xi32>
    %shift_right_arithmetic3A_243 = arith.constant 1 : i32
    %shift_right_arithmetic3A_244 = vector.broadcast %shift_right_arithmetic3A_243 : i32 to vector<16xi32>
    %shift_right_arithmetic3A_245 = arith.shrsi %get3A_242, %shift_right_arithmetic3A_244 : vector<16xi32>
    %swap3A_246 = arith.constant 8 : i32
    %swap3A_247 = arith.index_cast %swap3A_246 : i32 to index
    %swap3A_248 = arith.constant 4 : index
    %swap3A_249 = tpu.vector_load %arg6[%swap3A_247, %swap3A_248] {strides = array<i32>} : memref<32x20xi32, #tpu.memory_space<vmem>>, vector<1x16xi32>,
    %swap3A_250 = vector.shape_cast %swap3A_249 : vector<1x16xi32> to vector<16xi32>
    %swap3A_251 = vector.shape_cast %shift_right_arithmetic3A_245 : vector<16xi32> to vector<1x16xi32>
    tpu.vector_store %arg6[%swap3A_247, %swap3A_248], %swap3A_251 {strides = array<i32>} : memref<32x20xi32, #tpu.memory_space<vmem>>, vector<1x16xi32>,
    %get3A_252 = arith.constant 9 : i32
    %get3A_253 = arith.index_cast %get3A_252 : i32 to index
    %get3A_254 = arith.constant 0 : index
    %get3A_255 = tpu.vector_load %arg5[%get3A_253, %get3A_254] {strides = array<i32>} : memref<32x20xi32, #tpu.memory_space<vmem>>, vector<1x16xi32>,
    %get3A_256 = vector.shape_cast %get3A_255 : vector<1x16xi32> to vector<16xi32>
    %shift_right_arithmetic3A_257 = arith.constant 1 : i32
    %shift_right_arithmetic3A_258 = vector.broadcast %shift_right_arithmetic3A_257 : i32 to vector<16xi32>
    %shift_right_arithmetic3A_259 = arith.shrsi %get3A_256, %shift_right_arithmetic3A_258 : vector<16xi32>
    %swap3A_260 = arith.constant 9 : i32
    %swap3A_261 = arith.index_cast %swap3A_260 : i32 to index
    %swap3A_262 = arith.constant 0 : index
    %swap3A_263 = tpu.vector_load %arg6[%swap3A_261, %swap3A_262] {strides = array<i32>} : memref<32x20xi32, #tpu.memory_space<vmem>>, vector<1x16xi32>,
    %swap3A_264 = vector.shape_cast %swap3A_263 : vector<1x16xi32> to vector<16xi32>
    %swap3A_265 = vector.shape_cast %shift_right_arithmetic3A_259 : vector<16xi32> to vector<1x16xi32>
    tpu.vector_store %arg6[%swap3A_261, %swap3A_262], %swap3A_265 {strides = array<i32>} : memref<32x20xi32, #tpu.memory_space<vmem>>, vector<1x16xi32>,
    %get3A_266 = arith.constant 9 : i32
    %get3A_267 = arith.index_cast %get3A_266 : i32 to index
    %get3A_268 = arith.constant 4 : index
    %get3A_269 = tpu.vector_load %arg5[%get3A_267, %get3A_268] {strides = array<i32>} : memref<32x20xi32, #tpu.memory_space<vmem>>, vector<1x16xi32>,
    %get3A_270 = vector.shape_cast %get3A_269 : vector<1x16xi32> to vector<16xi32>
    %shift_right_arithmetic3A_271 = arith.constant 1 : i32
    %shift_right_arithmetic3A_272 = vector.broadcast %shift_right_arithmetic3A_271 : i32 to vector<16xi32>
    %shift_right_arithmetic3A_273 = arith.shrsi %get3A_270, %shift_right_arithmetic3A_272 : vector<16xi32>
    %swap3A_274 = arith.constant 9 : i32
    %swap3A_275 = arith.index_cast %swap3A_274 : i32 to index
    %swap3A_276 = arith.constant 4 : index
    %swap3A_277 = tpu.vector_load %arg6[%swap3A_275, %swap3A_276] {strides = array<i32>} : memref<32x20xi32, #tpu.memory_space<vmem>>, vector<1x16xi32>,
    %swap3A_278 = vector.shape_cast %swap3A_277 : vector<1x16xi32> to vector<16xi32>
    %swap3A_279 = vector.shape_cast %shift_right_arithmetic3A_273 : vector<16xi32> to vector<1x16xi32>
    tpu.vector_store %arg6[%swap3A_275, %swap3A_276], %swap3A_279 {strides = array<i32>} : memref<32x20xi32, #tpu.memory_space<vmem>>, vector<1x16xi32>,
    %get3A_280 = arith.constant 10 : i32
    %get3A_281 = arith.index_cast %get3A_280 : i32 to index
    %get3A_282 = arith.constant 0 : index
    %get3A_283 = tpu.vector_load %arg5[%get3A_281, %get3A_282] {strides = array<i32>} : memref<32x20xi32, #tpu.memory_space<vmem>>, vector<1x16xi32>,
    %get3A_284 = vector.shape_cast %get3A_283 : vector<1x16xi32> to vector<16xi32>
    %shift_right_arithmetic3A_285 = arith.constant 1 : i32
    %shift_right_arithmetic3A_286 = vector.broadcast %shift_right_arithmetic3A_285 : i32 to vector<16xi32>
    %shift_right_arithmetic3A_287 = arith.shrsi %get3A_284, %shift_right_arithmetic3A_286 : vector<16xi32>
    %swap3A_288 = arith.constant 10 : i32
    %swap3A_289 = arith.index_cast %swap3A_288 : i32 to index
    %swap3A_290 = arith.constant 0 : index
    %swap3A_291 = tpu.vector_load %arg6[%swap3A_289, %swap3A_290] {strides = array<i32>} : memref<32x20xi32, #tpu.memory_space<vmem>>, vector<1x16xi32>,
    %swap3A_292 = vector.shape_cast %swap3A_291 : vector<1x16xi32> to vector<16xi32>
    %swap3A_293 = vector.shape_cast %shift_right_arithmetic3A_287 : vector<16xi32> to vector<1x16xi32>
    tpu.vector_store %arg6[%swap3A_289, %swap3A_290], %swap3A_293 {strides = array<i32>} : memref<32x20xi32, #tpu.memory_space<vmem>>, vector<1x16xi32>,
    %get3A_294 = arith.constant 10 : i32
    %get3A_295 = arith.index_cast %get3A_294 : i32 to index
    %get3A_296 = arith.constant 4 : index
    %get3A_297 = tpu.vector_load %arg5[%get3A_295, %get3A_296] {strides = array<i32>} : memref<32x20xi32, #tpu.memory_space<vmem>>, vector<1x16xi32>,
    %get3A_298 = vector.shape_cast %get3A_297 : vector<1x16xi32> to vector<16xi32>
    %shift_right_arithmetic3A_299 = arith.constant 1 : i32
    %shift_right_arithmetic3A_300 = vector.broadcast %shift_right_arithmetic3A_299 : i32 to vector<16xi32>
    %shift_right_arithmetic3A_301 = arith.shrsi %get3A_298, %shift_right_arithmetic3A_300 : vector<16xi32>
    %swap3A_302 = arith.constant 10 : i32
    %swap3A_303 = arith.index_cast %swap3A_302 : i32 to index
    %swap3A_304 = arith.constant 4 : index
    %swap3A_305 = tpu.vector_load %arg6[%swap3A_303, %swap3A_304] {strides = array<i32>} : memref<32x20xi32, #tpu.memory_space<vmem>>, vector<1x16xi32>,
    %swap3A_306 = vector.shape_cast %swap3A_305 : vector<1x16xi32> to vector<16xi32>
    %swap3A_307 = vector.shape_cast %shift_right_arithmetic3A_301 : vector<16xi32> to vector<1x16xi32>
    tpu.vector_store %arg6[%swap3A_303, %swap3A_304], %swap3A_307 {strides = array<i32>} : memref<32x20xi32, #tpu.memory_space<vmem>>, vector<1x16xi32>,
    %get3A_308 = arith.constant 11 : i32
    %get3A_309 = arith.index_cast %get3A_308 : i32 to index
    %get3A_310 = arith.constant 0 : index
    %get3A_311 = tpu.vector_load %arg5[%get3A_309, %get3A_310] {strides = array<i32>} : memref<32x20xi32, #tpu.memory_space<vmem>>, vector<1x16xi32>,
    %get3A_312 = vector.shape_cast %get3A_311 : vector<1x16xi32> to vector<16xi32>
    %shift_right_arithmetic3A_313 = arith.constant 1 : i32
    %shift_right_arithmetic3A_314 = vector.broadcast %shift_right_arithmetic3A_313 : i32 to vector<16xi32>
    %shift_right_arithmetic3A_315 = arith.shrsi %get3A_312, %shift_right_arithmetic3A_314 : vector<16xi32>
    %swap3A_316 = arith.constant 11 : i32
    %swap3A_317 = arith.index_cast %swap3A_316 : i32 to index
    %swap3A_318 = arith.constant 0 : index
    %swap3A_319 = tpu.vector_load %arg6[%swap3A_317, %swap3A_318] {strides = array<i32>} : memref<32x20xi32, #tpu.memory_space<vmem>>, vector<1x16xi32>,
    %swap3A_320 = vector.shape_cast %swap3A_319 : vector<1x16xi32> to vector<16xi32>
    %swap3A_321 = vector.shape_cast %shift_right_arithmetic3A_315 : vector<16xi32> to vector<1x16xi32>
    tpu.vector_store %arg6[%swap3A_317, %swap3A_318], %swap3A_321 {strides = array<i32>} : memref<32x20xi32, #tpu.memory_space<vmem>>, vector<1x16xi32>,
    %get3A_322 = arith.constant 11 : i32
    %get3A_323 = arith.index_cast %get3A_322 : i32 to index
    %get3A_324 = arith.constant 4 : index
    %get3A_325 = tpu.vector_load %arg5[%get3A_323, %get3A_324] {strides = array<i32>} : memref<32x20xi32, #tpu.memory_space<vmem>>, vector<1x16xi32>,
    %get3A_326 = vector.shape_cast %get3A_325 : vector<1x16xi32> to vector<16xi32>
    %shift_right_arithmetic3A_327 = arith.constant 1 : i32
    %shift_right_arithmetic3A_328 = vector.broadcast %shift_right_arithmetic3A_327 : i32 to vector<16xi32>
    %shift_right_arithmetic3A_329 = arith.shrsi %get3A_326, %shift_right_arithmetic3A_328 : vector<16xi32>
    %swap3A_330 = arith.constant 11 : i32
    %swap3A_331 = arith.index_cast %swap3A_330 : i32 to index
    %swap3A_332 = arith.constant 4 : index
    %swap3A_333 = tpu.vector_load %arg6[%swap3A_331, %swap3A_332] {strides = array<i32>} : memref<32x20xi32, #tpu.memory_space<vmem>>, vector<1x16xi32>,
    %swap3A_334 = vector.shape_cast %swap3A_333 : vector<1x16xi32> to vector<16xi32>
    %swap3A_335 = vector.shape_cast %shift_right_arithmetic3A_329 : vector<16xi32> to vector<1x16xi32>
    tpu.vector_store %arg6[%swap3A_331, %swap3A_332], %swap3A_335 {strides = array<i32>} : memref<32x20xi32, #tpu.memory_space<vmem>>, vector<1x16xi32>,
    %get3A_336 = arith.constant 12 : i32
    %get3A_337 = arith.index_cast %get3A_336 : i32 to index
    %get3A_338 = arith.constant 0 : index
    %get3A_339 = tpu.vector_load %arg5[%get3A_337, %get3A_338] {strides = array<i32>} : memref<32x20xi32, #tpu.memory_space<vmem>>, vector<1x16xi32>,
    %get3A_340 = vector.shape_cast %get3A_339 : vector<1x16xi32> to vector<16xi32>
    %shift_right_arithmetic3A_341 = arith.constant 1 : i32
    %shift_right_arithmetic3A_342 = vector.broadcast %shift_right_arithmetic3A_341 : i32 to vector<16xi32>
    %shift_right_arithmetic3A_343 = arith.shrsi %get3A_340, %shift_right_arithmetic3A_342 : vector<16xi32>
    %swap3A_344 = arith.constant 12 : i32
    %swap3A_345 = arith.index_cast %swap3A_344 : i32 to index
    %swap3A_346 = arith.constant 0 : index
    %swap3A_347 = tpu.vector_load %arg6[%swap3A_345, %swap3A_346] {strides = array<i32>} : memref<32x20xi32, #tpu.memory_space<vmem>>, vector<1x16xi32>,
    %swap3A_348 = vector.shape_cast %swap3A_347 : vector<1x16xi32> to vector<16xi32>
    %swap3A_349 = vector.shape_cast %shift_right_arithmetic3A_343 : vector<16xi32> to vector<1x16xi32>
    tpu.vector_store %arg6[%swap3A_345, %swap3A_346], %swap3A_349 {strides = array<i32>} : memref<32x20xi32, #tpu.memory_space<vmem>>, vector<1x16xi32>,
    %get3A_350 = arith.constant 12 : i32
    %get3A_351 = arith.index_cast %get3A_350 : i32 to index
    %get3A_352 = arith.constant 4 : index
    %get3A_353 = tpu.vector_load %arg5[%get3A_351, %get3A_352] {strides = array<i32>} : memref<32x20xi32, #tpu.memory_space<vmem>>, vector<1x16xi32>,
    %get3A_354 = vector.shape_cast %get3A_353 : vector<1x16xi32> to vector<16xi32>
    %shift_right_arithmetic3A_355 = arith.constant 1 : i32
    %shift_right_arithmetic3A_356 = vector.broadcast %shift_right_arithmetic3A_355 : i32 to vector<16xi32>
    %shift_right_arithmetic3A_357 = arith.shrsi %get3A_354, %shift_right_arithmetic3A_356 : vector<16xi32>
    %swap3A_358 = arith.constant 12 : i32
    %swap3A_359 = arith.index_cast %swap3A_358 : i32 to index
    %swap3A_360 = arith.constant 4 : index
    %swap3A_361 = tpu.vector_load %arg6[%swap3A_359, %swap3A_360] {strides = array<i32>} : memref<32x20xi32, #tpu.memory_space<vmem>>, vector<1x16xi32>,
    %swap3A_362 = vector.shape_cast %swap3A_361 : vector<1x16xi32> to vector<16xi32>
    %swap3A_363 = vector.shape_cast %shift_right_arithmetic3A_357 : vector<16xi32> to vector<1x16xi32>
    tpu.vector_store %arg6[%swap3A_359, %swap3A_360], %swap3A_363 {strides = array<i32>} : memref<32x20xi32, #tpu.memory_space<vmem>>, vector<1x16xi32>,
    %get3A_364 = arith.constant 13 : i32
    %get3A_365 = arith.index_cast %get3A_364 : i32 to index
    %get3A_366 = arith.constant 0 : index
    %get3A_367 = tpu.vector_load %arg5[%get3A_365, %get3A_366] {strides = array<i32>} : memref<32x20xi32, #tpu.memory_space<vmem>>, vector<1x16xi32>,
    %get3A_368 = vector.shape_cast %get3A_367 : vector<1x16xi32> to vector<16xi32>
    %shift_right_arithmetic3A_369 = arith.constant 1 : i32
    %shift_right_arithmetic3A_370 = vector.broadcast %shift_right_arithmetic3A_369 : i32 to vector<16xi32>
    %shift_right_arithmetic3A_371 = arith.shrsi %get3A_368, %shift_right_arithmetic3A_370 : vector<16xi32>
    %swap3A_372 = arith.constant 13 : i32
    %swap3A_373 = arith.index_cast %swap3A_372 : i32 to index
    %swap3A_374 = arith.constant 0 : index
    %swap3A_375 = tpu.vector_load %arg6[%swap3A_373, %swap3A_374] {strides = array<i32>} : memref<32x20xi32, #tpu.memory_space<vmem>>, vector<1x16xi32>,
    %swap3A_376 = vector.shape_cast %swap3A_375 : vector<1x16xi32> to vector<16xi32>
    %swap3A_377 = vector.shape_cast %shift_right_arithmetic3A_371 : vector<16xi32> to vector<1x16xi32>
    tpu.vector_store %arg6[%swap3A_373, %swap3A_374], %swap3A_377 {strides = array<i32>} : memref<32x20xi32, #tpu.memory_space<vmem>>, vector<1x16xi32>,
    %get3A_378 = arith.constant 13 : i32
    %get3A_379 = arith.index_cast %get3A_378 : i32 to index
    %get3A_380 = arith.constant 4 : index
    %get3A_381 = tpu.vector_load %arg5[%get3A_379, %get3A_380] {strides = array<i32>} : memref<32x20xi32, #tpu.memory_space<vmem>>, vector<1x16xi32>,
    %get3A_382 = vector.shape_cast %get3A_381 : vector<1x16xi32> to vector<16xi32>
    %shift_right_arithmetic3A_383 = arith.constant 1 : i32
    %shift_right_arithmetic3A_384 = vector.broadcast %shift_right_arithmetic3A_383 : i32 to vector<16xi32>
    %shift_right_arithmetic3A_385 = arith.shrsi %get3A_382, %shift_right_arithmetic3A_384 : vector<16xi32>
    %swap3A_386 = arith.constant 13 : i32
    %swap3A_387 = arith.index_cast %swap3A_386 : i32 to index
    %swap3A_388 = arith.constant 4 : index
    %swap3A_389 = tpu.vector_load %arg6[%swap3A_387, %swap3A_388] {strides = array<i32>} : memref<32x20xi32, #tpu.memory_space<vmem>>, vector<1x16xi32>,
    %swap3A_390 = vector.shape_cast %swap3A_389 : vector<1x16xi32> to vector<16xi32>
    %swap3A_391 = vector.shape_cast %shift_right_arithmetic3A_385 : vector<16xi32> to vector<1x16xi32>
    tpu.vector_store %arg6[%swap3A_387, %swap3A_388], %swap3A_391 {strides = array<i32>} : memref<32x20xi32, #tpu.memory_space<vmem>>, vector<1x16xi32>,
    %get3A_392 = arith.constant 14 : i32
    %get3A_393 = arith.index_cast %get3A_392 : i32 to index
    %get3A_394 = arith.constant 0 : index
    %get3A_395 = tpu.vector_load %arg5[%get3A_393, %get3A_394] {strides = array<i32>} : memref<32x20xi32, #tpu.memory_space<vmem>>, vector<1x16xi32>,
    %get3A_396 = vector.shape_cast %get3A_395 : vector<1x16xi32> to vector<16xi32>
    %shift_right_arithmetic3A_397 = arith.constant 1 : i32
    %shift_right_arithmetic3A_398 = vector.broadcast %shift_right_arithmetic3A_397 : i32 to vector<16xi32>
    %shift_right_arithmetic3A_399 = arith.shrsi %get3A_396, %shift_right_arithmetic3A_398 : vector<16xi32>
    %swap3A_400 = arith.constant 14 : i32
    %swap3A_401 = arith.index_cast %swap3A_400 : i32 to index
    %swap3A_402 = arith.constant 0 : index
    %swap3A_403 = tpu.vector_load %arg6[%swap3A_401, %swap3A_402] {strides = array<i32>} : memref<32x20xi32, #tpu.memory_space<vmem>>, vector<1x16xi32>,
    %swap3A_404 = vector.shape_cast %swap3A_403 : vector<1x16xi32> to vector<16xi32>
    %swap3A_405 = vector.shape_cast %shift_right_arithmetic3A_399 : vector<16xi32> to vector<1x16xi32>
    tpu.vector_store %arg6[%swap3A_401, %swap3A_402], %swap3A_405 {strides = array<i32>} : memref<32x20xi32, #tpu.memory_space<vmem>>, vector<1x16xi32>,
    %get3A_406 = arith.constant 14 : i32
    %get3A_407 = arith.index_cast %get3A_406 : i32 to index
    %get3A_408 = arith.constant 4 : index
    %get3A_409 = tpu.vector_load %arg5[%get3A_407, %get3A_408] {strides = array<i32>} : memref<32x20xi32, #tpu.memory_space<vmem>>, vector<1x16xi32>,
    %get3A_410 = vector.shape_cast %get3A_409 : vector<1x16xi32> to vector<16xi32>
    %shift_right_arithmetic3A_411 = arith.constant 1 : i32
    %shift_right_arithmetic3A_412 = vector.broadcast %shift_right_arithmetic3A_411 : i32 to vector<16xi32>
    %shift_right_arithmetic3A_413 = arith.shrsi %get3A_410, %shift_right_arithmetic3A_412 : vector<16xi32>
    %swap3A_414 = arith.constant 14 : i32
    %swap3A_415 = arith.index_cast %swap3A_414 : i32 to index
    %swap3A_416 = arith.constant 4 : index
    %swap3A_417 = tpu.vector_load %arg6[%swap3A_415, %swap3A_416] {strides = array<i32>} : memref<32x20xi32, #tpu.memory_space<vmem>>, vector<1x16xi32>,
    %swap3A_418 = vector.shape_cast %swap3A_417 : vector<1x16xi32> to vector<16xi32>
    %swap3A_419 = vector.shape_cast %shift_right_arithmetic3A_413 : vector<16xi32> to vector<1x16xi32>
    tpu.vector_store %arg6[%swap3A_415, %swap3A_416], %swap3A_419 {strides = array<i32>} : memref<32x20xi32, #tpu.memory_space<vmem>>, vector<1x16xi32>,
    %get3A_420 = arith.constant 15 : i32
    %get3A_421 = arith.index_cast %get3A_420 : i32 to index
    %get3A_422 = arith.constant 0 : index
    %get3A_423 = tpu.vector_load %arg5[%get3A_421, %get3A_422] {strides = array<i32>} : memref<32x20xi32, #tpu.memory_space<vmem>>, vector<1x16xi32>,
    %get3A_424 = vector.shape_cast %get3A_423 : vector<1x16xi32> to vector<16xi32>
    %shift_right_arithmetic3A_425 = arith.constant 1 : i32
    %shift_right_arithmetic3A_426 = vector.broadcast %shift_right_arithmetic3A_425 : i32 to vector<16xi32>
    %shift_right_arithmetic3A_427 = arith.shrsi %get3A_424, %shift_right_arithmetic3A_426 : vector<16xi32>
    %swap3A_428 = arith.constant 15 : i32
    %swap3A_429 = arith.index_cast %swap3A_428 : i32 to index
    %swap3A_430 = arith.constant 0 : index
    %swap3A_431 = tpu.vector_load %arg6[%swap3A_429, %swap3A_430] {strides = array<i32>} : memref<32x20xi32, #tpu.memory_space<vmem>>, vector<1x16xi32>,
    %swap3A_432 = vector.shape_cast %swap3A_431 : vector<1x16xi32> to vector<16xi32>
    %swap3A_433 = vector.shape_cast %shift_right_arithmetic3A_427 : vector<16xi32> to vector<1x16xi32>
    tpu.vector_store %arg6[%swap3A_429, %swap3A_430], %swap3A_433 {strides = array<i32>} : memref<32x20xi32, #tpu.memory_space<vmem>>, vector<1x16xi32>,
    %get3A_434 = arith.constant 15 : i32
    %get3A_435 = arith.index_cast %get3A_434 : i32 to index
    %get3A_436 = arith.constant 4 : index
    %get3A_437 = tpu.vector_load %arg5[%get3A_435, %get3A_436] {strides = array<i32>} : memref<32x20xi32, #tpu.memory_space<vmem>>, vector<1x16xi32>,
    %get3A_438 = vector.shape_cast %get3A_437 : vector<1x16xi32> to vector<16xi32>
    %shift_right_arithmetic3A_439 = arith.constant 1 : i32
    %shift_right_arithmetic3A_440 = vector.broadcast %shift_right_arithmetic3A_439 : i32 to vector<16xi32>
    %shift_right_arithmetic3A_441 = arith.shrsi %get3A_438, %shift_right_arithmetic3A_440 : vector<16xi32>
    %swap3A_442 = arith.constant 15 : i32
    %swap3A_443 = arith.index_cast %swap3A_442 : i32 to index
    %swap3A_444 = arith.constant 4 : index
    %swap3A_445 = tpu.vector_load %arg6[%swap3A_443, %swap3A_444] {strides = array<i32>} : memref<32x20xi32, #tpu.memory_space<vmem>>, vector<1x16xi32>,
    %swap3A_446 = vector.shape_cast %swap3A_445 : vector<1x16xi32> to vector<16xi32>
    %swap3A_447 = vector.shape_cast %shift_right_arithmetic3A_441 : vector<16xi32> to vector<1x16xi32>
    tpu.vector_store %arg6[%swap3A_443, %swap3A_444], %swap3A_447 {strides = array<i32>} : memref<32x20xi32, #tpu.memory_space<vmem>>, vector<1x16xi32>,
    %get3A_448 = arith.constant 16 : i32
    %get3A_449 = arith.index_cast %get3A_448 : i32 to index
    %get3A_450 = arith.constant 0 : index
    %get3A_451 = tpu.vector_load %arg5[%get3A_449, %get3A_450] {strides = array<i32>} : memref<32x20xi32, #tpu.memory_space<vmem>>, vector<1x16xi32>,
    %get3A_452 = vector.shape_cast %get3A_451 : vector<1x16xi32> to vector<16xi32>
    %shift_right_arithmetic3A_453 = arith.constant 1 : i32
    %shift_right_arithmetic3A_454 = vector.broadcast %shift_right_arithmetic3A_453 : i32 to vector<16xi32>
    %shift_right_arithmetic3A_455 = arith.shrsi %get3A_452, %shift_right_arithmetic3A_454 : vector<16xi32>
    %swap3A_456 = arith.constant 16 : i32
    %swap3A_457 = arith.index_cast %swap3A_456 : i32 to index
    %swap3A_458 = arith.constant 0 : index
    %swap3A_459 = tpu.vector_load %arg6[%swap3A_457, %swap3A_458] {strides = array<i32>} : memref<32x20xi32, #tpu.memory_space<vmem>>, vector<1x16xi32>,
    %swap3A_460 = vector.shape_cast %swap3A_459 : vector<1x16xi32> to vector<16xi32>
    %swap3A_461 = vector.shape_cast %shift_right_arithmetic3A_455 : vector<16xi32> to vector<1x16xi32>
    tpu.vector_store %arg6[%swap3A_457, %swap3A_458], %swap3A_461 {strides = array<i32>} : memref<32x20xi32, #tpu.memory_space<vmem>>, vector<1x16xi32>,
    %get3A_462 = arith.constant 16 : i32
    %get3A_463 = arith.index_cast %get3A_462 : i32 to index
    %get3A_464 = arith.constant 4 : index
    %get3A_465 = tpu.vector_load %arg5[%get3A_463, %get3A_464] {strides = array<i32>} : memref<32x20xi32, #tpu.memory_space<vmem>>, vector<1x16xi32>,
    %get3A_466 = vector.shape_cast %get3A_465 : vector<1x16xi32> to vector<16xi32>
    %shift_right_arithmetic3A_467 = arith.constant 1 : i32
    %shift_right_arithmetic3A_468 = vector.broadcast %shift_right_arithmetic3A_467 : i32 to vector<16xi32>
    %shift_right_arithmetic3A_469 = arith.shrsi %get3A_466, %shift_right_arithmetic3A_468 : vector<16xi32>
    %swap3A_470 = arith.constant 16 : i32
    %swap3A_471 = arith.index_cast %swap3A_470 : i32 to index
    %swap3A_472 = arith.constant 4 : index
    %swap3A_473 = tpu.vector_load %arg6[%swap3A_471, %swap3A_472] {strides = array<i32>} : memref<32x20xi32, #tpu.memory_space<vmem>>, vector<1x16xi32>,
    %swap3A_474 = vector.shape_cast %swap3A_473 : vector<1x16xi32> to vector<16xi32>
    %swap3A_475 = vector.shape_cast %shift_right_arithmetic3A_469 : vector<16xi32> to vector<1x16xi32>
    tpu.vector_store %arg6[%swap3A_471, %swap3A_472], %swap3A_475 {strides = array<i32>} : memref<32x20xi32, #tpu.memory_space<vmem>>, vector<1x16xi32>,
    %get3A_476 = arith.constant 17 : i32
    %get3A_477 = arith.index_cast %get3A_476 : i32 to index
    %get3A_478 = arith.constant 0 : index
    %get3A_479 = tpu.vector_load %arg5[%get3A_477, %get3A_478] {strides = array<i32>} : memref<32x20xi32, #tpu.memory_space<vmem>>, vector<1x16xi32>,
    %get3A_480 = vector.shape_cast %get3A_479 : vector<1x16xi32> to vector<16xi32>
    %shift_right_arithmetic3A_481 = arith.constant 1 : i32
    %shift_right_arithmetic3A_482 = vector.broadcast %shift_right_arithmetic3A_481 : i32 to vector<16xi32>
    %shift_right_arithmetic3A_483 = arith.shrsi %get3A_480, %shift_right_arithmetic3A_482 : vector<16xi32>
    %swap3A_484 = arith.constant 17 : i32
    %swap3A_485 = arith.index_cast %swap3A_484 : i32 to index
    %swap3A_486 = arith.constant 0 : index
    %swap3A_487 = tpu.vector_load %arg6[%swap3A_485, %swap3A_486] {strides = array<i32>} : memref<32x20xi32, #tpu.memory_space<vmem>>, vector<1x16xi32>,
    %swap3A_488 = vector.shape_cast %swap3A_487 : vector<1x16xi32> to vector<16xi32>
    %swap3A_489 = vector.shape_cast %shift_right_arithmetic3A_483 : vector<16xi32> to vector<1x16xi32>
    tpu.vector_store %arg6[%swap3A_485, %swap3A_486], %swap3A_489 {strides = array<i32>} : memref<32x20xi32, #tpu.memory_space<vmem>>, vector<1x16xi32>,
    %get3A_490 = arith.constant 17 : i32
    %get3A_491 = arith.index_cast %get3A_490 : i32 to index
    %get3A_492 = arith.constant 4 : index
    %get3A_493 = tpu.vector_load %arg5[%get3A_491, %get3A_492] {strides = array<i32>} : memref<32x20xi32, #tpu.memory_space<vmem>>, vector<1x16xi32>,
    %get3A_494 = vector.shape_cast %get3A_493 : vector<1x16xi32> to vector<16xi32>
    %shift_right_arithmetic3A_495 = arith.constant 1 : i32
    %shift_right_arithmetic3A_496 = vector.broadcast %shift_right_arithmetic3A_495 : i32 to vector<16xi32>
    %shift_right_arithmetic3A_497 = arith.shrsi %get3A_494, %shift_right_arithmetic3A_496 : vector<16xi32>
    %swap3A_498 = arith.constant 17 : i32
    %swap3A_499 = arith.index_cast %swap3A_498 : i32 to index
    %swap3A_500 = arith.constant 4 : index
    %swap3A_501 = tpu.vector_load %arg6[%swap3A_499, %swap3A_500] {strides = array<i32>} : memref<32x20xi32, #tpu.memory_space<vmem>>, vector<1x16xi32>,
    %swap3A_502 = vector.shape_cast %swap3A_501 : vector<1x16xi32> to vector<16xi32>
    %swap3A_503 = vector.shape_cast %shift_right_arithmetic3A_497 : vector<16xi32> to vector<1x16xi32>
    tpu.vector_store %arg6[%swap3A_499, %swap3A_500], %swap3A_503 {strides = array<i32>} : memref<32x20xi32, #tpu.memory_space<vmem>>, vector<1x16xi32>,
    %get3A_504 = arith.constant 18 : i32
    %get3A_505 = arith.index_cast %get3A_504 : i32 to index
    %get3A_506 = arith.constant 0 : index
    %get3A_507 = tpu.vector_load %arg5[%get3A_505, %get3A_506] {strides = array<i32>} : memref<32x20xi32, #tpu.memory_space<vmem>>, vector<1x16xi32>,
    %get3A_508 = vector.shape_cast %get3A_507 : vector<1x16xi32> to vector<16xi32>
    %shift_right_arithmetic3A_509 = arith.constant 1 : i32
    %shift_right_arithmetic3A_510 = vector.broadcast %shift_right_arithmetic3A_509 : i32 to vector<16xi32>
    %shift_right_arithmetic3A_511 = arith.shrsi %get3A_508, %shift_right_arithmetic3A_510 : vector<16xi32>
    %swap3A_512 = arith.constant 18 : i32
    %swap3A_513 = arith.index_cast %swap3A_512 : i32 to index
    %swap3A_514 = arith.constant 0 : index
    %swap3A_515 = tpu.vector_load %arg6[%swap3A_513, %swap3A_514] {strides = array<i32>} : memref<32x20xi32, #tpu.memory_space<vmem>>, vector<1x16xi32>,
    %swap3A_516 = vector.shape_cast %swap3A_515 : vector<1x16xi32> to vector<16xi32>
    %swap3A_517 = vector.shape_cast %shift_right_arithmetic3A_511 : vector<16xi32> to vector<1x16xi32>
    tpu.vector_store %arg6[%swap3A_513, %swap3A_514], %swap3A_517 {strides = array<i32>} : memref<32x20xi32, #tpu.memory_space<vmem>>, vector<1x16xi32>,
    %get3A_518 = arith.constant 18 : i32
    %get3A_519 = arith.index_cast %get3A_518 : i32 to index
    %get3A_520 = arith.constant 4 : index
    %get3A_521 = tpu.vector_load %arg5[%get3A_519, %get3A_520] {strides = array<i32>} : memref<32x20xi32, #tpu.memory_space<vmem>>, vector<1x16xi32>,
    %get3A_522 = vector.shape_cast %get3A_521 : vector<1x16xi32> to vector<16xi32>
    %shift_right_arithmetic3A_523 = arith.constant 1 : i32
    %shift_right_arithmetic3A_524 = vector.broadcast %shift_right_arithmetic3A_523 : i32 to vector<16xi32>
    %shift_right_arithmetic3A_525 = arith.shrsi %get3A_522, %shift_right_arithmetic3A_524 : vector<16xi32>
    %swap3A_526 = arith.constant 18 : i32
    %swap3A_527 = arith.index_cast %swap3A_526 : i32 to index
    %swap3A_528 = arith.constant 4 : index
    %swap3A_529 = tpu.vector_load %arg6[%swap3A_527, %swap3A_528] {strides = array<i32>} : memref<32x20xi32, #tpu.memory_space<vmem>>, vector<1x16xi32>,
    %swap3A_530 = vector.shape_cast %swap3A_529 : vector<1x16xi32> to vector<16xi32>
    %swap3A_531 = vector.shape_cast %shift_right_arithmetic3A_525 : vector<16xi32> to vector<1x16xi32>
    tpu.vector_store %arg6[%swap3A_527, %swap3A_528], %swap3A_531 {strides = array<i32>} : memref<32x20xi32, #tpu.memory_space<vmem>>, vector<1x16xi32>,
    %get3A_532 = arith.constant 19 : i32
    %get3A_533 = arith.index_cast %get3A_532 : i32 to index
    %get3A_534 = arith.constant 0 : index
    %get3A_535 = tpu.vector_load %arg5[%get3A_533, %get3A_534] {strides = array<i32>} : memref<32x20xi32, #tpu.memory_space<vmem>>, vector<1x16xi32>,
    %get3A_536 = vector.shape_cast %get3A_535 : vector<1x16xi32> to vector<16xi32>
    %shift_right_arithmetic3A_537 = arith.constant 1 : i32
    %shift_right_arithmetic3A_538 = vector.broadcast %shift_right_arithmetic3A_537 : i32 to vector<16xi32>
    %shift_right_arithmetic3A_539 = arith.shrsi %get3A_536, %shift_right_arithmetic3A_538 : vector<16xi32>
    %swap3A_540 = arith.constant 19 : i32
    %swap3A_541 = arith.index_cast %swap3A_540 : i32 to index
    %swap3A_542 = arith.constant 0 : index
    %swap3A_543 = tpu.vector_load %arg6[%swap3A_541, %swap3A_542] {strides = array<i32>} : memref<32x20xi32, #tpu.memory_space<vmem>>, vector<1x16xi32>,
    %swap3A_544 = vector.shape_cast %swap3A_543 : vector<1x16xi32> to vector<16xi32>
    %swap3A_545 = vector.shape_cast %shift_right_arithmetic3A_539 : vector<16xi32> to vector<1x16xi32>
    tpu.vector_store %arg6[%swap3A_541, %swap3A_542], %swap3A_545 {strides = array<i32>} : memref<32x20xi32, #tpu.memory_space<vmem>>, vector<1x16xi32>,
    %get3A_546 = arith.constant 19 : i32
    %get3A_547 = arith.index_cast %get3A_546 : i32 to index
    %get3A_548 = arith.constant 4 : index
    %get3A_549 = tpu.vector_load %arg5[%get3A_547, %get3A_548] {strides = array<i32>} : memref<32x20xi32, #tpu.memory_space<vmem>>, vector<1x16xi32>,
    %get3A_550 = vector.shape_cast %get3A_549 : vector<1x16xi32> to vector<16xi32>
    %shift_right_arithmetic3A_551 = arith.constant 1 : i32
    %shift_right_arithmetic3A_552 = vector.broadcast %shift_right_arithmetic3A_551 : i32 to vector<16xi32>
    %shift_right_arithmetic3A_553 = arith.shrsi %get3A_550, %shift_right_arithmetic3A_552 : vector<16xi32>
    %swap3A_554 = arith.constant 19 : i32
    %swap3A_555 = arith.index_cast %swap3A_554 : i32 to index
    %swap3A_556 = arith.constant 4 : index
    %swap3A_557 = tpu.vector_load %arg6[%swap3A_555, %swap3A_556] {strides = array<i32>} : memref<32x20xi32, #tpu.memory_space<vmem>>, vector<1x16xi32>,
    %swap3A_558 = vector.shape_cast %swap3A_557 : vector<1x16xi32> to vector<16xi32>
    %swap3A_559 = vector.shape_cast %shift_right_arithmetic3A_553 : vector<16xi32> to vector<1x16xi32>
    tpu.vector_store %arg6[%swap3A_555, %swap3A_556], %swap3A_559 {strides = array<i32>} : memref<32x20xi32, #tpu.memory_space<vmem>>, vector<1x16xi32>,
    %get3A_560 = arith.constant 20 : i32
    %get3A_561 = arith.index_cast %get3A_560 : i32 to index
    %get3A_562 = arith.constant 0 : index
    %get3A_563 = tpu.vector_load %arg5[%get3A_561, %get3A_562] {strides = array<i32>} : memref<32x20xi32, #tpu.memory_space<vmem>>, vector<1x16xi32>,
    %get3A_564 = vector.shape_cast %get3A_563 : vector<1x16xi32> to vector<16xi32>
    %shift_right_arithmetic3A_565 = arith.constant 1 : i32
    %shift_right_arithmetic3A_566 = vector.broadcast %shift_right_arithmetic3A_565 : i32 to vector<16xi32>
    %shift_right_arithmetic3A_567 = arith.shrsi %get3A_564, %shift_right_arithmetic3A_566 : vector<16xi32>
    %swap3A_568 = arith.constant 20 : i32
    %swap3A_569 = arith.index_cast %swap3A_568 : i32 to index
    %swap3A_570 = arith.constant 0 : index
    %swap3A_571 = tpu.vector_load %arg6[%swap3A_569, %swap3A_570] {strides = array<i32>} : memref<32x20xi32, #tpu.memory_space<vmem>>, vector<1x16xi32>,
    %swap3A_572 = vector.shape_cast %swap3A_571 : vector<1x16xi32> to vector<16xi32>
    %swap3A_573 = vector.shape_cast %shift_right_arithmetic3A_567 : vector<16xi32> to vector<1x16xi32>
    tpu.vector_store %arg6[%swap3A_569, %swap3A_570], %swap3A_573 {strides = array<i32>} : memref<32x20xi32, #tpu.memory_space<vmem>>, vector<1x16xi32>,
    %get3A_574 = arith.constant 20 : i32
    %get3A_575 = arith.index_cast %get3A_574 : i32 to index
    %get3A_576 = arith.constant 4 : index
    %get3A_577 = tpu.vector_load %arg5[%get3A_575, %get3A_576] {strides = array<i32>} : memref<32x20xi32, #tpu.memory_space<vmem>>, vector<1x16xi32>,
    %get3A_578 = vector.shape_cast %get3A_577 : vector<1x16xi32> to vector<16xi32>
    %shift_right_arithmetic3A_579 = arith.constant 1 : i32
    %shift_right_arithmetic3A_580 = vector.broadcast %shift_right_arithmetic3A_579 : i32 to vector<16xi32>
    %shift_right_arithmetic3A_581 = arith.shrsi %get3A_578, %shift_right_arithmetic3A_580 : vector<16xi32>
    %swap3A_582 = arith.constant 20 : i32
    %swap3A_583 = arith.index_cast %swap3A_582 : i32 to index
    %swap3A_584 = arith.constant 4 : index
    %swap3A_585 = tpu.vector_load %arg6[%swap3A_583, %swap3A_584] {strides = array<i32>} : memref<32x20xi32, #tpu.memory_space<vmem>>, vector<1x16xi32>,
    %swap3A_586 = vector.shape_cast %swap3A_585 : vector<1x16xi32> to vector<16xi32>
    %swap3A_587 = vector.shape_cast %shift_right_arithmetic3A_581 : vector<16xi32> to vector<1x16xi32>
    tpu.vector_store %arg6[%swap3A_583, %swap3A_584], %swap3A_587 {strides = array<i32>} : memref<32x20xi32, #tpu.memory_space<vmem>>, vector<1x16xi32>,
    %get3A_588 = arith.constant 21 : i32
    %get3A_589 = arith.index_cast %get3A_588 : i32 to index
    %get3A_590 = arith.constant 0 : index
    %get3A_591 = tpu.vector_load %arg5[%get3A_589, %get3A_590] {strides = array<i32>} : memref<32x20xi32, #tpu.memory_space<vmem>>, vector<1x16xi32>,
    %get3A_592 = vector.shape_cast %get3A_591 : vector<1x16xi32> to vector<16xi32>
    %shift_right_arithmetic3A_593 = arith.constant 1 : i32
    %shift_right_arithmetic3A_594 = vector.broadcast %shift_right_arithmetic3A_593 : i32 to vector<16xi32>
    %shift_right_arithmetic3A_595 = arith.shrsi %get3A_592, %shift_right_arithmetic3A_594 : vector<16xi32>
    %swap3A_596 = arith.constant 21 : i32
    %swap3A_597 = arith.index_cast %swap3A_596 : i32 to index
    %swap3A_598 = arith.constant 0 : index
    %swap3A_599 = tpu.vector_load %arg6[%swap3A_597, %swap3A_598] {strides = array<i32>} : memref<32x20xi32, #tpu.memory_space<vmem>>, vector<1x16xi32>,
    %swap3A_600 = vector.shape_cast %swap3A_599 : vector<1x16xi32> to vector<16xi32>
    %swap3A_601 = vector.shape_cast %shift_right_arithmetic3A_595 : vector<16xi32> to vector<1x16xi32>
    tpu.vector_store %arg6[%swap3A_597, %swap3A_598], %swap3A_601 {strides = array<i32>} : memref<32x20xi32, #tpu.memory_space<vmem>>, vector<1x16xi32>,
    %get3A_602 = arith.constant 21 : i32
    %get3A_603 = arith.index_cast %get3A_602 : i32 to index
    %get3A_604 = arith.constant 4 : index
    %get3A_605 = tpu.vector_load %arg5[%get3A_603, %get3A_604] {strides = array<i32>} : memref<32x20xi32, #tpu.memory_space<vmem>>, vector<1x16xi32>,
    %get3A_606 = vector.shape_cast %get3A_605 : vector<1x16xi32> to vector<16xi32>
    %shift_right_arithmetic3A_607 = arith.constant 1 : i32
    %shift_right_arithmetic3A_608 = vector.broadcast %shift_right_arithmetic3A_607 : i32 to vector<16xi32>
    %shift_right_arithmetic3A_609 = arith.shrsi %get3A_606, %shift_right_arithmetic3A_608 : vector<16xi32>
    %swap3A_610 = arith.constant 21 : i32
    %swap3A_611 = arith.index_cast %swap3A_610 : i32 to index
    %swap3A_612 = arith.constant 4 : index
    %swap3A_613 = tpu.vector_load %arg6[%swap3A_611, %swap3A_612] {strides = array<i32>} : memref<32x20xi32, #tpu.memory_space<vmem>>, vector<1x16xi32>,
    %swap3A_614 = vector.shape_cast %swap3A_613 : vector<1x16xi32> to vector<16xi32>
    %swap3A_615 = vector.shape_cast %shift_right_arithmetic3A_609 : vector<16xi32> to vector<1x16xi32>
    tpu.vector_store %arg6[%swap3A_611, %swap3A_612], %swap3A_615 {strides = array<i32>} : memref<32x20xi32, #tpu.memory_space<vmem>>, vector<1x16xi32>,
    %get3A_616 = arith.constant 22 : i32
    %get3A_617 = arith.index_cast %get3A_616 : i32 to index
    %get3A_618 = arith.constant 0 : index
    %get3A_619 = tpu.vector_load %arg5[%get3A_617, %get3A_618] {strides = array<i32>} : memref<32x20xi32, #tpu.memory_space<vmem>>, vector<1x16xi32>,
    %get3A_620 = vector.shape_cast %get3A_619 : vector<1x16xi32> to vector<16xi32>
    %shift_right_arithmetic3A_621 = arith.constant 1 : i32
    %shift_right_arithmetic3A_622 = vector.broadcast %shift_right_arithmetic3A_621 : i32 to vector<16xi32>
    %shift_right_arithmetic3A_623 = arith.shrsi %get3A_620, %shift_right_arithmetic3A_622 : vector<16xi32>
    %swap3A_624 = arith.constant 22 : i32
    %swap3A_625 = arith.index_cast %swap3A_624 : i32 to index
    %swap3A_626 = arith.constant 0 : index
    %swap3A_627 = tpu.vector_load %arg6[%swap3A_625, %swap3A_626] {strides = array<i32>} : memref<32x20xi32, #tpu.memory_space<vmem>>, vector<1x16xi32>,
    %swap3A_628 = vector.shape_cast %swap3A_627 : vector<1x16xi32> to vector<16xi32>
    %swap3A_629 = vector.shape_cast %shift_right_arithmetic3A_623 : vector<16xi32> to vector<1x16xi32>
    tpu.vector_store %arg6[%swap3A_625, %swap3A_626], %swap3A_629 {strides = array<i32>} : memref<32x20xi32, #tpu.memory_space<vmem>>, vector<1x16xi32>,
    %get3A_630 = arith.constant 22 : i32
    %get3A_631 = arith.index_cast %get3A_630 : i32 to index
    %get3A_632 = arith.constant 4 : index
    %get3A_633 = tpu.vector_load %arg5[%get3A_631, %get3A_632] {strides = array<i32>} : memref<32x20xi32, #tpu.memory_space<vmem>>, vector<1x16xi32>,
    %get3A_634 = vector.shape_cast %get3A_633 : vector<1x16xi32> to vector<16xi32>
    %shift_right_arithmetic3A_635 = arith.constant 1 : i32
    %shift_right_arithmetic3A_636 = vector.broadcast %shift_right_arithmetic3A_635 : i32 to vector<16xi32>
    %shift_right_arithmetic3A_637 = arith.shrsi %get3A_634, %shift_right_arithmetic3A_636 : vector<16xi32>
    %swap3A_638 = arith.constant 22 : i32
    %swap3A_639 = arith.index_cast %swap3A_638 : i32 to index
    %swap3A_640 = arith.constant 4 : index
    %swap3A_641 = tpu.vector_load %arg6[%swap3A_639, %swap3A_640] {strides = array<i32>} : memref<32x20xi32, #tpu.memory_space<vmem>>, vector<1x16xi32>,
    %swap3A_642 = vector.shape_cast %swap3A_641 : vector<1x16xi32> to vector<16xi32>
    %swap3A_643 = vector.shape_cast %shift_right_arithmetic3A_637 : vector<16xi32> to vector<1x16xi32>
    tpu.vector_store %arg6[%swap3A_639, %swap3A_640], %swap3A_643 {strides = array<i32>} : memref<32x20xi32, #tpu.memory_space<vmem>>, vector<1x16xi32>,
    %get3A_644 = arith.constant 23 : i32
    %get3A_645 = arith.index_cast %get3A_644 : i32 to index
    %get3A_646 = arith.constant 0 : index
    %get3A_647 = tpu.vector_load %arg5[%get3A_645, %get3A_646] {strides = array<i32>} : memref<32x20xi32, #tpu.memory_space<vmem>>, vector<1x16xi32>,
    %get3A_648 = vector.shape_cast %get3A_647 : vector<1x16xi32> to vector<16xi32>
    %shift_right_arithmetic3A_649 = arith.constant 1 : i32
    %shift_right_arithmetic3A_650 = vector.broadcast %shift_right_arithmetic3A_649 : i32 to vector<16xi32>
    %shift_right_arithmetic3A_651 = arith.shrsi %get3A_648, %shift_right_arithmetic3A_650 : vector<16xi32>
    %swap3A_652 = arith.constant 23 : i32
    %swap3A_653 = arith.index_cast %swap3A_652 : i32 to index
    %swap3A_654 = arith.constant 0 : index
    %swap3A_655 = tpu.vector_load %arg6[%swap3A_653, %swap3A_654] {strides = array<i32>} : memref<32x20xi32, #tpu.memory_space<vmem>>, vector<1x16xi32>,
    %swap3A_656 = vector.shape_cast %swap3A_655 : vector<1x16xi32> to vector<16xi32>
    %swap3A_657 = vector.shape_cast %shift_right_arithmetic3A_651 : vector<16xi32> to vector<1x16xi32>
    tpu.vector_store %arg6[%swap3A_653, %swap3A_654], %swap3A_657 {strides = array<i32>} : memref<32x20xi32, #tpu.memory_space<vmem>>, vector<1x16xi32>,
    %get3A_658 = arith.constant 23 : i32
    %get3A_659 = arith.index_cast %get3A_658 : i32 to index
    %get3A_660 = arith.constant 4 : index
    %get3A_661 = tpu.vector_load %arg5[%get3A_659, %get3A_660] {strides = array<i32>} : memref<32x20xi32, #tpu.memory_space<vmem>>, vector<1x16xi32>,
    %get3A_662 = vector.shape_cast %get3A_661 : vector<1x16xi32> to vector<16xi32>
    %shift_right_arithmetic3A_663 = arith.constant 1 : i32
    %shift_right_arithmetic3A_664 = vector.broadcast %shift_right_arithmetic3A_663 : i32 to vector<16xi32>
    %shift_right_arithmetic3A_665 = arith.shrsi %get3A_662, %shift_right_arithmetic3A_664 : vector<16xi32>
    %swap3A_666 = arith.constant 23 : i32
    %swap3A_667 = arith.index_cast %swap3A_666 : i32 to index
    %swap3A_668 = arith.constant 4 : index
    %swap3A_669 = tpu.vector_load %arg6[%swap3A_667, %swap3A_668] {strides = array<i32>} : memref<32x20xi32, #tpu.memory_space<vmem>>, vector<1x16xi32>,
    %swap3A_670 = vector.shape_cast %swap3A_669 : vector<1x16xi32> to vector<16xi32>
    %swap3A_671 = vector.shape_cast %shift_right_arithmetic3A_665 : vector<16xi32> to vector<1x16xi32>
    tpu.vector_store %arg6[%swap3A_667, %swap3A_668], %swap3A_671 {strides = array<i32>} : memref<32x20xi32, #tpu.memory_space<vmem>>, vector<1x16xi32>,
    %get3A_672 = arith.constant 24 : i32
    %get3A_673 = arith.index_cast %get3A_672 : i32 to index
    %get3A_674 = arith.constant 0 : index
    %get3A_675 = tpu.vector_load %arg5[%get3A_673, %get3A_674] {strides = array<i32>} : memref<32x20xi32, #tpu.memory_space<vmem>>, vector<1x16xi32>,
    %get3A_676 = vector.shape_cast %get3A_675 : vector<1x16xi32> to vector<16xi32>
    %shift_right_arithmetic3A_677 = arith.constant 1 : i32
    %shift_right_arithmetic3A_678 = vector.broadcast %shift_right_arithmetic3A_677 : i32 to vector<16xi32>
    %shift_right_arithmetic3A_679 = arith.shrsi %get3A_676, %shift_right_arithmetic3A_678 : vector<16xi32>
    %swap3A_680 = arith.constant 24 : i32
    %swap3A_681 = arith.index_cast %swap3A_680 : i32 to index
    %swap3A_682 = arith.constant 0 : index
    %swap3A_683 = tpu.vector_load %arg6[%swap3A_681, %swap3A_682] {strides = array<i32>} : memref<32x20xi32, #tpu.memory_space<vmem>>, vector<1x16xi32>,
    %swap3A_684 = vector.shape_cast %swap3A_683 : vector<1x16xi32> to vector<16xi32>
    %swap3A_685 = vector.shape_cast %shift_right_arithmetic3A_679 : vector<16xi32> to vector<1x16xi32>
    tpu.vector_store %arg6[%swap3A_681, %swap3A_682], %swap3A_685 {strides = array<i32>} : memref<32x20xi32, #tpu.memory_space<vmem>>, vector<1x16xi32>,
    %get3A_686 = arith.constant 24 : i32
    %get3A_687 = arith.index_cast %get3A_686 : i32 to index
    %get3A_688 = arith.constant 4 : index
    %get3A_689 = tpu.vector_load %arg5[%get3A_687, %get3A_688] {strides = array<i32>} : memref<32x20xi32, #tpu.memory_space<vmem>>, vector<1x16xi32>,
    %get3A_690 = vector.shape_cast %get3A_689 : vector<1x16xi32> to vector<16xi32>
    %shift_right_arithmetic3A_691 = arith.constant 1 : i32
    %shift_right_arithmetic3A_692 = vector.broadcast %shift_right_arithmetic3A_691 : i32 to vector<16xi32>
    %shift_right_arithmetic3A_693 = arith.shrsi %get3A_690, %shift_right_arithmetic3A_692 : vector<16xi32>
    %swap3A_694 = arith.constant 24 : i32
    %swap3A_695 = arith.index_cast %swap3A_694 : i32 to index
    %swap3A_696 = arith.constant 4 : index
    %swap3A_697 = tpu.vector_load %arg6[%swap3A_695, %swap3A_696] {strides = array<i32>} : memref<32x20xi32, #tpu.memory_space<vmem>>, vector<1x16xi32>,
    %swap3A_698 = vector.shape_cast %swap3A_697 : vector<1x16xi32> to vector<16xi32>
    %swap3A_699 = vector.shape_cast %shift_right_arithmetic3A_693 : vector<16xi32> to vector<1x16xi32>
    tpu.vector_store %arg6[%swap3A_695, %swap3A_696], %swap3A_699 {strides = array<i32>} : memref<32x20xi32, #tpu.memory_space<vmem>>, vector<1x16xi32>,
    %get3A_700 = arith.constant 25 : i32
    %get3A_701 = arith.index_cast %get3A_700 : i32 to index
    %get3A_702 = arith.constant 0 : index
    %get3A_703 = tpu.vector_load %arg5[%get3A_701, %get3A_702] {strides = array<i32>} : memref<32x20xi32, #tpu.memory_space<vmem>>, vector<1x16xi32>,
    %get3A_704 = vector.shape_cast %get3A_703 : vector<1x16xi32> to vector<16xi32>
    %shift_right_arithmetic3A_705 = arith.constant 1 : i32
    %shift_right_arithmetic3A_706 = vector.broadcast %shift_right_arithmetic3A_705 : i32 to vector<16xi32>
    %shift_right_arithmetic3A_707 = arith.shrsi %get3A_704, %shift_right_arithmetic3A_706 : vector<16xi32>
    %swap3A_708 = arith.constant 25 : i32
    %swap3A_709 = arith.index_cast %swap3A_708 : i32 to index
    %swap3A_710 = arith.constant 0 : index
    %swap3A_711 = tpu.vector_load %arg6[%swap3A_709, %swap3A_710] {strides = array<i32>} : memref<32x20xi32, #tpu.memory_space<vmem>>, vector<1x16xi32>,
    %swap3A_712 = vector.shape_cast %swap3A_711 : vector<1x16xi32> to vector<16xi32>
    %swap3A_713 = vector.shape_cast %shift_right_arithmetic3A_707 : vector<16xi32> to vector<1x16xi32>
    tpu.vector_store %arg6[%swap3A_709, %swap3A_710], %swap3A_713 {strides = array<i32>} : memref<32x20xi32, #tpu.memory_space<vmem>>, vector<1x16xi32>,
    %get3A_714 = arith.constant 25 : i32
    %get3A_715 = arith.index_cast %get3A_714 : i32 to index
    %get3A_716 = arith.constant 4 : index
    %get3A_717 = tpu.vector_load %arg5[%get3A_715, %get3A_716] {strides = array<i32>} : memref<32x20xi32, #tpu.memory_space<vmem>>, vector<1x16xi32>,
    %get3A_718 = vector.shape_cast %get3A_717 : vector<1x16xi32> to vector<16xi32>
    %shift_right_arithmetic3A_719 = arith.constant 1 : i32
    %shift_right_arithmetic3A_720 = vector.broadcast %shift_right_arithmetic3A_719 : i32 to vector<16xi32>
    %shift_right_arithmetic3A_721 = arith.shrsi %get3A_718, %shift_right_arithmetic3A_720 : vector<16xi32>
    %swap3A_722 = arith.constant 25 : i32
    %swap3A_723 = arith.index_cast %swap3A_722 : i32 to index
    %swap3A_724 = arith.constant 4 : index
    %swap3A_725 = tpu.vector_load %arg6[%swap3A_723, %swap3A_724] {strides = array<i32>} : memref<32x20xi32, #tpu.memory_space<vmem>>, vector<1x16xi32>,
    %swap3A_726 = vector.shape_cast %swap3A_725 : vector<1x16xi32> to vector<16xi32>
    %swap3A_727 = vector.shape_cast %shift_right_arithmetic3A_721 : vector<16xi32> to vector<1x16xi32>
    tpu.vector_store %arg6[%swap3A_723, %swap3A_724], %swap3A_727 {strides = array<i32>} : memref<32x20xi32, #tpu.memory_space<vmem>>, vector<1x16xi32>,
    %get3A_728 = arith.constant 26 : i32
    %get3A_729 = arith.index_cast %get3A_728 : i32 to index
    %get3A_730 = arith.constant 0 : index
    %get3A_731 = tpu.vector_load %arg5[%get3A_729, %get3A_730] {strides = array<i32>} : memref<32x20xi32, #tpu.memory_space<vmem>>, vector<1x16xi32>,
    %get3A_732 = vector.shape_cast %get3A_731 : vector<1x16xi32> to vector<16xi32>
    %shift_right_arithmetic3A_733 = arith.constant 1 : i32
    %shift_right_arithmetic3A_734 = vector.broadcast %shift_right_arithmetic3A_733 : i32 to vector<16xi32>
    %shift_right_arithmetic3A_735 = arith.shrsi %get3A_732, %shift_right_arithmetic3A_734 : vector<16xi32>
    %swap3A_736 = arith.constant 26 : i32
    %swap3A_737 = arith.index_cast %swap3A_736 : i32 to index
    %swap3A_738 = arith.constant 0 : index
    %swap3A_739 = tpu.vector_load %arg6[%swap3A_737, %swap3A_738] {strides = array<i32>} : memref<32x20xi32, #tpu.memory_space<vmem>>, vector<1x16xi32>,
    %swap3A_740 = vector.shape_cast %swap3A_739 : vector<1x16xi32> to vector<16xi32>
    %swap3A_741 = vector.shape_cast %shift_right_arithmetic3A_735 : vector<16xi32> to vector<1x16xi32>
    tpu.vector_store %arg6[%swap3A_737, %swap3A_738], %swap3A_741 {strides = array<i32>} : memref<32x20xi32, #tpu.memory_space<vmem>>, vector<1x16xi32>,
    %get3A_742 = arith.constant 26 : i32
    %get3A_743 = arith.index_cast %get3A_742 : i32 to index
    %get3A_744 = arith.constant 4 : index
    %get3A_745 = tpu.vector_load %arg5[%get3A_743, %get3A_744] {strides = array<i32>} : memref<32x20xi32, #tpu.memory_space<vmem>>, vector<1x16xi32>,
    %get3A_746 = vector.shape_cast %get3A_745 : vector<1x16xi32> to vector<16xi32>
    %shift_right_arithmetic3A_747 = arith.constant 1 : i32
    %shift_right_arithmetic3A_748 = vector.broadcast %shift_right_arithmetic3A_747 : i32 to vector<16xi32>
    %shift_right_arithmetic3A_749 = arith.shrsi %get3A_746, %shift_right_arithmetic3A_748 : vector<16xi32>
    %swap3A_750 = arith.constant 26 : i32
    %swap3A_751 = arith.index_cast %swap3A_750 : i32 to index
    %swap3A_752 = arith.constant 4 : index
    %swap3A_753 = tpu.vector_load %arg6[%swap3A_751, %swap3A_752] {strides = array<i32>} : memref<32x20xi32, #tpu.memory_space<vmem>>, vector<1x16xi32>,
    %swap3A_754 = vector.shape_cast %swap3A_753 : vector<1x16xi32> to vector<16xi32>
    %swap3A_755 = vector.shape_cast %shift_right_arithmetic3A_749 : vector<16xi32> to vector<1x16xi32>
    tpu.vector_store %arg6[%swap3A_751, %swap3A_752], %swap3A_755 {strides = array<i32>} : memref<32x20xi32, #tpu.memory_space<vmem>>, vector<1x16xi32>,
    %get3A_756 = arith.constant 27 : i32
    %get3A_757 = arith.index_cast %get3A_756 : i32 to index
    %get3A_758 = arith.constant 0 : index
    %get3A_759 = tpu.vector_load %arg5[%get3A_757, %get3A_758] {strides = array<i32>} : memref<32x20xi32, #tpu.memory_space<vmem>>, vector<1x16xi32>,
    %get3A_760 = vector.shape_cast %get3A_759 : vector<1x16xi32> to vector<16xi32>
    %shift_right_arithmetic3A_761 = arith.constant 1 : i32
    %shift_right_arithmetic3A_762 = vector.broadcast %shift_right_arithmetic3A_761 : i32 to vector<16xi32>
    %shift_right_arithmetic3A_763 = arith.shrsi %get3A_760, %shift_right_arithmetic3A_762 : vector<16xi32>
    %swap3A_764 = arith.constant 27 : i32
    %swap3A_765 = arith.index_cast %swap3A_764 : i32 to index
    %swap3A_766 = arith.constant 0 : index
    %swap3A_767 = tpu.vector_load %arg6[%swap3A_765, %swap3A_766] {strides = array<i32>} : memref<32x20xi32, #tpu.memory_space<vmem>>, vector<1x16xi32>,
    %swap3A_768 = vector.shape_cast %swap3A_767 : vector<1x16xi32> to vector<16xi32>
    %swap3A_769 = vector.shape_cast %shift_right_arithmetic3A_763 : vector<16xi32> to vector<1x16xi32>
    tpu.vector_store %arg6[%swap3A_765, %swap3A_766], %swap3A_769 {strides = array<i32>} : memref<32x20xi32, #tpu.memory_space<vmem>>, vector<1x16xi32>,
    %get3A_770 = arith.constant 27 : i32
    %get3A_771 = arith.index_cast %get3A_770 : i32 to index
    %get3A_772 = arith.constant 4 : index
    %get3A_773 = tpu.vector_load %arg5[%get3A_771, %get3A_772] {strides = array<i32>} : memref<32x20xi32, #tpu.memory_space<vmem>>, vector<1x16xi32>,
    %get3A_774 = vector.shape_cast %get3A_773 : vector<1x16xi32> to vector<16xi32>
    %shift_right_arithmetic3A_775 = arith.constant 1 : i32
    %shift_right_arithmetic3A_776 = vector.broadcast %shift_right_arithmetic3A_775 : i32 to vector<16xi32>
    %shift_right_arithmetic3A_777 = arith.shrsi %get3A_774, %shift_right_arithmetic3A_776 : vector<16xi32>
    %swap3A_778 = arith.constant 27 : i32
    %swap3A_779 = arith.index_cast %swap3A_778 : i32 to index
    %swap3A_780 = arith.constant 4 : index
    %swap3A_781 = tpu.vector_load %arg6[%swap3A_779, %swap3A_780] {strides = array<i32>} : memref<32x20xi32, #tpu.memory_space<vmem>>, vector<1x16xi32>,
    %swap3A_782 = vector.shape_cast %swap3A_781 : vector<1x16xi32> to vector<16xi32>
    %swap3A_783 = vector.shape_cast %shift_right_arithmetic3A_777 : vector<16xi32> to vector<1x16xi32>
    tpu.vector_store %arg6[%swap3A_779, %swap3A_780], %swap3A_783 {strides = array<i32>} : memref<32x20xi32, #tpu.memory_space<vmem>>, vector<1x16xi32>,
    %get3A_784 = arith.constant 28 : i32
    %get3A_785 = arith.index_cast %get3A_784 : i32 to index
    %get3A_786 = arith.constant 0 : index
    %get3A_787 = tpu.vector_load %arg5[%get3A_785, %get3A_786] {strides = array<i32>} : memref<32x20xi32, #tpu.memory_space<vmem>>, vector<1x16xi32>,
    %get3A_788 = vector.shape_cast %get3A_787 : vector<1x16xi32> to vector<16xi32>
    %shift_right_arithmetic3A_789 = arith.constant 1 : i32
    %shift_right_arithmetic3A_790 = vector.broadcast %shift_right_arithmetic3A_789 : i32 to vector<16xi32>
    %shift_right_arithmetic3A_791 = arith.shrsi %get3A_788, %shift_right_arithmetic3A_790 : vector<16xi32>
    %swap3A_792 = arith.constant 28 : i32
    %swap3A_793 = arith.index_cast %swap3A_792 : i32 to index
    %swap3A_794 = arith.constant 0 : index
    %swap3A_795 = tpu.vector_load %arg6[%swap3A_793, %swap3A_794] {strides = array<i32>} : memref<32x20xi32, #tpu.memory_space<vmem>>, vector<1x16xi32>,
    %swap3A_796 = vector.shape_cast %swap3A_795 : vector<1x16xi32> to vector<16xi32>
    %swap3A_797 = vector.shape_cast %shift_right_arithmetic3A_791 : vector<16xi32> to vector<1x16xi32>
    tpu.vector_store %arg6[%swap3A_793, %swap3A_794], %swap3A_797 {strides = array<i32>} : memref<32x20xi32, #tpu.memory_space<vmem>>, vector<1x16xi32>,
    %get3A_798 = arith.constant 28 : i32
    %get3A_799 = arith.index_cast %get3A_798 : i32 to index
    %get3A_800 = arith.constant 4 : index
    %get3A_801 = tpu.vector_load %arg5[%get3A_799, %get3A_800] {strides = array<i32>} : memref<32x20xi32, #tpu.memory_space<vmem>>, vector<1x16xi32>,
    %get3A_802 = vector.shape_cast %get3A_801 : vector<1x16xi32> to vector<16xi32>
    %shift_right_arithmetic3A_803 = arith.constant 1 : i32
    %shift_right_arithmetic3A_804 = vector.broadcast %shift_right_arithmetic3A_803 : i32 to vector<16xi32>
    %shift_right_arithmetic3A_805 = arith.shrsi %get3A_802, %shift_right_arithmetic3A_804 : vector<16xi32>
    %swap3A_806 = arith.constant 28 : i32
    %swap3A_807 = arith.index_cast %swap3A_806 : i32 to index
    %swap3A_808 = arith.constant 4 : index
    %swap3A_809 = tpu.vector_load %arg6[%swap3A_807, %swap3A_808] {strides = array<i32>} : memref<32x20xi32, #tpu.memory_space<vmem>>, vector<1x16xi32>,
    %swap3A_810 = vector.shape_cast %swap3A_809 : vector<1x16xi32> to vector<16xi32>
    %swap3A_811 = vector.shape_cast %shift_right_arithmetic3A_805 : vector<16xi32> to vector<1x16xi32>
    tpu.vector_store %arg6[%swap3A_807, %swap3A_808], %swap3A_811 {strides = array<i32>} : memref<32x20xi32, #tpu.memory_space<vmem>>, vector<1x16xi32>,
    %get3A_812 = arith.constant 29 : i32
    %get3A_813 = arith.index_cast %get3A_812 : i32 to index
    %get3A_814 = arith.constant 0 : index
    %get3A_815 = tpu.vector_load %arg5[%get3A_813, %get3A_814] {strides = array<i32>} : memref<32x20xi32, #tpu.memory_space<vmem>>, vector<1x16xi32>,
    %get3A_816 = vector.shape_cast %get3A_815 : vector<1x16xi32> to vector<16xi32>
    %shift_right_arithmetic3A_817 = arith.constant 1 : i32
    %shift_right_arithmetic3A_818 = vector.broadcast %shift_right_arithmetic3A_817 : i32 to vector<16xi32>
    %shift_right_arithmetic3A_819 = arith.shrsi %get3A_816, %shift_right_arithmetic3A_818 : vector<16xi32>
    %swap3A_820 = arith.constant 29 : i32
    %swap3A_821 = arith.index_cast %swap3A_820 : i32 to index
    %swap3A_822 = arith.constant 0 : index
    %swap3A_823 = tpu.vector_load %arg6[%swap3A_821, %swap3A_822] {strides = array<i32>} : memref<32x20xi32, #tpu.memory_space<vmem>>, vector<1x16xi32>,
    %swap3A_824 = vector.shape_cast %swap3A_823 : vector<1x16xi32> to vector<16xi32>
    %swap3A_825 = vector.shape_cast %shift_right_arithmetic3A_819 : vector<16xi32> to vector<1x16xi32>
    tpu.vector_store %arg6[%swap3A_821, %swap3A_822], %swap3A_825 {strides = array<i32>} : memref<32x20xi32, #tpu.memory_space<vmem>>, vector<1x16xi32>,
    %get3A_826 = arith.constant 29 : i32
    %get3A_827 = arith.index_cast %get3A_826 : i32 to index
    %get3A_828 = arith.constant 4 : index
    %get3A_829 = tpu.vector_load %arg5[%get3A_827, %get3A_828] {strides = array<i32>} : memref<32x20xi32, #tpu.memory_space<vmem>>, vector<1x16xi32>,
    %get3A_830 = vector.shape_cast %get3A_829 : vector<1x16xi32> to vector<16xi32>
    %shift_right_arithmetic3A_831 = arith.constant 1 : i32
    %shift_right_arithmetic3A_832 = vector.broadcast %shift_right_arithmetic3A_831 : i32 to vector<16xi32>
    %shift_right_arithmetic3A_833 = arith.shrsi %get3A_830, %shift_right_arithmetic3A_832 : vector<16xi32>
    %swap3A_834 = arith.constant 29 : i32
    %swap3A_835 = arith.index_cast %swap3A_834 : i32 to index
    %swap3A_836 = arith.constant 4 : index
    %swap3A_837 = tpu.vector_load %arg6[%swap3A_835, %swap3A_836] {strides = array<i32>} : memref<32x20xi32, #tpu.memory_space<vmem>>, vector<1x16xi32>,
    %swap3A_838 = vector.shape_cast %swap3A_837 : vector<1x16xi32> to vector<16xi32>
    %swap3A_839 = vector.shape_cast %shift_right_arithmetic3A_833 : vector<16xi32> to vector<1x16xi32>
    tpu.vector_store %arg6[%swap3A_835, %swap3A_836], %swap3A_839 {strides = array<i32>} : memref<32x20xi32, #tpu.memory_space<vmem>>, vector<1x16xi32>,
    %get3A_840 = arith.constant 30 : i32
    %get3A_841 = arith.index_cast %get3A_840 : i32 to index
    %get3A_842 = arith.constant 0 : index
    %get3A_843 = tpu.vector_load %arg5[%get3A_841, %get3A_842] {strides = array<i32>} : memref<32x20xi32, #tpu.memory_space<vmem>>, vector<1x16xi32>,
    %get3A_844 = vector.shape_cast %get3A_843 : vector<1x16xi32> to vector<16xi32>
    %shift_right_arithmetic3A_845 = arith.constant 1 : i32
    %shift_right_arithmetic3A_846 = vector.broadcast %shift_right_arithmetic3A_845 : i32 to vector<16xi32>
    %shift_right_arithmetic3A_847 = arith.shrsi %get3A_844, %shift_right_arithmetic3A_846 : vector<16xi32>
    %swap3A_848 = arith.constant 30 : i32
    %swap3A_849 = arith.index_cast %swap3A_848 : i32 to index
    %swap3A_850 = arith.constant 0 : index
    %swap3A_851 = tpu.vector_load %arg6[%swap3A_849, %swap3A_850] {strides = array<i32>} : memref<32x20xi32, #tpu.memory_space<vmem>>, vector<1x16xi32>,
    %swap3A_852 = vector.shape_cast %swap3A_851 : vector<1x16xi32> to vector<16xi32>
    %swap3A_853 = vector.shape_cast %shift_right_arithmetic3A_847 : vector<16xi32> to vector<1x16xi32>
    tpu.vector_store %arg6[%swap3A_849, %swap3A_850], %swap3A_853 {strides = array<i32>} : memref<32x20xi32, #tpu.memory_space<vmem>>, vector<1x16xi32>,
    %get3A_854 = arith.constant 30 : i32
    %get3A_855 = arith.index_cast %get3A_854 : i32 to index
    %get3A_856 = arith.constant 4 : index
    %get3A_857 = tpu.vector_load %arg5[%get3A_855, %get3A_856] {strides = array<i32>} : memref<32x20xi32, #tpu.memory_space<vmem>>, vector<1x16xi32>,
    %get3A_858 = vector.shape_cast %get3A_857 : vector<1x16xi32> to vector<16xi32>
    %shift_right_arithmetic3A_859 = arith.constant 1 : i32
    %shift_right_arithmetic3A_860 = vector.broadcast %shift_right_arithmetic3A_859 : i32 to vector<16xi32>
    %shift_right_arithmetic3A_861 = arith.shrsi %get3A_858, %shift_right_arithmetic3A_860 : vector<16xi32>
    %swap3A_862 = arith.constant 30 : i32
    %swap3A_863 = arith.index_cast %swap3A_862 : i32 to index
    %swap3A_864 = arith.constant 4 : index
    %swap3A_865 = tpu.vector_load %arg6[%swap3A_863, %swap3A_864] {strides = array<i32>} : memref<32x20xi32, #tpu.memory_space<vmem>>, vector<1x16xi32>,
    %swap3A_866 = vector.shape_cast %swap3A_865 : vector<1x16xi32> to vector<16xi32>
    %swap3A_867 = vector.shape_cast %shift_right_arithmetic3A_861 : vector<16xi32> to vector<1x16xi32>
    tpu.vector_store %arg6[%swap3A_863, %swap3A_864], %swap3A_867 {strides = array<i32>} : memref<32x20xi32, #tpu.memory_space<vmem>>, vector<1x16xi32>,
    %get3A_868 = arith.constant 31 : i32
    %get3A_869 = arith.index_cast %get3A_868 : i32 to index
    %get3A_870 = arith.constant 0 : index
    %get3A_871 = tpu.vector_load %arg5[%get3A_869, %get3A_870] {strides = array<i32>} : memref<32x20xi32, #tpu.memory_space<vmem>>, vector<1x16xi32>,
    %get3A_872 = vector.shape_cast %get3A_871 : vector<1x16xi32> to vector<16xi32>
    %shift_right_arithmetic3A_873 = arith.constant 1 : i32
    %shift_right_arithmetic3A_874 = vector.broadcast %shift_right_arithmetic3A_873 : i32 to vector<16xi32>
    %shift_right_arithmetic3A_875 = arith.shrsi %get3A_872, %shift_right_arithmetic3A_874 : vector<16xi32>
    %swap3A_876 = arith.constant 31 : i32
    %swap3A_877 = arith.index_cast %swap3A_876 : i32 to index
    %swap3A_878 = arith.constant 0 : index
    %swap3A_879 = tpu.vector_load %arg6[%swap3A_877, %swap3A_878] {strides = array<i32>} : memref<32x20xi32, #tpu.memory_space<vmem>>, vector<1x16xi32>,
    %swap3A_880 = vector.shape_cast %swap3A_879 : vector<1x16xi32> to vector<16xi32>
    %swap3A_881 = vector.shape_cast %shift_right_arithmetic3A_875 : vector<16xi32> to vector<1x16xi32>
    tpu.vector_store %arg6[%swap3A_877, %swap3A_878], %swap3A_881 {strides = array<i32>} : memref<32x20xi32, #tpu.memory_space<vmem>>, vector<1x16xi32>,
    %get3A_882 = arith.constant 31 : i32
    %get3A_883 = arith.index_cast %get3A_882 : i32 to index
    %get3A_884 = arith.constant 4 : index
    %get3A_885 = tpu.vector_load %arg5[%get3A_883, %get3A_884] {strides = array<i32>} : memref<32x20xi32, #tpu.memory_space<vmem>>, vector<1x16xi32>,
    %get3A_886 = vector.shape_cast %get3A_885 : vector<1x16xi32> to vector<16xi32>
    %shift_right_arithmetic3A_887 = arith.constant 1 : i32
    %shift_right_arithmetic3A_888 = vector.broadcast %shift_right_arithmetic3A_887 : i32 to vector<16xi32>
    %shift_right_arithmetic3A_889 = arith.shrsi %get3A_886, %shift_right_arithmetic3A_888 : vector<16xi32>
    %swap3A_890 = arith.constant 31 : i32
    %swap3A_891 = arith.index_cast %swap3A_890 : i32 to index
    %swap3A_892 = arith.constant 4 : index
    %swap3A_893 = tpu.vector_load %arg6[%swap3A_891, %swap3A_892] {strides = array<i32>} : memref<32x20xi32, #tpu.memory_space<vmem>>, vector<1x16xi32>,
    %swap3A_894 = vector.shape_cast %swap3A_893 : vector<1x16xi32> to vector<16xi32>
    %swap3A_895 = vector.shape_cast %shift_right_arithmetic3A_889 : vector<16xi32> to vector<1x16xi32>
    tpu.vector_store %arg6[%swap3A_891, %swap3A_892], %swap3A_895 {strides = array<i32>} : memref<32x20xi32, #tpu.memory_space<vmem>>, vector<1x16xi32>,
    %dma_start3A = arith.constant 0 : i32
    %dma_start3A_896 = arith.constant 0 : i32
    %dma_start3A_897 = arith.constant 0 : i32
    %dma_start3A_898 = arith.constant 0 : i32
    %dma_start3A_899 = tpu.memref_slice %arg7[%dma_start3A_896, %dma_start3A_897, %dma_start3A_898] : memref<32x20x128xf32, #tpu.memory_space<vmem>> -> memref<1x20x128xf32, #tpu.memory_space<vmem>>
    %dma_start3A_900 = tpu.memref_squeeze %dma_start3A_899 : memref<1x20x128xf32, #tpu.memory_space<vmem>> -> memref<20x128xf32, #tpu.memory_space<vmem>>
    %dma_start3A_901 = arith.constant 0 : i32
    %dma_start3A_902 = tpu.memref_slice %arg6[%dma_start3A, %dma_start3A_901] : memref<32x20xi32, #tpu.memory_space<vmem>> -> memref<1x20xi32, #tpu.memory_space<vmem>>
    %dma_start3A_903 = tpu.memref_squeeze %dma_start3A_902 : memref<1x20xi32, #tpu.memory_space<vmem>> -> memref<20xi32, #tpu.memory_space<vmem>>
    %dma_start3A_904 = arith.constant 0 : i32
    %dma_start3A_905 = arith.constant 0 : i32
    %dma_start3A_906 = tpu.memref_slice %arg2[%dma_start3A_904, %dma_start3A_905] : memref<50000x128xf32, #tpu.memory_space<hbm>> -> memref<50000x128xf32, #tpu.memory_space<hbm>>
    tpu.enqueue_indirect_dma source(%dma_start3A_906 : memref<50000x128xf32, #tpu.memory_space<hbm>>) target(%dma_start3A_900 : memref<20x128xf32, #tpu.memory_space<vmem>>) offsets(%dma_start3A_903 : memref<20xi32, #tpu.memory_space<vmem>>) semaphore(%arg9 : memref<!tpu.dma_semaphore, #tpu.memory_space<semaphore_mem>>)
    %dma_start3A_907 = arith.constant 1 : i32
    %dma_start3A_908 = arith.constant 1 : i32
    %dma_start3A_909 = arith.constant 0 : i32
    %dma_start3A_910 = arith.constant 0 : i32
    %dma_start3A_911 = tpu.memref_slice %arg7[%dma_start3A_908, %dma_start3A_909, %dma_start3A_910] : memref<32x20x128xf32, #tpu.memory_space<vmem>> -> memref<1x20x128xf32, #tpu.memory_space<vmem>>
    %dma_start3A_912 = tpu.memref_squeeze %dma_start3A_911 : memref<1x20x128xf32, #tpu.memory_space<vmem>> -> memref<20x128xf32, #tpu.memory_space<vmem>>
    %dma_start3A_913 = arith.constant 0 : i32
    %dma_start3A_914 = tpu.memref_slice %arg6[%dma_start3A_907, %dma_start3A_913] : memref<32x20xi32, #tpu.memory_space<vmem>> -> memref<1x20xi32, #tpu.memory_space<vmem>>
    %dma_start3A_915 = tpu.memref_squeeze %dma_start3A_914 : memref<1x20xi32, #tpu.memory_space<vmem>> -> memref<20xi32, #tpu.memory_space<vmem>>
    %dma_start3A_916 = arith.constant 0 : i32
    %dma_start3A_917 = arith.constant 0 : i32
    %dma_start3A_918 = tpu.memref_slice %arg2[%dma_start3A_916, %dma_start3A_917] : memref<50000x128xf32, #tpu.memory_space<hbm>> -> memref<50000x128xf32, #tpu.memory_space<hbm>>
    tpu.enqueue_indirect_dma source(%dma_start3A_918 : memref<50000x128xf32, #tpu.memory_space<hbm>>) target(%dma_start3A_912 : memref<20x128xf32, #tpu.memory_space<vmem>>) offsets(%dma_start3A_915 : memref<20xi32, #tpu.memory_space<vmem>>) semaphore(%arg9 : memref<!tpu.dma_semaphore, #tpu.memory_space<semaphore_mem>>)
    %dma_start3A_919 = arith.constant 2 : i32
    %dma_start3A_920 = arith.constant 2 : i32
    %dma_start3A_921 = arith.constant 0 : i32
    %dma_start3A_922 = arith.constant 0 : i32
    %dma_start3A_923 = tpu.memref_slice %arg7[%dma_start3A_920, %dma_start3A_921, %dma_start3A_922] : memref<32x20x128xf32, #tpu.memory_space<vmem>> -> memref<1x20x128xf32, #tpu.memory_space<vmem>>
    %dma_start3A_924 = tpu.memref_squeeze %dma_start3A_923 : memref<1x20x128xf32, #tpu.memory_space<vmem>> -> memref<20x128xf32, #tpu.memory_space<vmem>>
    %dma_start3A_925 = arith.constant 0 : i32
    %dma_start3A_926 = tpu.memref_slice %arg6[%dma_start3A_919, %dma_start3A_925] : memref<32x20xi32, #tpu.memory_space<vmem>> -> memref<1x20xi32, #tpu.memory_space<vmem>>
    %dma_start3A_927 = tpu.memref_squeeze %dma_start3A_926 : memref<1x20xi32, #tpu.memory_space<vmem>> -> memref<20xi32, #tpu.memory_space<vmem>>
    %dma_start3A_928 = arith.constant 0 : i32
    %dma_start3A_929 = arith.constant 0 : i32
    %dma_start3A_930 = tpu.memref_slice %arg2[%dma_start3A_928, %dma_start3A_929] : memref<50000x128xf32, #tpu.memory_space<hbm>> -> memref<50000x128xf32, #tpu.memory_space<hbm>>
    tpu.enqueue_indirect_dma source(%dma_start3A_930 : memref<50000x128xf32, #tpu.memory_space<hbm>>) target(%dma_start3A_924 : memref<20x128xf32, #tpu.memory_space<vmem>>) offsets(%dma_start3A_927 : memref<20xi32, #tpu.memory_space<vmem>>) semaphore(%arg9 : memref<!tpu.dma_semaphore, #tpu.memory_space<semaphore_mem>>)
    %dma_start3A_931 = arith.constant 3 : i32
    %dma_start3A_932 = arith.constant 3 : i32
    %dma_start3A_933 = arith.constant 0 : i32
    %dma_start3A_934 = arith.constant 0 : i32
    %dma_start3A_935 = tpu.memref_slice %arg7[%dma_start3A_932, %dma_start3A_933, %dma_start3A_934] : memref<32x20x128xf32, #tpu.memory_space<vmem>> -> memref<1x20x128xf32, #tpu.memory_space<vmem>>
    %dma_start3A_936 = tpu.memref_squeeze %dma_start3A_935 : memref<1x20x128xf32, #tpu.memory_space<vmem>> -> memref<20x128xf32, #tpu.memory_space<vmem>>
    %dma_start3A_937 = arith.constant 0 : i32
    %dma_start3A_938 = tpu.memref_slice %arg6[%dma_start3A_931, %dma_start3A_937] : memref<32x20xi32, #tpu.memory_space<vmem>> -> memref<1x20xi32, #tpu.memory_space<vmem>>
    %dma_start3A_939 = tpu.memref_squeeze %dma_start3A_938 : memref<1x20xi32, #tpu.memory_space<vmem>> -> memref<20xi32, #tpu.memory_space<vmem>>
    %dma_start3A_940 = arith.constant 0 : i32
    %dma_start3A_941 = arith.constant 0 : i32
    %dma_start3A_942 = tpu.memref_slice %arg2[%dma_start3A_940, %dma_start3A_941] : memref<50000x128xf32, #tpu.memory_space<hbm>> -> memref<50000x128xf32, #tpu.memory_space<hbm>>
    tpu.enqueue_indirect_dma source(%dma_start3A_942 : memref<50000x128xf32, #tpu.memory_space<hbm>>) target(%dma_start3A_936 : memref<20x128xf32, #tpu.memory_space<vmem>>) offsets(%dma_start3A_939 : memref<20xi32, #tpu.memory_space<vmem>>) semaphore(%arg9 : memref<!tpu.dma_semaphore, #tpu.memory_space<semaphore_mem>>)
    %dma_start3A_943 = arith.constant 4 : i32
    %dma_start3A_944 = arith.constant 4 : i32
    %dma_start3A_945 = arith.constant 0 : i32
    %dma_start3A_946 = arith.constant 0 : i32
    %dma_start3A_947 = tpu.memref_slice %arg7[%dma_start3A_944, %dma_start3A_945, %dma_start3A_946] : memref<32x20x128xf32, #tpu.memory_space<vmem>> -> memref<1x20x128xf32, #tpu.memory_space<vmem>>
    %dma_start3A_948 = tpu.memref_squeeze %dma_start3A_947 : memref<1x20x128xf32, #tpu.memory_space<vmem>> -> memref<20x128xf32, #tpu.memory_space<vmem>>
    %dma_start3A_949 = arith.constant 0 : i32
    %dma_start3A_950 = tpu.memref_slice %arg6[%dma_start3A_943, %dma_start3A_949] : memref<32x20xi32, #tpu.memory_space<vmem>> -> memref<1x20xi32, #tpu.memory_space<vmem>>
    %dma_start3A_951 = tpu.memref_squeeze %dma_start3A_950 : memref<1x20xi32, #tpu.memory_space<vmem>> -> memref<20xi32, #tpu.memory_space<vmem>>
    %dma_start3A_952 = arith.constant 0 : i32
    %dma_start3A_953 = arith.constant 0 : i32
    %dma_start3A_954 = tpu.memref_slice %arg2[%dma_start3A_952, %dma_start3A_953] : memref<50000x128xf32, #tpu.memory_space<hbm>> -> memref<50000x128xf32, #tpu.memory_space<hbm>>
    tpu.enqueue_indirect_dma source(%dma_start3A_954 : memref<50000x128xf32, #tpu.memory_space<hbm>>) target(%dma_start3A_948 : memref<20x128xf32, #tpu.memory_space<vmem>>) offsets(%dma_start3A_951 : memref<20xi32, #tpu.memory_space<vmem>>) semaphore(%arg9 : memref<!tpu.dma_semaphore, #tpu.memory_space<semaphore_mem>>)
    %dma_start3A_955 = arith.constant 5 : i32
    %dma_start3A_956 = arith.constant 5 : i32
    %dma_start3A_957 = arith.constant 0 : i32
    %dma_start3A_958 = arith.constant 0 : i32
    %dma_start3A_959 = tpu.memref_slice %arg7[%dma_start3A_956, %dma_start3A_957, %dma_start3A_958] : memref<32x20x128xf32, #tpu.memory_space<vmem>> -> memref<1x20x128xf32, #tpu.memory_space<vmem>>
    %dma_start3A_960 = tpu.memref_squeeze %dma_start3A_959 : memref<1x20x128xf32, #tpu.memory_space<vmem>> -> memref<20x128xf32, #tpu.memory_space<vmem>>
    %dma_start3A_961 = arith.constant 0 : i32
    %dma_start3A_962 = tpu.memref_slice %arg6[%dma_start3A_955, %dma_start3A_961] : memref<32x20xi32, #tpu.memory_space<vmem>> -> memref<1x20xi32, #tpu.memory_space<vmem>>
    %dma_start3A_963 = tpu.memref_squeeze %dma_start3A_962 : memref<1x20xi32, #tpu.memory_space<vmem>> -> memref<20xi32, #tpu.memory_space<vmem>>
    %dma_start3A_964 = arith.constant 0 : i32
    %dma_start3A_965 = arith.constant 0 : i32
    %dma_start3A_966 = tpu.memref_slice %arg2[%dma_start3A_964, %dma_start3A_965] : memref<50000x128xf32, #tpu.memory_space<hbm>> -> memref<50000x128xf32, #tpu.memory_space<hbm>>
    tpu.enqueue_indirect_dma source(%dma_start3A_966 : memref<50000x128xf32, #tpu.memory_space<hbm>>) target(%dma_start3A_960 : memref<20x128xf32, #tpu.memory_space<vmem>>) offsets(%dma_start3A_963 : memref<20xi32, #tpu.memory_space<vmem>>) semaphore(%arg9 : memref<!tpu.dma_semaphore, #tpu.memory_space<semaphore_mem>>)
    %dma_start3A_967 = arith.constant 6 : i32
    %dma_start3A_968 = arith.constant 6 : i32
    %dma_start3A_969 = arith.constant 0 : i32
    %dma_start3A_970 = arith.constant 0 : i32
    %dma_start3A_971 = tpu.memref_slice %arg7[%dma_start3A_968, %dma_start3A_969, %dma_start3A_970] : memref<32x20x128xf32, #tpu.memory_space<vmem>> -> memref<1x20x128xf32, #tpu.memory_space<vmem>>
    %dma_start3A_972 = tpu.memref_squeeze %dma_start3A_971 : memref<1x20x128xf32, #tpu.memory_space<vmem>> -> memref<20x128xf32, #tpu.memory_space<vmem>>
    %dma_start3A_973 = arith.constant 0 : i32
    %dma_start3A_974 = tpu.memref_slice %arg6[%dma_start3A_967, %dma_start3A_973] : memref<32x20xi32, #tpu.memory_space<vmem>> -> memref<1x20xi32, #tpu.memory_space<vmem>>
    %dma_start3A_975 = tpu.memref_squeeze %dma_start3A_974 : memref<1x20xi32, #tpu.memory_space<vmem>> -> memref<20xi32, #tpu.memory_space<vmem>>
    %dma_start3A_976 = arith.constant 0 : i32
    %dma_start3A_977 = arith.constant 0 : i32
    %dma_start3A_978 = tpu.memref_slice %arg2[%dma_start3A_976, %dma_start3A_977] : memref<50000x128xf32, #tpu.memory_space<hbm>> -> memref<50000x128xf32, #tpu.memory_space<hbm>>
    tpu.enqueue_indirect_dma source(%dma_start3A_978 : memref<50000x128xf32, #tpu.memory_space<hbm>>) target(%dma_start3A_972 : memref<20x128xf32, #tpu.memory_space<vmem>>) offsets(%dma_start3A_975 : memref<20xi32, #tpu.memory_space<vmem>>) semaphore(%arg9 : memref<!tpu.dma_semaphore, #tpu.memory_space<semaphore_mem>>)
    %dma_start3A_979 = arith.constant 7 : i32
    %dma_start3A_980 = arith.constant 7 : i32
    %dma_start3A_981 = arith.constant 0 : i32
    %dma_start3A_982 = arith.constant 0 : i32
    %dma_start3A_983 = tpu.memref_slice %arg7[%dma_start3A_980, %dma_start3A_981, %dma_start3A_982] : memref<32x20x128xf32, #tpu.memory_space<vmem>> -> memref<1x20x128xf32, #tpu.memory_space<vmem>>
    %dma_start3A_984 = tpu.memref_squeeze %dma_start3A_983 : memref<1x20x128xf32, #tpu.memory_space<vmem>> -> memref<20x128xf32, #tpu.memory_space<vmem>>
    %dma_start3A_985 = arith.constant 0 : i32
    %dma_start3A_986 = tpu.memref_slice %arg6[%dma_start3A_979, %dma_start3A_985] : memref<32x20xi32, #tpu.memory_space<vmem>> -> memref<1x20xi32, #tpu.memory_space<vmem>>
    %dma_start3A_987 = tpu.memref_squeeze %dma_start3A_986 : memref<1x20xi32, #tpu.memory_space<vmem>> -> memref<20xi32, #tpu.memory_space<vmem>>
    %dma_start3A_988 = arith.constant 0 : i32
    %dma_start3A_989 = arith.constant 0 : i32
    %dma_start3A_990 = tpu.memref_slice %arg2[%dma_start3A_988, %dma_start3A_989] : memref<50000x128xf32, #tpu.memory_space<hbm>> -> memref<50000x128xf32, #tpu.memory_space<hbm>>
    tpu.enqueue_indirect_dma source(%dma_start3A_990 : memref<50000x128xf32, #tpu.memory_space<hbm>>) target(%dma_start3A_984 : memref<20x128xf32, #tpu.memory_space<vmem>>) offsets(%dma_start3A_987 : memref<20xi32, #tpu.memory_space<vmem>>) semaphore(%arg9 : memref<!tpu.dma_semaphore, #tpu.memory_space<semaphore_mem>>)
    %dma_start3A_991 = arith.constant 8 : i32
    %dma_start3A_992 = arith.constant 8 : i32
    %dma_start3A_993 = arith.constant 0 : i32
    %dma_start3A_994 = arith.constant 0 : i32
    %dma_start3A_995 = tpu.memref_slice %arg7[%dma_start3A_992, %dma_start3A_993, %dma_start3A_994] : memref<32x20x128xf32, #tpu.memory_space<vmem>> -> memref<1x20x128xf32, #tpu.memory_space<vmem>>
    %dma_start3A_996 = tpu.memref_squeeze %dma_start3A_995 : memref<1x20x128xf32, #tpu.memory_space<vmem>> -> memref<20x128xf32, #tpu.memory_space<vmem>>
    %dma_start3A_997 = arith.constant 0 : i32
    %dma_start3A_998 = tpu.memref_slice %arg6[%dma_start3A_991, %dma_start3A_997] : memref<32x20xi32, #tpu.memory_space<vmem>> -> memref<1x20xi32, #tpu.memory_space<vmem>>
    %dma_start3A_999 = tpu.memref_squeeze %dma_start3A_998 : memref<1x20xi32, #tpu.memory_space<vmem>> -> memref<20xi32, #tpu.memory_space<vmem>>
    %dma_start3A_1000 = arith.constant 0 : i32
    %dma_start3A_1001 = arith.constant 0 : i32
    %dma_start3A_1002 = tpu.memref_slice %arg2[%dma_start3A_1000, %dma_start3A_1001] : memref<50000x128xf32, #tpu.memory_space<hbm>> -> memref<50000x128xf32, #tpu.memory_space<hbm>>
    tpu.enqueue_indirect_dma source(%dma_start3A_1002 : memref<50000x128xf32, #tpu.memory_space<hbm>>) target(%dma_start3A_996 : memref<20x128xf32, #tpu.memory_space<vmem>>) offsets(%dma_start3A_999 : memref<20xi32, #tpu.memory_space<vmem>>) semaphore(%arg9 : memref<!tpu.dma_semaphore, #tpu.memory_space<semaphore_mem>>)
    %dma_start3A_1003 = arith.constant 9 : i32
    %dma_start3A_1004 = arith.constant 9 : i32
    %dma_start3A_1005 = arith.constant 0 : i32
    %dma_start3A_1006 = arith.constant 0 : i32
    %dma_start3A_1007 = tpu.memref_slice %arg7[%dma_start3A_1004, %dma_start3A_1005, %dma_start3A_1006] : memref<32x20x128xf32, #tpu.memory_space<vmem>> -> memref<1x20x128xf32, #tpu.memory_space<vmem>>
    %dma_start3A_1008 = tpu.memref_squeeze %dma_start3A_1007 : memref<1x20x128xf32, #tpu.memory_space<vmem>> -> memref<20x128xf32, #tpu.memory_space<vmem>>
    %dma_start3A_1009 = arith.constant 0 : i32
    %dma_start3A_1010 = tpu.memref_slice %arg6[%dma_start3A_1003, %dma_start3A_1009] : memref<32x20xi32, #tpu.memory_space<vmem>> -> memref<1x20xi32, #tpu.memory_space<vmem>>
    %dma_start3A_1011 = tpu.memref_squeeze %dma_start3A_1010 : memref<1x20xi32, #tpu.memory_space<vmem>> -> memref<20xi32, #tpu.memory_space<vmem>>
    %dma_start3A_1012 = arith.constant 0 : i32
    %dma_start3A_1013 = arith.constant 0 : i32
    %dma_start3A_1014 = tpu.memref_slice %arg2[%dma_start3A_1012, %dma_start3A_1013] : memref<50000x128xf32, #tpu.memory_space<hbm>> -> memref<50000x128xf32, #tpu.memory_space<hbm>>
    tpu.enqueue_indirect_dma source(%dma_start3A_1014 : memref<50000x128xf32, #tpu.memory_space<hbm>>) target(%dma_start3A_1008 : memref<20x128xf32, #tpu.memory_space<vmem>>) offsets(%dma_start3A_1011 : memref<20xi32, #tpu.memory_space<vmem>>) semaphore(%arg9 : memref<!tpu.dma_semaphore, #tpu.memory_space<semaphore_mem>>)
    %dma_start3A_1015 = arith.constant 10 : i32
    %dma_start3A_1016 = arith.constant 10 : i32
    %dma_start3A_1017 = arith.constant 0 : i32
    %dma_start3A_1018 = arith.constant 0 : i32
    %dma_start3A_1019 = tpu.memref_slice %arg7[%dma_start3A_1016, %dma_start3A_1017, %dma_start3A_1018] : memref<32x20x128xf32, #tpu.memory_space<vmem>> -> memref<1x20x128xf32, #tpu.memory_space<vmem>>
    %dma_start3A_1020 = tpu.memref_squeeze %dma_start3A_1019 : memref<1x20x128xf32, #tpu.memory_space<vmem>> -> memref<20x128xf32, #tpu.memory_space<vmem>>
    %dma_start3A_1021 = arith.constant 0 : i32
    %dma_start3A_1022 = tpu.memref_slice %arg6[%dma_start3A_1015, %dma_start3A_1021] : memref<32x20xi32, #tpu.memory_space<vmem>> -> memref<1x20xi32, #tpu.memory_space<vmem>>
    %dma_start3A_1023 = tpu.memref_squeeze %dma_start3A_1022 : memref<1x20xi32, #tpu.memory_space<vmem>> -> memref<20xi32, #tpu.memory_space<vmem>>
    %dma_start3A_1024 = arith.constant 0 : i32
    %dma_start3A_1025 = arith.constant 0 : i32
    %dma_start3A_1026 = tpu.memref_slice %arg2[%dma_start3A_1024, %dma_start3A_1025] : memref<50000x128xf32, #tpu.memory_space<hbm>> -> memref<50000x128xf32, #tpu.memory_space<hbm>>
    tpu.enqueue_indirect_dma source(%dma_start3A_1026 : memref<50000x128xf32, #tpu.memory_space<hbm>>) target(%dma_start3A_1020 : memref<20x128xf32, #tpu.memory_space<vmem>>) offsets(%dma_start3A_1023 : memref<20xi32, #tpu.memory_space<vmem>>) semaphore(%arg9 : memref<!tpu.dma_semaphore, #tpu.memory_space<semaphore_mem>>)
    %dma_start3A_1027 = arith.constant 11 : i32
    %dma_start3A_1028 = arith.constant 11 : i32
    %dma_start3A_1029 = arith.constant 0 : i32
    %dma_start3A_1030 = arith.constant 0 : i32
    %dma_start3A_1031 = tpu.memref_slice %arg7[%dma_start3A_1028, %dma_start3A_1029, %dma_start3A_1030] : memref<32x20x128xf32, #tpu.memory_space<vmem>> -> memref<1x20x128xf32, #tpu.memory_space<vmem>>
    %dma_start3A_1032 = tpu.memref_squeeze %dma_start3A_1031 : memref<1x20x128xf32, #tpu.memory_space<vmem>> -> memref<20x128xf32, #tpu.memory_space<vmem>>
    %dma_start3A_1033 = arith.constant 0 : i32
    %dma_start3A_1034 = tpu.memref_slice %arg6[%dma_start3A_1027, %dma_start3A_1033] : memref<32x20xi32, #tpu.memory_space<vmem>> -> memref<1x20xi32, #tpu.memory_space<vmem>>
    %dma_start3A_1035 = tpu.memref_squeeze %dma_start3A_1034 : memref<1x20xi32, #tpu.memory_space<vmem>> -> memref<20xi32, #tpu.memory_space<vmem>>
    %dma_start3A_1036 = arith.constant 0 : i32
    %dma_start3A_1037 = arith.constant 0 : i32
    %dma_start3A_1038 = tpu.memref_slice %arg2[%dma_start3A_1036, %dma_start3A_1037] : memref<50000x128xf32, #tpu.memory_space<hbm>> -> memref<50000x128xf32, #tpu.memory_space<hbm>>
    tpu.enqueue_indirect_dma source(%dma_start3A_1038 : memref<50000x128xf32, #tpu.memory_space<hbm>>) target(%dma_start3A_1032 : memref<20x128xf32, #tpu.memory_space<vmem>>) offsets(%dma_start3A_1035 : memref<20xi32, #tpu.memory_space<vmem>>) semaphore(%arg9 : memref<!tpu.dma_semaphore, #tpu.memory_space<semaphore_mem>>)
    %dma_start3A_1039 = arith.constant 12 : i32
    %dma_start3A_1040 = arith.constant 12 : i32
    %dma_start3A_1041 = arith.constant 0 : i32
    %dma_start3A_1042 = arith.constant 0 : i32
    %dma_start3A_1043 = tpu.memref_slice %arg7[%dma_start3A_1040, %dma_start3A_1041, %dma_start3A_1042] : memref<32x20x128xf32, #tpu.memory_space<vmem>> -> memref<1x20x128xf32, #tpu.memory_space<vmem>>
    %dma_start3A_1044 = tpu.memref_squeeze %dma_start3A_1043 : memref<1x20x128xf32, #tpu.memory_space<vmem>> -> memref<20x128xf32, #tpu.memory_space<vmem>>
    %dma_start3A_1045 = arith.constant 0 : i32
    %dma_start3A_1046 = tpu.memref_slice %arg6[%dma_start3A_1039, %dma_start3A_1045] : memref<32x20xi32, #tpu.memory_space<vmem>> -> memref<1x20xi32, #tpu.memory_space<vmem>>
    %dma_start3A_1047 = tpu.memref_squeeze %dma_start3A_1046 : memref<1x20xi32, #tpu.memory_space<vmem>> -> memref<20xi32, #tpu.memory_space<vmem>>
    %dma_start3A_1048 = arith.constant 0 : i32
    %dma_start3A_1049 = arith.constant 0 : i32
    %dma_start3A_1050 = tpu.memref_slice %arg2[%dma_start3A_1048, %dma_start3A_1049] : memref<50000x128xf32, #tpu.memory_space<hbm>> -> memref<50000x128xf32, #tpu.memory_space<hbm>>
    tpu.enqueue_indirect_dma source(%dma_start3A_1050 : memref<50000x128xf32, #tpu.memory_space<hbm>>) target(%dma_start3A_1044 : memref<20x128xf32, #tpu.memory_space<vmem>>) offsets(%dma_start3A_1047 : memref<20xi32, #tpu.memory_space<vmem>>) semaphore(%arg9 : memref<!tpu.dma_semaphore, #tpu.memory_space<semaphore_mem>>)
    %dma_start3A_1051 = arith.constant 13 : i32
    %dma_start3A_1052 = arith.constant 13 : i32
    %dma_start3A_1053 = arith.constant 0 : i32
    %dma_start3A_1054 = arith.constant 0 : i32
    %dma_start3A_1055 = tpu.memref_slice %arg7[%dma_start3A_1052, %dma_start3A_1053, %dma_start3A_1054] : memref<32x20x128xf32, #tpu.memory_space<vmem>> -> memref<1x20x128xf32, #tpu.memory_space<vmem>>
    %dma_start3A_1056 = tpu.memref_squeeze %dma_start3A_1055 : memref<1x20x128xf32, #tpu.memory_space<vmem>> -> memref<20x128xf32, #tpu.memory_space<vmem>>
    %dma_start3A_1057 = arith.constant 0 : i32
    %dma_start3A_1058 = tpu.memref_slice %arg6[%dma_start3A_1051, %dma_start3A_1057] : memref<32x20xi32, #tpu.memory_space<vmem>> -> memref<1x20xi32, #tpu.memory_space<vmem>>
    %dma_start3A_1059 = tpu.memref_squeeze %dma_start3A_1058 : memref<1x20xi32, #tpu.memory_space<vmem>> -> memref<20xi32, #tpu.memory_space<vmem>>
    %dma_start3A_1060 = arith.constant 0 : i32
    %dma_start3A_1061 = arith.constant 0 : i32
    %dma_start3A_1062 = tpu.memref_slice %arg2[%dma_start3A_1060, %dma_start3A_1061] : memref<50000x128xf32, #tpu.memory_space<hbm>> -> memref<50000x128xf32, #tpu.memory_space<hbm>>
    tpu.enqueue_indirect_dma source(%dma_start3A_1062 : memref<50000x128xf32, #tpu.memory_space<hbm>>) target(%dma_start3A_1056 : memref<20x128xf32, #tpu.memory_space<vmem>>) offsets(%dma_start3A_1059 : memref<20xi32, #tpu.memory_space<vmem>>) semaphore(%arg9 : memref<!tpu.dma_semaphore, #tpu.memory_space<semaphore_mem>>)
    %dma_start3A_1063 = arith.constant 14 : i32
    %dma_start3A_1064 = arith.constant 14 : i32
    %dma_start3A_1065 = arith.constant 0 : i32
    %dma_start3A_1066 = arith.constant 0 : i32
    %dma_start3A_1067 = tpu.memref_slice %arg7[%dma_start3A_1064, %dma_start3A_1065, %dma_start3A_1066] : memref<32x20x128xf32, #tpu.memory_space<vmem>> -> memref<1x20x128xf32, #tpu.memory_space<vmem>>
    %dma_start3A_1068 = tpu.memref_squeeze %dma_start3A_1067 : memref<1x20x128xf32, #tpu.memory_space<vmem>> -> memref<20x128xf32, #tpu.memory_space<vmem>>
    %dma_start3A_1069 = arith.constant 0 : i32
    %dma_start3A_1070 = tpu.memref_slice %arg6[%dma_start3A_1063, %dma_start3A_1069] : memref<32x20xi32, #tpu.memory_space<vmem>> -> memref<1x20xi32, #tpu.memory_space<vmem>>
    %dma_start3A_1071 = tpu.memref_squeeze %dma_start3A_1070 : memref<1x20xi32, #tpu.memory_space<vmem>> -> memref<20xi32, #tpu.memory_space<vmem>>
    %dma_start3A_1072 = arith.constant 0 : i32
    %dma_start3A_1073 = arith.constant 0 : i32
    %dma_start3A_1074 = tpu.memref_slice %arg2[%dma_start3A_1072, %dma_start3A_1073] : memref<50000x128xf32, #tpu.memory_space<hbm>> -> memref<50000x128xf32, #tpu.memory_space<hbm>>
    tpu.enqueue_indirect_dma source(%dma_start3A_1074 : memref<50000x128xf32, #tpu.memory_space<hbm>>) target(%dma_start3A_1068 : memref<20x128xf32, #tpu.memory_space<vmem>>) offsets(%dma_start3A_1071 : memref<20xi32, #tpu.memory_space<vmem>>) semaphore(%arg9 : memref<!tpu.dma_semaphore, #tpu.memory_space<semaphore_mem>>)
    %dma_start3A_1075 = arith.constant 15 : i32
    %dma_start3A_1076 = arith.constant 15 : i32
    %dma_start3A_1077 = arith.constant 0 : i32
    %dma_start3A_1078 = arith.constant 0 : i32
    %dma_start3A_1079 = tpu.memref_slice %arg7[%dma_start3A_1076, %dma_start3A_1077, %dma_start3A_1078] : memref<32x20x128xf32, #tpu.memory_space<vmem>> -> memref<1x20x128xf32, #tpu.memory_space<vmem>>
    %dma_start3A_1080 = tpu.memref_squeeze %dma_start3A_1079 : memref<1x20x128xf32, #tpu.memory_space<vmem>> -> memref<20x128xf32, #tpu.memory_space<vmem>>
    %dma_start3A_1081 = arith.constant 0 : i32
    %dma_start3A_1082 = tpu.memref_slice %arg6[%dma_start3A_1075, %dma_start3A_1081] : memref<32x20xi32, #tpu.memory_space<vmem>> -> memref<1x20xi32, #tpu.memory_space<vmem>>
    %dma_start3A_1083 = tpu.memref_squeeze %dma_start3A_1082 : memref<1x20xi32, #tpu.memory_space<vmem>> -> memref<20xi32, #tpu.memory_space<vmem>>
    %dma_start3A_1084 = arith.constant 0 : i32
    %dma_start3A_1085 = arith.constant 0 : i32
    %dma_start3A_1086 = tpu.memref_slice %arg2[%dma_start3A_1084, %dma_start3A_1085] : memref<50000x128xf32, #tpu.memory_space<hbm>> -> memref<50000x128xf32, #tpu.memory_space<hbm>>
    tpu.enqueue_indirect_dma source(%dma_start3A_1086 : memref<50000x128xf32, #tpu.memory_space<hbm>>) target(%dma_start3A_1080 : memref<20x128xf32, #tpu.memory_space<vmem>>) offsets(%dma_start3A_1083 : memref<20xi32, #tpu.memory_space<vmem>>) semaphore(%arg9 : memref<!tpu.dma_semaphore, #tpu.memory_space<semaphore_mem>>)
    %dma_start3A_1087 = arith.constant 16 : i32
    %dma_start3A_1088 = arith.constant 16 : i32
    %dma_start3A_1089 = arith.constant 0 : i32
    %dma_start3A_1090 = arith.constant 0 : i32
    %dma_start3A_1091 = tpu.memref_slice %arg7[%dma_start3A_1088, %dma_start3A_1089, %dma_start3A_1090] : memref<32x20x128xf32, #tpu.memory_space<vmem>> -> memref<1x20x128xf32, #tpu.memory_space<vmem>>
    %dma_start3A_1092 = tpu.memref_squeeze %dma_start3A_1091 : memref<1x20x128xf32, #tpu.memory_space<vmem>> -> memref<20x128xf32, #tpu.memory_space<vmem>>
    %dma_start3A_1093 = arith.constant 0 : i32
    %dma_start3A_1094 = tpu.memref_slice %arg6[%dma_start3A_1087, %dma_start3A_1093] : memref<32x20xi32, #tpu.memory_space<vmem>> -> memref<1x20xi32, #tpu.memory_space<vmem>>
    %dma_start3A_1095 = tpu.memref_squeeze %dma_start3A_1094 : memref<1x20xi32, #tpu.memory_space<vmem>> -> memref<20xi32, #tpu.memory_space<vmem>>
    %dma_start3A_1096 = arith.constant 0 : i32
    %dma_start3A_1097 = arith.constant 0 : i32
    %dma_start3A_1098 = tpu.memref_slice %arg2[%dma_start3A_1096, %dma_start3A_1097] : memref<50000x128xf32, #tpu.memory_space<hbm>> -> memref<50000x128xf32, #tpu.memory_space<hbm>>
    tpu.enqueue_indirect_dma source(%dma_start3A_1098 : memref<50000x128xf32, #tpu.memory_space<hbm>>) target(%dma_start3A_1092 : memref<20x128xf32, #tpu.memory_space<vmem>>) offsets(%dma_start3A_1095 : memref<20xi32, #tpu.memory_space<vmem>>) semaphore(%arg9 : memref<!tpu.dma_semaphore, #tpu.memory_space<semaphore_mem>>)
    %dma_start3A_1099 = arith.constant 17 : i32
    %dma_start3A_1100 = arith.constant 17 : i32
    %dma_start3A_1101 = arith.constant 0 : i32
    %dma_start3A_1102 = arith.constant 0 : i32
    %dma_start3A_1103 = tpu.memref_slice %arg7[%dma_start3A_1100, %dma_start3A_1101, %dma_start3A_1102] : memref<32x20x128xf32, #tpu.memory_space<vmem>> -> memref<1x20x128xf32, #tpu.memory_space<vmem>>
    %dma_start3A_1104 = tpu.memref_squeeze %dma_start3A_1103 : memref<1x20x128xf32, #tpu.memory_space<vmem>> -> memref<20x128xf32, #tpu.memory_space<vmem>>
    %dma_start3A_1105 = arith.constant 0 : i32
    %dma_start3A_1106 = tpu.memref_slice %arg6[%dma_start3A_1099, %dma_start3A_1105] : memref<32x20xi32, #tpu.memory_space<vmem>> -> memref<1x20xi32, #tpu.memory_space<vmem>>
    %dma_start3A_1107 = tpu.memref_squeeze %dma_start3A_1106 : memref<1x20xi32, #tpu.memory_space<vmem>> -> memref<20xi32, #tpu.memory_space<vmem>>
    %dma_start3A_1108 = arith.constant 0 : i32
    %dma_start3A_1109 = arith.constant 0 : i32
    %dma_start3A_1110 = tpu.memref_slice %arg2[%dma_start3A_1108, %dma_start3A_1109] : memref<50000x128xf32, #tpu.memory_space<hbm>> -> memref<50000x128xf32, #tpu.memory_space<hbm>>
    tpu.enqueue_indirect_dma source(%dma_start3A_1110 : memref<50000x128xf32, #tpu.memory_space<hbm>>) target(%dma_start3A_1104 : memref<20x128xf32, #tpu.memory_space<vmem>>) offsets(%dma_start3A_1107 : memref<20xi32, #tpu.memory_space<vmem>>) semaphore(%arg9 : memref<!tpu.dma_semaphore, #tpu.memory_space<semaphore_mem>>)
    %dma_start3A_1111 = arith.constant 18 : i32
    %dma_start3A_1112 = arith.constant 18 : i32
    %dma_start3A_1113 = arith.constant 0 : i32
    %dma_start3A_1114 = arith.constant 0 : i32
    %dma_start3A_1115 = tpu.memref_slice %arg7[%dma_start3A_1112, %dma_start3A_1113, %dma_start3A_1114] : memref<32x20x128xf32, #tpu.memory_space<vmem>> -> memref<1x20x128xf32, #tpu.memory_space<vmem>>
    %dma_start3A_1116 = tpu.memref_squeeze %dma_start3A_1115 : memref<1x20x128xf32, #tpu.memory_space<vmem>> -> memref<20x128xf32, #tpu.memory_space<vmem>>
    %dma_start3A_1117 = arith.constant 0 : i32
    %dma_start3A_1118 = tpu.memref_slice %arg6[%dma_start3A_1111, %dma_start3A_1117] : memref<32x20xi32, #tpu.memory_space<vmem>> -> memref<1x20xi32, #tpu.memory_space<vmem>>
    %dma_start3A_1119 = tpu.memref_squeeze %dma_start3A_1118 : memref<1x20xi32, #tpu.memory_space<vmem>> -> memref<20xi32, #tpu.memory_space<vmem>>
    %dma_start3A_1120 = arith.constant 0 : i32
    %dma_start3A_1121 = arith.constant 0 : i32
    %dma_start3A_1122 = tpu.memref_slice %arg2[%dma_start3A_1120, %dma_start3A_1121] : memref<50000x128xf32, #tpu.memory_space<hbm>> -> memref<50000x128xf32, #tpu.memory_space<hbm>>
    tpu.enqueue_indirect_dma source(%dma_start3A_1122 : memref<50000x128xf32, #tpu.memory_space<hbm>>) target(%dma_start3A_1116 : memref<20x128xf32, #tpu.memory_space<vmem>>) offsets(%dma_start3A_1119 : memref<20xi32, #tpu.memory_space<vmem>>) semaphore(%arg9 : memref<!tpu.dma_semaphore, #tpu.memory_space<semaphore_mem>>)
    %dma_start3A_1123 = arith.constant 19 : i32
    %dma_start3A_1124 = arith.constant 19 : i32
    %dma_start3A_1125 = arith.constant 0 : i32
    %dma_start3A_1126 = arith.constant 0 : i32
    %dma_start3A_1127 = tpu.memref_slice %arg7[%dma_start3A_1124, %dma_start3A_1125, %dma_start3A_1126] : memref<32x20x128xf32, #tpu.memory_space<vmem>> -> memref<1x20x128xf32, #tpu.memory_space<vmem>>
    %dma_start3A_1128 = tpu.memref_squeeze %dma_start3A_1127 : memref<1x20x128xf32, #tpu.memory_space<vmem>> -> memref<20x128xf32, #tpu.memory_space<vmem>>
    %dma_start3A_1129 = arith.constant 0 : i32
    %dma_start3A_1130 = tpu.memref_slice %arg6[%dma_start3A_1123, %dma_start3A_1129] : memref<32x20xi32, #tpu.memory_space<vmem>> -> memref<1x20xi32, #tpu.memory_space<vmem>>
    %dma_start3A_1131 = tpu.memref_squeeze %dma_start3A_1130 : memref<1x20xi32, #tpu.memory_space<vmem>> -> memref<20xi32, #tpu.memory_space<vmem>>
    %dma_start3A_1132 = arith.constant 0 : i32
    %dma_start3A_1133 = arith.constant 0 : i32
    %dma_start3A_1134 = tpu.memref_slice %arg2[%dma_start3A_1132, %dma_start3A_1133] : memref<50000x128xf32, #tpu.memory_space<hbm>> -> memref<50000x128xf32, #tpu.memory_space<hbm>>
    tpu.enqueue_indirect_dma source(%dma_start3A_1134 : memref<50000x128xf32, #tpu.memory_space<hbm>>) target(%dma_start3A_1128 : memref<20x128xf32, #tpu.memory_space<vmem>>) offsets(%dma_start3A_1131 : memref<20xi32, #tpu.memory_space<vmem>>) semaphore(%arg9 : memref<!tpu.dma_semaphore, #tpu.memory_space<semaphore_mem>>)
    %dma_start3A_1135 = arith.constant 20 : i32
    %dma_start3A_1136 = arith.constant 20 : i32
    %dma_start3A_1137 = arith.constant 0 : i32
    %dma_start3A_1138 = arith.constant 0 : i32
    %dma_start3A_1139 = tpu.memref_slice %arg7[%dma_start3A_1136, %dma_start3A_1137, %dma_start3A_1138] : memref<32x20x128xf32, #tpu.memory_space<vmem>> -> memref<1x20x128xf32, #tpu.memory_space<vmem>>
    %dma_start3A_1140 = tpu.memref_squeeze %dma_start3A_1139 : memref<1x20x128xf32, #tpu.memory_space<vmem>> -> memref<20x128xf32, #tpu.memory_space<vmem>>
    %dma_start3A_1141 = arith.constant 0 : i32
    %dma_start3A_1142 = tpu.memref_slice %arg6[%dma_start3A_1135, %dma_start3A_1141] : memref<32x20xi32, #tpu.memory_space<vmem>> -> memref<1x20xi32, #tpu.memory_space<vmem>>
    %dma_start3A_1143 = tpu.memref_squeeze %dma_start3A_1142 : memref<1x20xi32, #tpu.memory_space<vmem>> -> memref<20xi32, #tpu.memory_space<vmem>>
    %dma_start3A_1144 = arith.constant 0 : i32
    %dma_start3A_1145 = arith.constant 0 : i32
    %dma_start3A_1146 = tpu.memref_slice %arg2[%dma_start3A_1144, %dma_start3A_1145] : memref<50000x128xf32, #tpu.memory_space<hbm>> -> memref<50000x128xf32, #tpu.memory_space<hbm>>
    tpu.enqueue_indirect_dma source(%dma_start3A_1146 : memref<50000x128xf32, #tpu.memory_space<hbm>>) target(%dma_start3A_1140 : memref<20x128xf32, #tpu.memory_space<vmem>>) offsets(%dma_start3A_1143 : memref<20xi32, #tpu.memory_space<vmem>>) semaphore(%arg9 : memref<!tpu.dma_semaphore, #tpu.memory_space<semaphore_mem>>)
    %dma_start3A_1147 = arith.constant 21 : i32
    %dma_start3A_1148 = arith.constant 21 : i32
    %dma_start3A_1149 = arith.constant 0 : i32
    %dma_start3A_1150 = arith.constant 0 : i32
    %dma_start3A_1151 = tpu.memref_slice %arg7[%dma_start3A_1148, %dma_start3A_1149, %dma_start3A_1150] : memref<32x20x128xf32, #tpu.memory_space<vmem>> -> memref<1x20x128xf32, #tpu.memory_space<vmem>>
    %dma_start3A_1152 = tpu.memref_squeeze %dma_start3A_1151 : memref<1x20x128xf32, #tpu.memory_space<vmem>> -> memref<20x128xf32, #tpu.memory_space<vmem>>
    %dma_start3A_1153 = arith.constant 0 : i32
    %dma_start3A_1154 = tpu.memref_slice %arg6[%dma_start3A_1147, %dma_start3A_1153] : memref<32x20xi32, #tpu.memory_space<vmem>> -> memref<1x20xi32, #tpu.memory_space<vmem>>
    %dma_start3A_1155 = tpu.memref_squeeze %dma_start3A_1154 : memref<1x20xi32, #tpu.memory_space<vmem>> -> memref<20xi32, #tpu.memory_space<vmem>>
    %dma_start3A_1156 = arith.constant 0 : i32
    %dma_start3A_1157 = arith.constant 0 : i32
    %dma_start3A_1158 = tpu.memref_slice %arg2[%dma_start3A_1156, %dma_start3A_1157] : memref<50000x128xf32, #tpu.memory_space<hbm>> -> memref<50000x128xf32, #tpu.memory_space<hbm>>
    tpu.enqueue_indirect_dma source(%dma_start3A_1158 : memref<50000x128xf32, #tpu.memory_space<hbm>>) target(%dma_start3A_1152 : memref<20x128xf32, #tpu.memory_space<vmem>>) offsets(%dma_start3A_1155 : memref<20xi32, #tpu.memory_space<vmem>>) semaphore(%arg9 : memref<!tpu.dma_semaphore, #tpu.memory_space<semaphore_mem>>)
    %dma_start3A_1159 = arith.constant 22 : i32
    %dma_start3A_1160 = arith.constant 22 : i32
    %dma_start3A_1161 = arith.constant 0 : i32
    %dma_start3A_1162 = arith.constant 0 : i32
    %dma_start3A_1163 = tpu.memref_slice %arg7[%dma_start3A_1160, %dma_start3A_1161, %dma_start3A_1162] : memref<32x20x128xf32, #tpu.memory_space<vmem>> -> memref<1x20x128xf32, #tpu.memory_space<vmem>>
    %dma_start3A_1164 = tpu.memref_squeeze %dma_start3A_1163 : memref<1x20x128xf32, #tpu.memory_space<vmem>> -> memref<20x128xf32, #tpu.memory_space<vmem>>
    %dma_start3A_1165 = arith.constant 0 : i32
    %dma_start3A_1166 = tpu.memref_slice %arg6[%dma_start3A_1159, %dma_start3A_1165] : memref<32x20xi32, #tpu.memory_space<vmem>> -> memref<1x20xi32, #tpu.memory_space<vmem>>
    %dma_start3A_1167 = tpu.memref_squeeze %dma_start3A_1166 : memref<1x20xi32, #tpu.memory_space<vmem>> -> memref<20xi32, #tpu.memory_space<vmem>>
    %dma_start3A_1168 = arith.constant 0 : i32
    %dma_start3A_1169 = arith.constant 0 : i32
    %dma_start3A_1170 = tpu.memref_slice %arg2[%dma_start3A_1168, %dma_start3A_1169] : memref<50000x128xf32, #tpu.memory_space<hbm>> -> memref<50000x128xf32, #tpu.memory_space<hbm>>
    tpu.enqueue_indirect_dma source(%dma_start3A_1170 : memref<50000x128xf32, #tpu.memory_space<hbm>>) target(%dma_start3A_1164 : memref<20x128xf32, #tpu.memory_space<vmem>>) offsets(%dma_start3A_1167 : memref<20xi32, #tpu.memory_space<vmem>>) semaphore(%arg9 : memref<!tpu.dma_semaphore, #tpu.memory_space<semaphore_mem>>)
    %dma_start3A_1171 = arith.constant 23 : i32
    %dma_start3A_1172 = arith.constant 23 : i32
    %dma_start3A_1173 = arith.constant 0 : i32
    %dma_start3A_1174 = arith.constant 0 : i32
    %dma_start3A_1175 = tpu.memref_slice %arg7[%dma_start3A_1172, %dma_start3A_1173, %dma_start3A_1174] : memref<32x20x128xf32, #tpu.memory_space<vmem>> -> memref<1x20x128xf32, #tpu.memory_space<vmem>>
    %dma_start3A_1176 = tpu.memref_squeeze %dma_start3A_1175 : memref<1x20x128xf32, #tpu.memory_space<vmem>> -> memref<20x128xf32, #tpu.memory_space<vmem>>
    %dma_start3A_1177 = arith.constant 0 : i32
    %dma_start3A_1178 = tpu.memref_slice %arg6[%dma_start3A_1171, %dma_start3A_1177] : memref<32x20xi32, #tpu.memory_space<vmem>> -> memref<1x20xi32, #tpu.memory_space<vmem>>
    %dma_start3A_1179 = tpu.memref_squeeze %dma_start3A_1178 : memref<1x20xi32, #tpu.memory_space<vmem>> -> memref<20xi32, #tpu.memory_space<vmem>>
    %dma_start3A_1180 = arith.constant 0 : i32
    %dma_start3A_1181 = arith.constant 0 : i32
    %dma_start3A_1182 = tpu.memref_slice %arg2[%dma_start3A_1180, %dma_start3A_1181] : memref<50000x128xf32, #tpu.memory_space<hbm>> -> memref<50000x128xf32, #tpu.memory_space<hbm>>
    tpu.enqueue_indirect_dma source(%dma_start3A_1182 : memref<50000x128xf32, #tpu.memory_space<hbm>>) target(%dma_start3A_1176 : memref<20x128xf32, #tpu.memory_space<vmem>>) offsets(%dma_start3A_1179 : memref<20xi32, #tpu.memory_space<vmem>>) semaphore(%arg9 : memref<!tpu.dma_semaphore, #tpu.memory_space<semaphore_mem>>)
    %dma_start3A_1183 = arith.constant 24 : i32
    %dma_start3A_1184 = arith.constant 24 : i32
    %dma_start3A_1185 = arith.constant 0 : i32
    %dma_start3A_1186 = arith.constant 0 : i32
    %dma_start3A_1187 = tpu.memref_slice %arg7[%dma_start3A_1184, %dma_start3A_1185, %dma_start3A_1186] : memref<32x20x128xf32, #tpu.memory_space<vmem>> -> memref<1x20x128xf32, #tpu.memory_space<vmem>>
    %dma_start3A_1188 = tpu.memref_squeeze %dma_start3A_1187 : memref<1x20x128xf32, #tpu.memory_space<vmem>> -> memref<20x128xf32, #tpu.memory_space<vmem>>
    %dma_start3A_1189 = arith.constant 0 : i32
    %dma_start3A_1190 = tpu.memref_slice %arg6[%dma_start3A_1183, %dma_start3A_1189] : memref<32x20xi32, #tpu.memory_space<vmem>> -> memref<1x20xi32, #tpu.memory_space<vmem>>
    %dma_start3A_1191 = tpu.memref_squeeze %dma_start3A_1190 : memref<1x20xi32, #tpu.memory_space<vmem>> -> memref<20xi32, #tpu.memory_space<vmem>>
    %dma_start3A_1192 = arith.constant 0 : i32
    %dma_start3A_1193 = arith.constant 0 : i32
    %dma_start3A_1194 = tpu.memref_slice %arg2[%dma_start3A_1192, %dma_start3A_1193] : memref<50000x128xf32, #tpu.memory_space<hbm>> -> memref<50000x128xf32, #tpu.memory_space<hbm>>
    tpu.enqueue_indirect_dma source(%dma_start3A_1194 : memref<50000x128xf32, #tpu.memory_space<hbm>>) target(%dma_start3A_1188 : memref<20x128xf32, #tpu.memory_space<vmem>>) offsets(%dma_start3A_1191 : memref<20xi32, #tpu.memory_space<vmem>>) semaphore(%arg9 : memref<!tpu.dma_semaphore, #tpu.memory_space<semaphore_mem>>)
    %dma_start3A_1195 = arith.constant 25 : i32
    %dma_start3A_1196 = arith.constant 25 : i32
    %dma_start3A_1197 = arith.constant 0 : i32
    %dma_start3A_1198 = arith.constant 0 : i32
    %dma_start3A_1199 = tpu.memref_slice %arg7[%dma_start3A_1196, %dma_start3A_1197, %dma_start3A_1198] : memref<32x20x128xf32, #tpu.memory_space<vmem>> -> memref<1x20x128xf32, #tpu.memory_space<vmem>>
    %dma_start3A_1200 = tpu.memref_squeeze %dma_start3A_1199 : memref<1x20x128xf32, #tpu.memory_space<vmem>> -> memref<20x128xf32, #tpu.memory_space<vmem>>
    %dma_start3A_1201 = arith.constant 0 : i32
    %dma_start3A_1202 = tpu.memref_slice %arg6[%dma_start3A_1195, %dma_start3A_1201] : memref<32x20xi32, #tpu.memory_space<vmem>> -> memref<1x20xi32, #tpu.memory_space<vmem>>
    %dma_start3A_1203 = tpu.memref_squeeze %dma_start3A_1202 : memref<1x20xi32, #tpu.memory_space<vmem>> -> memref<20xi32, #tpu.memory_space<vmem>>
    %dma_start3A_1204 = arith.constant 0 : i32
    %dma_start3A_1205 = arith.constant 0 : i32
    %dma_start3A_1206 = tpu.memref_slice %arg2[%dma_start3A_1204, %dma_start3A_1205] : memref<50000x128xf32, #tpu.memory_space<hbm>> -> memref<50000x128xf32, #tpu.memory_space<hbm>>
    tpu.enqueue_indirect_dma source(%dma_start3A_1206 : memref<50000x128xf32, #tpu.memory_space<hbm>>) target(%dma_start3A_1200 : memref<20x128xf32, #tpu.memory_space<vmem>>) offsets(%dma_start3A_1203 : memref<20xi32, #tpu.memory_space<vmem>>) semaphore(%arg9 : memref<!tpu.dma_semaphore, #tpu.memory_space<semaphore_mem>>)
    %dma_start3A_1207 = arith.constant 26 : i32
    %dma_start3A_1208 = arith.constant 26 : i32
    %dma_start3A_1209 = arith.constant 0 : i32
    %dma_start3A_1210 = arith.constant 0 : i32
    %dma_start3A_1211 = tpu.memref_slice %arg7[%dma_start3A_1208, %dma_start3A_1209, %dma_start3A_1210] : memref<32x20x128xf32, #tpu.memory_space<vmem>> -> memref<1x20x128xf32, #tpu.memory_space<vmem>>
    %dma_start3A_1212 = tpu.memref_squeeze %dma_start3A_1211 : memref<1x20x128xf32, #tpu.memory_space<vmem>> -> memref<20x128xf32, #tpu.memory_space<vmem>>
    %dma_start3A_1213 = arith.constant 0 : i32
    %dma_start3A_1214 = tpu.memref_slice %arg6[%dma_start3A_1207, %dma_start3A_1213] : memref<32x20xi32, #tpu.memory_space<vmem>> -> memref<1x20xi32, #tpu.memory_space<vmem>>
    %dma_start3A_1215 = tpu.memref_squeeze %dma_start3A_1214 : memref<1x20xi32, #tpu.memory_space<vmem>> -> memref<20xi32, #tpu.memory_space<vmem>>
    %dma_start3A_1216 = arith.constant 0 : i32
    %dma_start3A_1217 = arith.constant 0 : i32
    %dma_start3A_1218 = tpu.memref_slice %arg2[%dma_start3A_1216, %dma_start3A_1217] : memref<50000x128xf32, #tpu.memory_space<hbm>> -> memref<50000x128xf32, #tpu.memory_space<hbm>>
    tpu.enqueue_indirect_dma source(%dma_start3A_1218 : memref<50000x128xf32, #tpu.memory_space<hbm>>) target(%dma_start3A_1212 : memref<20x128xf32, #tpu.memory_space<vmem>>) offsets(%dma_start3A_1215 : memref<20xi32, #tpu.memory_space<vmem>>) semaphore(%arg9 : memref<!tpu.dma_semaphore, #tpu.memory_space<semaphore_mem>>)
    %dma_start3A_1219 = arith.constant 27 : i32
    %dma_start3A_1220 = arith.constant 27 : i32
    %dma_start3A_1221 = arith.constant 0 : i32
    %dma_start3A_1222 = arith.constant 0 : i32
    %dma_start3A_1223 = tpu.memref_slice %arg7[%dma_start3A_1220, %dma_start3A_1221, %dma_start3A_1222] : memref<32x20x128xf32, #tpu.memory_space<vmem>> -> memref<1x20x128xf32, #tpu.memory_space<vmem>>
    %dma_start3A_1224 = tpu.memref_squeeze %dma_start3A_1223 : memref<1x20x128xf32, #tpu.memory_space<vmem>> -> memref<20x128xf32, #tpu.memory_space<vmem>>
    %dma_start3A_1225 = arith.constant 0 : i32
    %dma_start3A_1226 = tpu.memref_slice %arg6[%dma_start3A_1219, %dma_start3A_1225] : memref<32x20xi32, #tpu.memory_space<vmem>> -> memref<1x20xi32, #tpu.memory_space<vmem>>
    %dma_start3A_1227 = tpu.memref_squeeze %dma_start3A_1226 : memref<1x20xi32, #tpu.memory_space<vmem>> -> memref<20xi32, #tpu.memory_space<vmem>>
    %dma_start3A_1228 = arith.constant 0 : i32
    %dma_start3A_1229 = arith.constant 0 : i32
    %dma_start3A_1230 = tpu.memref_slice %arg2[%dma_start3A_1228, %dma_start3A_1229] : memref<50000x128xf32, #tpu.memory_space<hbm>> -> memref<50000x128xf32, #tpu.memory_space<hbm>>
    tpu.enqueue_indirect_dma source(%dma_start3A_1230 : memref<50000x128xf32, #tpu.memory_space<hbm>>) target(%dma_start3A_1224 : memref<20x128xf32, #tpu.memory_space<vmem>>) offsets(%dma_start3A_1227 : memref<20xi32, #tpu.memory_space<vmem>>) semaphore(%arg9 : memref<!tpu.dma_semaphore, #tpu.memory_space<semaphore_mem>>)
    %dma_start3A_1231 = arith.constant 28 : i32
    %dma_start3A_1232 = arith.constant 28 : i32
    %dma_start3A_1233 = arith.constant 0 : i32
    %dma_start3A_1234 = arith.constant 0 : i32
    %dma_start3A_1235 = tpu.memref_slice %arg7[%dma_start3A_1232, %dma_start3A_1233, %dma_start3A_1234] : memref<32x20x128xf32, #tpu.memory_space<vmem>> -> memref<1x20x128xf32, #tpu.memory_space<vmem>>
    %dma_start3A_1236 = tpu.memref_squeeze %dma_start3A_1235 : memref<1x20x128xf32, #tpu.memory_space<vmem>> -> memref<20x128xf32, #tpu.memory_space<vmem>>
    %dma_start3A_1237 = arith.constant 0 : i32
    %dma_start3A_1238 = tpu.memref_slice %arg6[%dma_start3A_1231, %dma_start3A_1237] : memref<32x20xi32, #tpu.memory_space<vmem>> -> memref<1x20xi32, #tpu.memory_space<vmem>>
    %dma_start3A_1239 = tpu.memref_squeeze %dma_start3A_1238 : memref<1x20xi32, #tpu.memory_space<vmem>> -> memref<20xi32, #tpu.memory_space<vmem>>
    %dma_start3A_1240 = arith.constant 0 : i32
    %dma_start3A_1241 = arith.constant 0 : i32
    %dma_start3A_1242 = tpu.memref_slice %arg2[%dma_start3A_1240, %dma_start3A_1241] : memref<50000x128xf32, #tpu.memory_space<hbm>> -> memref<50000x128xf32, #tpu.memory_space<hbm>>
    tpu.enqueue_indirect_dma source(%dma_start3A_1242 : memref<50000x128xf32, #tpu.memory_space<hbm>>) target(%dma_start3A_1236 : memref<20x128xf32, #tpu.memory_space<vmem>>) offsets(%dma_start3A_1239 : memref<20xi32, #tpu.memory_space<vmem>>) semaphore(%arg9 : memref<!tpu.dma_semaphore, #tpu.memory_space<semaphore_mem>>)
    %dma_start3A_1243 = arith.constant 29 : i32
    %dma_start3A_1244 = arith.constant 29 : i32
    %dma_start3A_1245 = arith.constant 0 : i32
    %dma_start3A_1246 = arith.constant 0 : i32
    %dma_start3A_1247 = tpu.memref_slice %arg7[%dma_start3A_1244, %dma_start3A_1245, %dma_start3A_1246] : memref<32x20x128xf32, #tpu.memory_space<vmem>> -> memref<1x20x128xf32, #tpu.memory_space<vmem>>
    %dma_start3A_1248 = tpu.memref_squeeze %dma_start3A_1247 : memref<1x20x128xf32, #tpu.memory_space<vmem>> -> memref<20x128xf32, #tpu.memory_space<vmem>>
    %dma_start3A_1249 = arith.constant 0 : i32
    %dma_start3A_1250 = tpu.memref_slice %arg6[%dma_start3A_1243, %dma_start3A_1249] : memref<32x20xi32, #tpu.memory_space<vmem>> -> memref<1x20xi32, #tpu.memory_space<vmem>>
    %dma_start3A_1251 = tpu.memref_squeeze %dma_start3A_1250 : memref<1x20xi32, #tpu.memory_space<vmem>> -> memref<20xi32, #tpu.memory_space<vmem>>
    %dma_start3A_1252 = arith.constant 0 : i32
    %dma_start3A_1253 = arith.constant 0 : i32
    %dma_start3A_1254 = tpu.memref_slice %arg2[%dma_start3A_1252, %dma_start3A_1253] : memref<50000x128xf32, #tpu.memory_space<hbm>> -> memref<50000x128xf32, #tpu.memory_space<hbm>>
    tpu.enqueue_indirect_dma source(%dma_start3A_1254 : memref<50000x128xf32, #tpu.memory_space<hbm>>) target(%dma_start3A_1248 : memref<20x128xf32, #tpu.memory_space<vmem>>) offsets(%dma_start3A_1251 : memref<20xi32, #tpu.memory_space<vmem>>) semaphore(%arg9 : memref<!tpu.dma_semaphore, #tpu.memory_space<semaphore_mem>>)
    %dma_start3A_1255 = arith.constant 30 : i32
    %dma_start3A_1256 = arith.constant 30 : i32
    %dma_start3A_1257 = arith.constant 0 : i32
    %dma_start3A_1258 = arith.constant 0 : i32
    %dma_start3A_1259 = tpu.memref_slice %arg7[%dma_start3A_1256, %dma_start3A_1257, %dma_start3A_1258] : memref<32x20x128xf32, #tpu.memory_space<vmem>> -> memref<1x20x128xf32, #tpu.memory_space<vmem>>
    %dma_start3A_1260 = tpu.memref_squeeze %dma_start3A_1259 : memref<1x20x128xf32, #tpu.memory_space<vmem>> -> memref<20x128xf32, #tpu.memory_space<vmem>>
    %dma_start3A_1261 = arith.constant 0 : i32
    %dma_start3A_1262 = tpu.memref_slice %arg6[%dma_start3A_1255, %dma_start3A_1261] : memref<32x20xi32, #tpu.memory_space<vmem>> -> memref<1x20xi32, #tpu.memory_space<vmem>>
    %dma_start3A_1263 = tpu.memref_squeeze %dma_start3A_1262 : memref<1x20xi32, #tpu.memory_space<vmem>> -> memref<20xi32, #tpu.memory_space<vmem>>
    %dma_start3A_1264 = arith.constant 0 : i32
    %dma_start3A_1265 = arith.constant 0 : i32
    %dma_start3A_1266 = tpu.memref_slice %arg2[%dma_start3A_1264, %dma_start3A_1265] : memref<50000x128xf32, #tpu.memory_space<hbm>> -> memref<50000x128xf32, #tpu.memory_space<hbm>>
    tpu.enqueue_indirect_dma source(%dma_start3A_1266 : memref<50000x128xf32, #tpu.memory_space<hbm>>) target(%dma_start3A_1260 : memref<20x128xf32, #tpu.memory_space<vmem>>) offsets(%dma_start3A_1263 : memref<20xi32, #tpu.memory_space<vmem>>) semaphore(%arg9 : memref<!tpu.dma_semaphore, #tpu.memory_space<semaphore_mem>>)
    %dma_start3A_1267 = arith.constant 31 : i32
    %dma_start3A_1268 = arith.constant 31 : i32
    %dma_start3A_1269 = arith.constant 0 : i32
    %dma_start3A_1270 = arith.constant 0 : i32
    %dma_start3A_1271 = tpu.memref_slice %arg7[%dma_start3A_1268, %dma_start3A_1269, %dma_start3A_1270] : memref<32x20x128xf32, #tpu.memory_space<vmem>> -> memref<1x20x128xf32, #tpu.memory_space<vmem>>
    %dma_start3A_1272 = tpu.memref_squeeze %dma_start3A_1271 : memref<1x20x128xf32, #tpu.memory_space<vmem>> -> memref<20x128xf32, #tpu.memory_space<vmem>>
    %dma_start3A_1273 = arith.constant 0 : i32
    %dma_start3A_1274 = tpu.memref_slice %arg6[%dma_start3A_1267, %dma_start3A_1273] : memref<32x20xi32, #tpu.memory_space<vmem>> -> memref<1x20xi32, #tpu.memory_space<vmem>>
    %dma_start3A_1275 = tpu.memref_squeeze %dma_start3A_1274 : memref<1x20xi32, #tpu.memory_space<vmem>> -> memref<20xi32, #tpu.memory_space<vmem>>
    %dma_start3A_1276 = arith.constant 0 : i32
    %dma_start3A_1277 = arith.constant 0 : i32
    %dma_start3A_1278 = tpu.memref_slice %arg2[%dma_start3A_1276, %dma_start3A_1277] : memref<50000x128xf32, #tpu.memory_space<hbm>> -> memref<50000x128xf32, #tpu.memory_space<hbm>>
    tpu.enqueue_indirect_dma source(%dma_start3A_1278 : memref<50000x128xf32, #tpu.memory_space<hbm>>) target(%dma_start3A_1272 : memref<20x128xf32, #tpu.memory_space<vmem>>) offsets(%dma_start3A_1275 : memref<20xi32, #tpu.memory_space<vmem>>) semaphore(%arg9 : memref<!tpu.dma_semaphore, #tpu.memory_space<semaphore_mem>>)
    %dma_wait3A = arith.constant 0 : i32
    %dma_wait3A_1279 = arith.constant 0 : i32
    %dma_wait3A_1280 = arith.constant 0 : i32
    %dma_wait3A_1281 = arith.constant 0 : i32
    %dma_wait3A_1282 = tpu.memref_slice %arg7[%dma_wait3A_1279, %dma_wait3A_1280, %dma_wait3A_1281] : memref<32x20x128xf32, #tpu.memory_space<vmem>> -> memref<1x20x128xf32, #tpu.memory_space<vmem>>
    %dma_wait3A_1283 = tpu.memref_squeeze %dma_wait3A_1282 : memref<1x20x128xf32, #tpu.memory_space<vmem>> -> memref<20x128xf32, #tpu.memory_space<vmem>>
    %dma_wait3A_1284 = arith.constant 0 : i32
    %dma_wait3A_1285 = tpu.memref_slice %arg6[%dma_wait3A, %dma_wait3A_1284] : memref<32x20xi32, #tpu.memory_space<vmem>> -> memref<1x20xi32, #tpu.memory_space<vmem>>
    %dma_wait3A_1286 = tpu.memref_squeeze %dma_wait3A_1285 : memref<1x20xi32, #tpu.memory_space<vmem>> -> memref<20xi32, #tpu.memory_space<vmem>>
    %dma_wait3A_1287 = arith.constant 0 : i32
    %dma_wait3A_1288 = arith.constant 0 : i32
    %dma_wait3A_1289 = tpu.memref_slice %arg2[%dma_wait3A_1287, %dma_wait3A_1288] : memref<50000x128xf32, #tpu.memory_space<hbm>> -> memref<50000x128xf32, #tpu.memory_space<hbm>>
    tpu.wait_indirect_dma semaphore(%arg9 : memref<!tpu.dma_semaphore, #tpu.memory_space<semaphore_mem>>) src(%dma_wait3A_1289 : memref<50000x128xf32, #tpu.memory_space<hbm>>) dst(%dma_wait3A_1283 : memref<20x128xf32, #tpu.memory_space<vmem>>)
    %dma_wait3A_1290 = arith.constant 1 : i32
    %dma_wait3A_1291 = arith.constant 1 : i32
    %dma_wait3A_1292 = arith.constant 0 : i32
    %dma_wait3A_1293 = arith.constant 0 : i32
    %dma_wait3A_1294 = tpu.memref_slice %arg7[%dma_wait3A_1291, %dma_wait3A_1292, %dma_wait3A_1293] : memref<32x20x128xf32, #tpu.memory_space<vmem>> -> memref<1x20x128xf32, #tpu.memory_space<vmem>>
    %dma_wait3A_1295 = tpu.memref_squeeze %dma_wait3A_1294 : memref<1x20x128xf32, #tpu.memory_space<vmem>> -> memref<20x128xf32, #tpu.memory_space<vmem>>
    %dma_wait3A_1296 = arith.constant 0 : i32
    %dma_wait3A_1297 = tpu.memref_slice %arg6[%dma_wait3A_1290, %dma_wait3A_1296] : memref<32x20xi32, #tpu.memory_space<vmem>> -> memref<1x20xi32, #tpu.memory_space<vmem>>
    %dma_wait3A_1298 = tpu.memref_squeeze %dma_wait3A_1297 : memref<1x20xi32, #tpu.memory_space<vmem>> -> memref<20xi32, #tpu.memory_space<vmem>>
    %dma_wait3A_1299 = arith.constant 0 : i32
    %dma_wait3A_1300 = arith.constant 0 : i32
    %dma_wait3A_1301 = tpu.memref_slice %arg2[%dma_wait3A_1299, %dma_wait3A_1300] : memref<50000x128xf32, #tpu.memory_space<hbm>> -> memref<50000x128xf32, #tpu.memory_space<hbm>>
    tpu.wait_indirect_dma semaphore(%arg9 : memref<!tpu.dma_semaphore, #tpu.memory_space<semaphore_mem>>) src(%dma_wait3A_1301 : memref<50000x128xf32, #tpu.memory_space<hbm>>) dst(%dma_wait3A_1295 : memref<20x128xf32, #tpu.memory_space<vmem>>)
    %dma_wait3A_1302 = arith.constant 2 : i32
    %dma_wait3A_1303 = arith.constant 2 : i32
    %dma_wait3A_1304 = arith.constant 0 : i32
    %dma_wait3A_1305 = arith.constant 0 : i32
    %dma_wait3A_1306 = tpu.memref_slice %arg7[%dma_wait3A_1303, %dma_wait3A_1304, %dma_wait3A_1305] : memref<32x20x128xf32, #tpu.memory_space<vmem>> -> memref<1x20x128xf32, #tpu.memory_space<vmem>>
    %dma_wait3A_1307 = tpu.memref_squeeze %dma_wait3A_1306 : memref<1x20x128xf32, #tpu.memory_space<vmem>> -> memref<20x128xf32, #tpu.memory_space<vmem>>
    %dma_wait3A_1308 = arith.constant 0 : i32
    %dma_wait3A_1309 = tpu.memref_slice %arg6[%dma_wait3A_1302, %dma_wait3A_1308] : memref<32x20xi32, #tpu.memory_space<vmem>> -> memref<1x20xi32, #tpu.memory_space<vmem>>
    %dma_wait3A_1310 = tpu.memref_squeeze %dma_wait3A_1309 : memref<1x20xi32, #tpu.memory_space<vmem>> -> memref<20xi32, #tpu.memory_space<vmem>>
    %dma_wait3A_1311 = arith.constant 0 : i32
    %dma_wait3A_1312 = arith.constant 0 : i32
    %dma_wait3A_1313 = tpu.memref_slice %arg2[%dma_wait3A_1311, %dma_wait3A_1312] : memref<50000x128xf32, #tpu.memory_space<hbm>> -> memref<50000x128xf32, #tpu.memory_space<hbm>>
    tpu.wait_indirect_dma semaphore(%arg9 : memref<!tpu.dma_semaphore, #tpu.memory_space<semaphore_mem>>) src(%dma_wait3A_1313 : memref<50000x128xf32, #tpu.memory_space<hbm>>) dst(%dma_wait3A_1307 : memref<20x128xf32, #tpu.memory_space<vmem>>)
    %dma_wait3A_1314 = arith.constant 3 : i32
    %dma_wait3A_1315 = arith.constant 3 : i32
    %dma_wait3A_1316 = arith.constant 0 : i32
    %dma_wait3A_1317 = arith.constant 0 : i32
    %dma_wait3A_1318 = tpu.memref_slice %arg7[%dma_wait3A_1315, %dma_wait3A_1316, %dma_wait3A_1317] : memref<32x20x128xf32, #tpu.memory_space<vmem>> -> memref<1x20x128xf32, #tpu.memory_space<vmem>>
    %dma_wait3A_1319 = tpu.memref_squeeze %dma_wait3A_1318 : memref<1x20x128xf32, #tpu.memory_space<vmem>> -> memref<20x128xf32, #tpu.memory_space<vmem>>
    %dma_wait3A_1320 = arith.constant 0 : i32
    %dma_wait3A_1321 = tpu.memref_slice %arg6[%dma_wait3A_1314, %dma_wait3A_1320] : memref<32x20xi32, #tpu.memory_space<vmem>> -> memref<1x20xi32, #tpu.memory_space<vmem>>
    %dma_wait3A_1322 = tpu.memref_squeeze %dma_wait3A_1321 : memref<1x20xi32, #tpu.memory_space<vmem>> -> memref<20xi32, #tpu.memory_space<vmem>>
    %dma_wait3A_1323 = arith.constant 0 : i32
    %dma_wait3A_1324 = arith.constant 0 : i32
    %dma_wait3A_1325 = tpu.memref_slice %arg2[%dma_wait3A_1323, %dma_wait3A_1324] : memref<50000x128xf32, #tpu.memory_space<hbm>> -> memref<50000x128xf32, #tpu.memory_space<hbm>>
    tpu.wait_indirect_dma semaphore(%arg9 : memref<!tpu.dma_semaphore, #tpu.memory_space<semaphore_mem>>) src(%dma_wait3A_1325 : memref<50000x128xf32, #tpu.memory_space<hbm>>) dst(%dma_wait3A_1319 : memref<20x128xf32, #tpu.memory_space<vmem>>)
    %dma_wait3A_1326 = arith.constant 4 : i32
    %dma_wait3A_1327 = arith.constant 4 : i32
    %dma_wait3A_1328 = arith.constant 0 : i32
    %dma_wait3A_1329 = arith.constant 0 : i32
    %dma_wait3A_1330 = tpu.memref_slice %arg7[%dma_wait3A_1327, %dma_wait3A_1328, %dma_wait3A_1329] : memref<32x20x128xf32, #tpu.memory_space<vmem>> -> memref<1x20x128xf32, #tpu.memory_space<vmem>>
    %dma_wait3A_1331 = tpu.memref_squeeze %dma_wait3A_1330 : memref<1x20x128xf32, #tpu.memory_space<vmem>> -> memref<20x128xf32, #tpu.memory_space<vmem>>
    %dma_wait3A_1332 = arith.constant 0 : i32
    %dma_wait3A_1333 = tpu.memref_slice %arg6[%dma_wait3A_1326, %dma_wait3A_1332] : memref<32x20xi32, #tpu.memory_space<vmem>> -> memref<1x20xi32, #tpu.memory_space<vmem>>
    %dma_wait3A_1334 = tpu.memref_squeeze %dma_wait3A_1333 : memref<1x20xi32, #tpu.memory_space<vmem>> -> memref<20xi32, #tpu.memory_space<vmem>>
    %dma_wait3A_1335 = arith.constant 0 : i32
    %dma_wait3A_1336 = arith.constant 0 : i32
    %dma_wait3A_1337 = tpu.memref_slice %arg2[%dma_wait3A_1335, %dma_wait3A_1336] : memref<50000x128xf32, #tpu.memory_space<hbm>> -> memref<50000x128xf32, #tpu.memory_space<hbm>>
    tpu.wait_indirect_dma semaphore(%arg9 : memref<!tpu.dma_semaphore, #tpu.memory_space<semaphore_mem>>) src(%dma_wait3A_1337 : memref<50000x128xf32, #tpu.memory_space<hbm>>) dst(%dma_wait3A_1331 : memref<20x128xf32, #tpu.memory_space<vmem>>)
    %dma_wait3A_1338 = arith.constant 5 : i32
    %dma_wait3A_1339 = arith.constant 5 : i32
    %dma_wait3A_1340 = arith.constant 0 : i32
    %dma_wait3A_1341 = arith.constant 0 : i32
    %dma_wait3A_1342 = tpu.memref_slice %arg7[%dma_wait3A_1339, %dma_wait3A_1340, %dma_wait3A_1341] : memref<32x20x128xf32, #tpu.memory_space<vmem>> -> memref<1x20x128xf32, #tpu.memory_space<vmem>>
    %dma_wait3A_1343 = tpu.memref_squeeze %dma_wait3A_1342 : memref<1x20x128xf32, #tpu.memory_space<vmem>> -> memref<20x128xf32, #tpu.memory_space<vmem>>
    %dma_wait3A_1344 = arith.constant 0 : i32
    %dma_wait3A_1345 = tpu.memref_slice %arg6[%dma_wait3A_1338, %dma_wait3A_1344] : memref<32x20xi32, #tpu.memory_space<vmem>> -> memref<1x20xi32, #tpu.memory_space<vmem>>
    %dma_wait3A_1346 = tpu.memref_squeeze %dma_wait3A_1345 : memref<1x20xi32, #tpu.memory_space<vmem>> -> memref<20xi32, #tpu.memory_space<vmem>>
    %dma_wait3A_1347 = arith.constant 0 : i32
    %dma_wait3A_1348 = arith.constant 0 : i32
    %dma_wait3A_1349 = tpu.memref_slice %arg2[%dma_wait3A_1347, %dma_wait3A_1348] : memref<50000x128xf32, #tpu.memory_space<hbm>> -> memref<50000x128xf32, #tpu.memory_space<hbm>>
    tpu.wait_indirect_dma semaphore(%arg9 : memref<!tpu.dma_semaphore, #tpu.memory_space<semaphore_mem>>) src(%dma_wait3A_1349 : memref<50000x128xf32, #tpu.memory_space<hbm>>) dst(%dma_wait3A_1343 : memref<20x128xf32, #tpu.memory_space<vmem>>)
    %dma_wait3A_1350 = arith.constant 6 : i32
    %dma_wait3A_1351 = arith.constant 6 : i32
    %dma_wait3A_1352 = arith.constant 0 : i32
    %dma_wait3A_1353 = arith.constant 0 : i32
    %dma_wait3A_1354 = tpu.memref_slice %arg7[%dma_wait3A_1351, %dma_wait3A_1352, %dma_wait3A_1353] : memref<32x20x128xf32, #tpu.memory_space<vmem>> -> memref<1x20x128xf32, #tpu.memory_space<vmem>>
    %dma_wait3A_1355 = tpu.memref_squeeze %dma_wait3A_1354 : memref<1x20x128xf32, #tpu.memory_space<vmem>> -> memref<20x128xf32, #tpu.memory_space<vmem>>
    %dma_wait3A_1356 = arith.constant 0 : i32
    %dma_wait3A_1357 = tpu.memref_slice %arg6[%dma_wait3A_1350, %dma_wait3A_1356] : memref<32x20xi32, #tpu.memory_space<vmem>> -> memref<1x20xi32, #tpu.memory_space<vmem>>
    %dma_wait3A_1358 = tpu.memref_squeeze %dma_wait3A_1357 : memref<1x20xi32, #tpu.memory_space<vmem>> -> memref<20xi32, #tpu.memory_space<vmem>>
    %dma_wait3A_1359 = arith.constant 0 : i32
    %dma_wait3A_1360 = arith.constant 0 : i32
    %dma_wait3A_1361 = tpu.memref_slice %arg2[%dma_wait3A_1359, %dma_wait3A_1360] : memref<50000x128xf32, #tpu.memory_space<hbm>> -> memref<50000x128xf32, #tpu.memory_space<hbm>>
    tpu.wait_indirect_dma semaphore(%arg9 : memref<!tpu.dma_semaphore, #tpu.memory_space<semaphore_mem>>) src(%dma_wait3A_1361 : memref<50000x128xf32, #tpu.memory_space<hbm>>) dst(%dma_wait3A_1355 : memref<20x128xf32, #tpu.memory_space<vmem>>)
    %dma_wait3A_1362 = arith.constant 7 : i32
    %dma_wait3A_1363 = arith.constant 7 : i32
    %dma_wait3A_1364 = arith.constant 0 : i32
    %dma_wait3A_1365 = arith.constant 0 : i32
    %dma_wait3A_1366 = tpu.memref_slice %arg7[%dma_wait3A_1363, %dma_wait3A_1364, %dma_wait3A_1365] : memref<32x20x128xf32, #tpu.memory_space<vmem>> -> memref<1x20x128xf32, #tpu.memory_space<vmem>>
    %dma_wait3A_1367 = tpu.memref_squeeze %dma_wait3A_1366 : memref<1x20x128xf32, #tpu.memory_space<vmem>> -> memref<20x128xf32, #tpu.memory_space<vmem>>
    %dma_wait3A_1368 = arith.constant 0 : i32
    %dma_wait3A_1369 = tpu.memref_slice %arg6[%dma_wait3A_1362, %dma_wait3A_1368] : memref<32x20xi32, #tpu.memory_space<vmem>> -> memref<1x20xi32, #tpu.memory_space<vmem>>
    %dma_wait3A_1370 = tpu.memref_squeeze %dma_wait3A_1369 : memref<1x20xi32, #tpu.memory_space<vmem>> -> memref<20xi32, #tpu.memory_space<vmem>>
    %dma_wait3A_1371 = arith.constant 0 : i32
    %dma_wait3A_1372 = arith.constant 0 : i32
    %dma_wait3A_1373 = tpu.memref_slice %arg2[%dma_wait3A_1371, %dma_wait3A_1372] : memref<50000x128xf32, #tpu.memory_space<hbm>> -> memref<50000x128xf32, #tpu.memory_space<hbm>>
    tpu.wait_indirect_dma semaphore(%arg9 : memref<!tpu.dma_semaphore, #tpu.memory_space<semaphore_mem>>) src(%dma_wait3A_1373 : memref<50000x128xf32, #tpu.memory_space<hbm>>) dst(%dma_wait3A_1367 : memref<20x128xf32, #tpu.memory_space<vmem>>)
    %dma_wait3A_1374 = arith.constant 8 : i32
    %dma_wait3A_1375 = arith.constant 8 : i32
    %dma_wait3A_1376 = arith.constant 0 : i32
    %dma_wait3A_1377 = arith.constant 0 : i32
    %dma_wait3A_1378 = tpu.memref_slice %arg7[%dma_wait3A_1375, %dma_wait3A_1376, %dma_wait3A_1377] : memref<32x20x128xf32, #tpu.memory_space<vmem>> -> memref<1x20x128xf32, #tpu.memory_space<vmem>>
    %dma_wait3A_1379 = tpu.memref_squeeze %dma_wait3A_1378 : memref<1x20x128xf32, #tpu.memory_space<vmem>> -> memref<20x128xf32, #tpu.memory_space<vmem>>
    %dma_wait3A_1380 = arith.constant 0 : i32
    %dma_wait3A_1381 = tpu.memref_slice %arg6[%dma_wait3A_1374, %dma_wait3A_1380] : memref<32x20xi32, #tpu.memory_space<vmem>> -> memref<1x20xi32, #tpu.memory_space<vmem>>
    %dma_wait3A_1382 = tpu.memref_squeeze %dma_wait3A_1381 : memref<1x20xi32, #tpu.memory_space<vmem>> -> memref<20xi32, #tpu.memory_space<vmem>>
    %dma_wait3A_1383 = arith.constant 0 : i32
    %dma_wait3A_1384 = arith.constant 0 : i32
    %dma_wait3A_1385 = tpu.memref_slice %arg2[%dma_wait3A_1383, %dma_wait3A_1384] : memref<50000x128xf32, #tpu.memory_space<hbm>> -> memref<50000x128xf32, #tpu.memory_space<hbm>>
    tpu.wait_indirect_dma semaphore(%arg9 : memref<!tpu.dma_semaphore, #tpu.memory_space<semaphore_mem>>) src(%dma_wait3A_1385 : memref<50000x128xf32, #tpu.memory_space<hbm>>) dst(%dma_wait3A_1379 : memref<20x128xf32, #tpu.memory_space<vmem>>)
    %dma_wait3A_1386 = arith.constant 9 : i32
    %dma_wait3A_1387 = arith.constant 9 : i32
    %dma_wait3A_1388 = arith.constant 0 : i32
    %dma_wait3A_1389 = arith.constant 0 : i32
    %dma_wait3A_1390 = tpu.memref_slice %arg7[%dma_wait3A_1387, %dma_wait3A_1388, %dma_wait3A_1389] : memref<32x20x128xf32, #tpu.memory_space<vmem>> -> memref<1x20x128xf32, #tpu.memory_space<vmem>>
    %dma_wait3A_1391 = tpu.memref_squeeze %dma_wait3A_1390 : memref<1x20x128xf32, #tpu.memory_space<vmem>> -> memref<20x128xf32, #tpu.memory_space<vmem>>
    %dma_wait3A_1392 = arith.constant 0 : i32
    %dma_wait3A_1393 = tpu.memref_slice %arg6[%dma_wait3A_1386, %dma_wait3A_1392] : memref<32x20xi32, #tpu.memory_space<vmem>> -> memref<1x20xi32, #tpu.memory_space<vmem>>
    %dma_wait3A_1394 = tpu.memref_squeeze %dma_wait3A_1393 : memref<1x20xi32, #tpu.memory_space<vmem>> -> memref<20xi32, #tpu.memory_space<vmem>>
    %dma_wait3A_1395 = arith.constant 0 : i32
    %dma_wait3A_1396 = arith.constant 0 : i32
    %dma_wait3A_1397 = tpu.memref_slice %arg2[%dma_wait3A_1395, %dma_wait3A_1396] : memref<50000x128xf32, #tpu.memory_space<hbm>> -> memref<50000x128xf32, #tpu.memory_space<hbm>>
    tpu.wait_indirect_dma semaphore(%arg9 : memref<!tpu.dma_semaphore, #tpu.memory_space<semaphore_mem>>) src(%dma_wait3A_1397 : memref<50000x128xf32, #tpu.memory_space<hbm>>) dst(%dma_wait3A_1391 : memref<20x128xf32, #tpu.memory_space<vmem>>)
    %dma_wait3A_1398 = arith.constant 10 : i32
    %dma_wait3A_1399 = arith.constant 10 : i32
    %dma_wait3A_1400 = arith.constant 0 : i32
    %dma_wait3A_1401 = arith.constant 0 : i32
    %dma_wait3A_1402 = tpu.memref_slice %arg7[%dma_wait3A_1399, %dma_wait3A_1400, %dma_wait3A_1401] : memref<32x20x128xf32, #tpu.memory_space<vmem>> -> memref<1x20x128xf32, #tpu.memory_space<vmem>>
    %dma_wait3A_1403 = tpu.memref_squeeze %dma_wait3A_1402 : memref<1x20x128xf32, #tpu.memory_space<vmem>> -> memref<20x128xf32, #tpu.memory_space<vmem>>
    %dma_wait3A_1404 = arith.constant 0 : i32
    %dma_wait3A_1405 = tpu.memref_slice %arg6[%dma_wait3A_1398, %dma_wait3A_1404] : memref<32x20xi32, #tpu.memory_space<vmem>> -> memref<1x20xi32, #tpu.memory_space<vmem>>
    %dma_wait3A_1406 = tpu.memref_squeeze %dma_wait3A_1405 : memref<1x20xi32, #tpu.memory_space<vmem>> -> memref<20xi32, #tpu.memory_space<vmem>>
    %dma_wait3A_1407 = arith.constant 0 : i32
    %dma_wait3A_1408 = arith.constant 0 : i32
    %dma_wait3A_1409 = tpu.memref_slice %arg2[%dma_wait3A_1407, %dma_wait3A_1408] : memref<50000x128xf32, #tpu.memory_space<hbm>> -> memref<50000x128xf32, #tpu.memory_space<hbm>>
    tpu.wait_indirect_dma semaphore(%arg9 : memref<!tpu.dma_semaphore, #tpu.memory_space<semaphore_mem>>) src(%dma_wait3A_1409 : memref<50000x128xf32, #tpu.memory_space<hbm>>) dst(%dma_wait3A_1403 : memref<20x128xf32, #tpu.memory_space<vmem>>)
    %dma_wait3A_1410 = arith.constant 11 : i32
    %dma_wait3A_1411 = arith.constant 11 : i32
    %dma_wait3A_1412 = arith.constant 0 : i32
    %dma_wait3A_1413 = arith.constant 0 : i32
    %dma_wait3A_1414 = tpu.memref_slice %arg7[%dma_wait3A_1411, %dma_wait3A_1412, %dma_wait3A_1413] : memref<32x20x128xf32, #tpu.memory_space<vmem>> -> memref<1x20x128xf32, #tpu.memory_space<vmem>>
    %dma_wait3A_1415 = tpu.memref_squeeze %dma_wait3A_1414 : memref<1x20x128xf32, #tpu.memory_space<vmem>> -> memref<20x128xf32, #tpu.memory_space<vmem>>
    %dma_wait3A_1416 = arith.constant 0 : i32
    %dma_wait3A_1417 = tpu.memref_slice %arg6[%dma_wait3A_1410, %dma_wait3A_1416] : memref<32x20xi32, #tpu.memory_space<vmem>> -> memref<1x20xi32, #tpu.memory_space<vmem>>
    %dma_wait3A_1418 = tpu.memref_squeeze %dma_wait3A_1417 : memref<1x20xi32, #tpu.memory_space<vmem>> -> memref<20xi32, #tpu.memory_space<vmem>>
    %dma_wait3A_1419 = arith.constant 0 : i32
    %dma_wait3A_1420 = arith.constant 0 : i32
    %dma_wait3A_1421 = tpu.memref_slice %arg2[%dma_wait3A_1419, %dma_wait3A_1420] : memref<50000x128xf32, #tpu.memory_space<hbm>> -> memref<50000x128xf32, #tpu.memory_space<hbm>>
    tpu.wait_indirect_dma semaphore(%arg9 : memref<!tpu.dma_semaphore, #tpu.memory_space<semaphore_mem>>) src(%dma_wait3A_1421 : memref<50000x128xf32, #tpu.memory_space<hbm>>) dst(%dma_wait3A_1415 : memref<20x128xf32, #tpu.memory_space<vmem>>)
    %dma_wait3A_1422 = arith.constant 12 : i32
    %dma_wait3A_1423 = arith.constant 12 : i32
    %dma_wait3A_1424 = arith.constant 0 : i32
    %dma_wait3A_1425 = arith.constant 0 : i32
    %dma_wait3A_1426 = tpu.memref_slice %arg7[%dma_wait3A_1423, %dma_wait3A_1424, %dma_wait3A_1425] : memref<32x20x128xf32, #tpu.memory_space<vmem>> -> memref<1x20x128xf32, #tpu.memory_space<vmem>>
    %dma_wait3A_1427 = tpu.memref_squeeze %dma_wait3A_1426 : memref<1x20x128xf32, #tpu.memory_space<vmem>> -> memref<20x128xf32, #tpu.memory_space<vmem>>
    %dma_wait3A_1428 = arith.constant 0 : i32
    %dma_wait3A_1429 = tpu.memref_slice %arg6[%dma_wait3A_1422, %dma_wait3A_1428] : memref<32x20xi32, #tpu.memory_space<vmem>> -> memref<1x20xi32, #tpu.memory_space<vmem>>
    %dma_wait3A_1430 = tpu.memref_squeeze %dma_wait3A_1429 : memref<1x20xi32, #tpu.memory_space<vmem>> -> memref<20xi32, #tpu.memory_space<vmem>>
    %dma_wait3A_1431 = arith.constant 0 : i32
    %dma_wait3A_1432 = arith.constant 0 : i32
    %dma_wait3A_1433 = tpu.memref_slice %arg2[%dma_wait3A_1431, %dma_wait3A_1432] : memref<50000x128xf32, #tpu.memory_space<hbm>> -> memref<50000x128xf32, #tpu.memory_space<hbm>>
    tpu.wait_indirect_dma semaphore(%arg9 : memref<!tpu.dma_semaphore, #tpu.memory_space<semaphore_mem>>) src(%dma_wait3A_1433 : memref<50000x128xf32, #tpu.memory_space<hbm>>) dst(%dma_wait3A_1427 : memref<20x128xf32, #tpu.memory_space<vmem>>)
    %dma_wait3A_1434 = arith.constant 13 : i32
    %dma_wait3A_1435 = arith.constant 13 : i32
    %dma_wait3A_1436 = arith.constant 0 : i32
    %dma_wait3A_1437 = arith.constant 0 : i32
    %dma_wait3A_1438 = tpu.memref_slice %arg7[%dma_wait3A_1435, %dma_wait3A_1436, %dma_wait3A_1437] : memref<32x20x128xf32, #tpu.memory_space<vmem>> -> memref<1x20x128xf32, #tpu.memory_space<vmem>>
    %dma_wait3A_1439 = tpu.memref_squeeze %dma_wait3A_1438 : memref<1x20x128xf32, #tpu.memory_space<vmem>> -> memref<20x128xf32, #tpu.memory_space<vmem>>
    %dma_wait3A_1440 = arith.constant 0 : i32
    %dma_wait3A_1441 = tpu.memref_slice %arg6[%dma_wait3A_1434, %dma_wait3A_1440] : memref<32x20xi32, #tpu.memory_space<vmem>> -> memref<1x20xi32, #tpu.memory_space<vmem>>
    %dma_wait3A_1442 = tpu.memref_squeeze %dma_wait3A_1441 : memref<1x20xi32, #tpu.memory_space<vmem>> -> memref<20xi32, #tpu.memory_space<vmem>>
    %dma_wait3A_1443 = arith.constant 0 : i32
    %dma_wait3A_1444 = arith.constant 0 : i32
    %dma_wait3A_1445 = tpu.memref_slice %arg2[%dma_wait3A_1443, %dma_wait3A_1444] : memref<50000x128xf32, #tpu.memory_space<hbm>> -> memref<50000x128xf32, #tpu.memory_space<hbm>>
    tpu.wait_indirect_dma semaphore(%arg9 : memref<!tpu.dma_semaphore, #tpu.memory_space<semaphore_mem>>) src(%dma_wait3A_1445 : memref<50000x128xf32, #tpu.memory_space<hbm>>) dst(%dma_wait3A_1439 : memref<20x128xf32, #tpu.memory_space<vmem>>)
    %dma_wait3A_1446 = arith.constant 14 : i32
    %dma_wait3A_1447 = arith.constant 14 : i32
    %dma_wait3A_1448 = arith.constant 0 : i32
    %dma_wait3A_1449 = arith.constant 0 : i32
    %dma_wait3A_1450 = tpu.memref_slice %arg7[%dma_wait3A_1447, %dma_wait3A_1448, %dma_wait3A_1449] : memref<32x20x128xf32, #tpu.memory_space<vmem>> -> memref<1x20x128xf32, #tpu.memory_space<vmem>>
    %dma_wait3A_1451 = tpu.memref_squeeze %dma_wait3A_1450 : memref<1x20x128xf32, #tpu.memory_space<vmem>> -> memref<20x128xf32, #tpu.memory_space<vmem>>
    %dma_wait3A_1452 = arith.constant 0 : i32
    %dma_wait3A_1453 = tpu.memref_slice %arg6[%dma_wait3A_1446, %dma_wait3A_1452] : memref<32x20xi32, #tpu.memory_space<vmem>> -> memref<1x20xi32, #tpu.memory_space<vmem>>
    %dma_wait3A_1454 = tpu.memref_squeeze %dma_wait3A_1453 : memref<1x20xi32, #tpu.memory_space<vmem>> -> memref<20xi32, #tpu.memory_space<vmem>>
    %dma_wait3A_1455 = arith.constant 0 : i32
    %dma_wait3A_1456 = arith.constant 0 : i32
    %dma_wait3A_1457 = tpu.memref_slice %arg2[%dma_wait3A_1455, %dma_wait3A_1456] : memref<50000x128xf32, #tpu.memory_space<hbm>> -> memref<50000x128xf32, #tpu.memory_space<hbm>>
    tpu.wait_indirect_dma semaphore(%arg9 : memref<!tpu.dma_semaphore, #tpu.memory_space<semaphore_mem>>) src(%dma_wait3A_1457 : memref<50000x128xf32, #tpu.memory_space<hbm>>) dst(%dma_wait3A_1451 : memref<20x128xf32, #tpu.memory_space<vmem>>)
    %dma_wait3A_1458 = arith.constant 15 : i32
    %dma_wait3A_1459 = arith.constant 15 : i32
    %dma_wait3A_1460 = arith.constant 0 : i32
    %dma_wait3A_1461 = arith.constant 0 : i32
    %dma_wait3A_1462 = tpu.memref_slice %arg7[%dma_wait3A_1459, %dma_wait3A_1460, %dma_wait3A_1461] : memref<32x20x128xf32, #tpu.memory_space<vmem>> -> memref<1x20x128xf32, #tpu.memory_space<vmem>>
    %dma_wait3A_1463 = tpu.memref_squeeze %dma_wait3A_1462 : memref<1x20x128xf32, #tpu.memory_space<vmem>> -> memref<20x128xf32, #tpu.memory_space<vmem>>
    %dma_wait3A_1464 = arith.constant 0 : i32
    %dma_wait3A_1465 = tpu.memref_slice %arg6[%dma_wait3A_1458, %dma_wait3A_1464] : memref<32x20xi32, #tpu.memory_space<vmem>> -> memref<1x20xi32, #tpu.memory_space<vmem>>
    %dma_wait3A_1466 = tpu.memref_squeeze %dma_wait3A_1465 : memref<1x20xi32, #tpu.memory_space<vmem>> -> memref<20xi32, #tpu.memory_space<vmem>>
    %dma_wait3A_1467 = arith.constant 0 : i32
    %dma_wait3A_1468 = arith.constant 0 : i32
    %dma_wait3A_1469 = tpu.memref_slice %arg2[%dma_wait3A_1467, %dma_wait3A_1468] : memref<50000x128xf32, #tpu.memory_space<hbm>> -> memref<50000x128xf32, #tpu.memory_space<hbm>>
    tpu.wait_indirect_dma semaphore(%arg9 : memref<!tpu.dma_semaphore, #tpu.memory_space<semaphore_mem>>) src(%dma_wait3A_1469 : memref<50000x128xf32, #tpu.memory_space<hbm>>) dst(%dma_wait3A_1463 : memref<20x128xf32, #tpu.memory_space<vmem>>)
    %dma_wait3A_1470 = arith.constant 16 : i32
    %dma_wait3A_1471 = arith.constant 16 : i32
    %dma_wait3A_1472 = arith.constant 0 : i32
    %dma_wait3A_1473 = arith.constant 0 : i32
    %dma_wait3A_1474 = tpu.memref_slice %arg7[%dma_wait3A_1471, %dma_wait3A_1472, %dma_wait3A_1473] : memref<32x20x128xf32, #tpu.memory_space<vmem>> -> memref<1x20x128xf32, #tpu.memory_space<vmem>>
    %dma_wait3A_1475 = tpu.memref_squeeze %dma_wait3A_1474 : memref<1x20x128xf32, #tpu.memory_space<vmem>> -> memref<20x128xf32, #tpu.memory_space<vmem>>
    %dma_wait3A_1476 = arith.constant 0 : i32
    %dma_wait3A_1477 = tpu.memref_slice %arg6[%dma_wait3A_1470, %dma_wait3A_1476] : memref<32x20xi32, #tpu.memory_space<vmem>> -> memref<1x20xi32, #tpu.memory_space<vmem>>
    %dma_wait3A_1478 = tpu.memref_squeeze %dma_wait3A_1477 : memref<1x20xi32, #tpu.memory_space<vmem>> -> memref<20xi32, #tpu.memory_space<vmem>>
    %dma_wait3A_1479 = arith.constant 0 : i32
    %dma_wait3A_1480 = arith.constant 0 : i32
    %dma_wait3A_1481 = tpu.memref_slice %arg2[%dma_wait3A_1479, %dma_wait3A_1480] : memref<50000x128xf32, #tpu.memory_space<hbm>> -> memref<50000x128xf32, #tpu.memory_space<hbm>>
    tpu.wait_indirect_dma semaphore(%arg9 : memref<!tpu.dma_semaphore, #tpu.memory_space<semaphore_mem>>) src(%dma_wait3A_1481 : memref<50000x128xf32, #tpu.memory_space<hbm>>) dst(%dma_wait3A_1475 : memref<20x128xf32, #tpu.memory_space<vmem>>)
    %dma_wait3A_1482 = arith.constant 17 : i32
    %dma_wait3A_1483 = arith.constant 17 : i32
    %dma_wait3A_1484 = arith.constant 0 : i32
    %dma_wait3A_1485 = arith.constant 0 : i32
    %dma_wait3A_1486 = tpu.memref_slice %arg7[%dma_wait3A_1483, %dma_wait3A_1484, %dma_wait3A_1485] : memref<32x20x128xf32, #tpu.memory_space<vmem>> -> memref<1x20x128xf32, #tpu.memory_space<vmem>>
    %dma_wait3A_1487 = tpu.memref_squeeze %dma_wait3A_1486 : memref<1x20x128xf32, #tpu.memory_space<vmem>> -> memref<20x128xf32, #tpu.memory_space<vmem>>
    %dma_wait3A_1488 = arith.constant 0 : i32
    %dma_wait3A_1489 = tpu.memref_slice %arg6[%dma_wait3A_1482, %dma_wait3A_1488] : memref<32x20xi32, #tpu.memory_space<vmem>> -> memref<1x20xi32, #tpu.memory_space<vmem>>
    %dma_wait3A_1490 = tpu.memref_squeeze %dma_wait3A_1489 : memref<1x20xi32, #tpu.memory_space<vmem>> -> memref<20xi32, #tpu.memory_space<vmem>>
    %dma_wait3A_1491 = arith.constant 0 : i32
    %dma_wait3A_1492 = arith.constant 0 : i32
    %dma_wait3A_1493 = tpu.memref_slice %arg2[%dma_wait3A_1491, %dma_wait3A_1492] : memref<50000x128xf32, #tpu.memory_space<hbm>> -> memref<50000x128xf32, #tpu.memory_space<hbm>>
    tpu.wait_indirect_dma semaphore(%arg9 : memref<!tpu.dma_semaphore, #tpu.memory_space<semaphore_mem>>) src(%dma_wait3A_1493 : memref<50000x128xf32, #tpu.memory_space<hbm>>) dst(%dma_wait3A_1487 : memref<20x128xf32, #tpu.memory_space<vmem>>)
    %dma_wait3A_1494 = arith.constant 18 : i32
    %dma_wait3A_1495 = arith.constant 18 : i32
    %dma_wait3A_1496 = arith.constant 0 : i32
    %dma_wait3A_1497 = arith.constant 0 : i32
    %dma_wait3A_1498 = tpu.memref_slice %arg7[%dma_wait3A_1495, %dma_wait3A_1496, %dma_wait3A_1497] : memref<32x20x128xf32, #tpu.memory_space<vmem>> -> memref<1x20x128xf32, #tpu.memory_space<vmem>>
    %dma_wait3A_1499 = tpu.memref_squeeze %dma_wait3A_1498 : memref<1x20x128xf32, #tpu.memory_space<vmem>> -> memref<20x128xf32, #tpu.memory_space<vmem>>
    %dma_wait3A_1500 = arith.constant 0 : i32
    %dma_wait3A_1501 = tpu.memref_slice %arg6[%dma_wait3A_1494, %dma_wait3A_1500] : memref<32x20xi32, #tpu.memory_space<vmem>> -> memref<1x20xi32, #tpu.memory_space<vmem>>
    %dma_wait3A_1502 = tpu.memref_squeeze %dma_wait3A_1501 : memref<1x20xi32, #tpu.memory_space<vmem>> -> memref<20xi32, #tpu.memory_space<vmem>>
    %dma_wait3A_1503 = arith.constant 0 : i32
    %dma_wait3A_1504 = arith.constant 0 : i32
    %dma_wait3A_1505 = tpu.memref_slice %arg2[%dma_wait3A_1503, %dma_wait3A_1504] : memref<50000x128xf32, #tpu.memory_space<hbm>> -> memref<50000x128xf32, #tpu.memory_space<hbm>>
    tpu.wait_indirect_dma semaphore(%arg9 : memref<!tpu.dma_semaphore, #tpu.memory_space<semaphore_mem>>) src(%dma_wait3A_1505 : memref<50000x128xf32, #tpu.memory_space<hbm>>) dst(%dma_wait3A_1499 : memref<20x128xf32, #tpu.memory_space<vmem>>)
    %dma_wait3A_1506 = arith.constant 19 : i32
    %dma_wait3A_1507 = arith.constant 19 : i32
    %dma_wait3A_1508 = arith.constant 0 : i32
    %dma_wait3A_1509 = arith.constant 0 : i32
    %dma_wait3A_1510 = tpu.memref_slice %arg7[%dma_wait3A_1507, %dma_wait3A_1508, %dma_wait3A_1509] : memref<32x20x128xf32, #tpu.memory_space<vmem>> -> memref<1x20x128xf32, #tpu.memory_space<vmem>>
    %dma_wait3A_1511 = tpu.memref_squeeze %dma_wait3A_1510 : memref<1x20x128xf32, #tpu.memory_space<vmem>> -> memref<20x128xf32, #tpu.memory_space<vmem>>
    %dma_wait3A_1512 = arith.constant 0 : i32
    %dma_wait3A_1513 = tpu.memref_slice %arg6[%dma_wait3A_1506, %dma_wait3A_1512] : memref<32x20xi32, #tpu.memory_space<vmem>> -> memref<1x20xi32, #tpu.memory_space<vmem>>
    %dma_wait3A_1514 = tpu.memref_squeeze %dma_wait3A_1513 : memref<1x20xi32, #tpu.memory_space<vmem>> -> memref<20xi32, #tpu.memory_space<vmem>>
    %dma_wait3A_1515 = arith.constant 0 : i32
    %dma_wait3A_1516 = arith.constant 0 : i32
    %dma_wait3A_1517 = tpu.memref_slice %arg2[%dma_wait3A_1515, %dma_wait3A_1516] : memref<50000x128xf32, #tpu.memory_space<hbm>> -> memref<50000x128xf32, #tpu.memory_space<hbm>>
    tpu.wait_indirect_dma semaphore(%arg9 : memref<!tpu.dma_semaphore, #tpu.memory_space<semaphore_mem>>) src(%dma_wait3A_1517 : memref<50000x128xf32, #tpu.memory_space<hbm>>) dst(%dma_wait3A_1511 : memref<20x128xf32, #tpu.memory_space<vmem>>)
    %dma_wait3A_1518 = arith.constant 20 : i32
    %dma_wait3A_1519 = arith.constant 20 : i32
    %dma_wait3A_1520 = arith.constant 0 : i32
    %dma_wait3A_1521 = arith.constant 0 : i32
    %dma_wait3A_1522 = tpu.memref_slice %arg7[%dma_wait3A_1519, %dma_wait3A_1520, %dma_wait3A_1521] : memref<32x20x128xf32, #tpu.memory_space<vmem>> -> memref<1x20x128xf32, #tpu.memory_space<vmem>>
    %dma_wait3A_1523 = tpu.memref_squeeze %dma_wait3A_1522 : memref<1x20x128xf32, #tpu.memory_space<vmem>> -> memref<20x128xf32, #tpu.memory_space<vmem>>
    %dma_wait3A_1524 = arith.constant 0 : i32
    %dma_wait3A_1525 = tpu.memref_slice %arg6[%dma_wait3A_1518, %dma_wait3A_1524] : memref<32x20xi32, #tpu.memory_space<vmem>> -> memref<1x20xi32, #tpu.memory_space<vmem>>
    %dma_wait3A_1526 = tpu.memref_squeeze %dma_wait3A_1525 : memref<1x20xi32, #tpu.memory_space<vmem>> -> memref<20xi32, #tpu.memory_space<vmem>>
    %dma_wait3A_1527 = arith.constant 0 : i32
    %dma_wait3A_1528 = arith.constant 0 : i32
    %dma_wait3A_1529 = tpu.memref_slice %arg2[%dma_wait3A_1527, %dma_wait3A_1528] : memref<50000x128xf32, #tpu.memory_space<hbm>> -> memref<50000x128xf32, #tpu.memory_space<hbm>>
    tpu.wait_indirect_dma semaphore(%arg9 : memref<!tpu.dma_semaphore, #tpu.memory_space<semaphore_mem>>) src(%dma_wait3A_1529 : memref<50000x128xf32, #tpu.memory_space<hbm>>) dst(%dma_wait3A_1523 : memref<20x128xf32, #tpu.memory_space<vmem>>)
    %dma_wait3A_1530 = arith.constant 21 : i32
    %dma_wait3A_1531 = arith.constant 21 : i32
    %dma_wait3A_1532 = arith.constant 0 : i32
    %dma_wait3A_1533 = arith.constant 0 : i32
    %dma_wait3A_1534 = tpu.memref_slice %arg7[%dma_wait3A_1531, %dma_wait3A_1532, %dma_wait3A_1533] : memref<32x20x128xf32, #tpu.memory_space<vmem>> -> memref<1x20x128xf32, #tpu.memory_space<vmem>>
    %dma_wait3A_1535 = tpu.memref_squeeze %dma_wait3A_1534 : memref<1x20x128xf32, #tpu.memory_space<vmem>> -> memref<20x128xf32, #tpu.memory_space<vmem>>
    %dma_wait3A_1536 = arith.constant 0 : i32
    %dma_wait3A_1537 = tpu.memref_slice %arg6[%dma_wait3A_1530, %dma_wait3A_1536] : memref<32x20xi32, #tpu.memory_space<vmem>> -> memref<1x20xi32, #tpu.memory_space<vmem>>
    %dma_wait3A_1538 = tpu.memref_squeeze %dma_wait3A_1537 : memref<1x20xi32, #tpu.memory_space<vmem>> -> memref<20xi32, #tpu.memory_space<vmem>>
    %dma_wait3A_1539 = arith.constant 0 : i32
    %dma_wait3A_1540 = arith.constant 0 : i32
    %dma_wait3A_1541 = tpu.memref_slice %arg2[%dma_wait3A_1539, %dma_wait3A_1540] : memref<50000x128xf32, #tpu.memory_space<hbm>> -> memref<50000x128xf32, #tpu.memory_space<hbm>>
    tpu.wait_indirect_dma semaphore(%arg9 : memref<!tpu.dma_semaphore, #tpu.memory_space<semaphore_mem>>) src(%dma_wait3A_1541 : memref<50000x128xf32, #tpu.memory_space<hbm>>) dst(%dma_wait3A_1535 : memref<20x128xf32, #tpu.memory_space<vmem>>)
    %dma_wait3A_1542 = arith.constant 22 : i32
    %dma_wait3A_1543 = arith.constant 22 : i32
    %dma_wait3A_1544 = arith.constant 0 : i32
    %dma_wait3A_1545 = arith.constant 0 : i32
    %dma_wait3A_1546 = tpu.memref_slice %arg7[%dma_wait3A_1543, %dma_wait3A_1544, %dma_wait3A_1545] : memref<32x20x128xf32, #tpu.memory_space<vmem>> -> memref<1x20x128xf32, #tpu.memory_space<vmem>>
    %dma_wait3A_1547 = tpu.memref_squeeze %dma_wait3A_1546 : memref<1x20x128xf32, #tpu.memory_space<vmem>> -> memref<20x128xf32, #tpu.memory_space<vmem>>
    %dma_wait3A_1548 = arith.constant 0 : i32
    %dma_wait3A_1549 = tpu.memref_slice %arg6[%dma_wait3A_1542, %dma_wait3A_1548] : memref<32x20xi32, #tpu.memory_space<vmem>> -> memref<1x20xi32, #tpu.memory_space<vmem>>
    %dma_wait3A_1550 = tpu.memref_squeeze %dma_wait3A_1549 : memref<1x20xi32, #tpu.memory_space<vmem>> -> memref<20xi32, #tpu.memory_space<vmem>>
    %dma_wait3A_1551 = arith.constant 0 : i32
    %dma_wait3A_1552 = arith.constant 0 : i32
    %dma_wait3A_1553 = tpu.memref_slice %arg2[%dma_wait3A_1551, %dma_wait3A_1552] : memref<50000x128xf32, #tpu.memory_space<hbm>> -> memref<50000x128xf32, #tpu.memory_space<hbm>>
    tpu.wait_indirect_dma semaphore(%arg9 : memref<!tpu.dma_semaphore, #tpu.memory_space<semaphore_mem>>) src(%dma_wait3A_1553 : memref<50000x128xf32, #tpu.memory_space<hbm>>) dst(%dma_wait3A_1547 : memref<20x128xf32, #tpu.memory_space<vmem>>)
    %dma_wait3A_1554 = arith.constant 23 : i32
    %dma_wait3A_1555 = arith.constant 23 : i32
    %dma_wait3A_1556 = arith.constant 0 : i32
    %dma_wait3A_1557 = arith.constant 0 : i32
    %dma_wait3A_1558 = tpu.memref_slice %arg7[%dma_wait3A_1555, %dma_wait3A_1556, %dma_wait3A_1557] : memref<32x20x128xf32, #tpu.memory_space<vmem>> -> memref<1x20x128xf32, #tpu.memory_space<vmem>>
    %dma_wait3A_1559 = tpu.memref_squeeze %dma_wait3A_1558 : memref<1x20x128xf32, #tpu.memory_space<vmem>> -> memref<20x128xf32, #tpu.memory_space<vmem>>
    %dma_wait3A_1560 = arith.constant 0 : i32
    %dma_wait3A_1561 = tpu.memref_slice %arg6[%dma_wait3A_1554, %dma_wait3A_1560] : memref<32x20xi32, #tpu.memory_space<vmem>> -> memref<1x20xi32, #tpu.memory_space<vmem>>
    %dma_wait3A_1562 = tpu.memref_squeeze %dma_wait3A_1561 : memref<1x20xi32, #tpu.memory_space<vmem>> -> memref<20xi32, #tpu.memory_space<vmem>>
    %dma_wait3A_1563 = arith.constant 0 : i32
    %dma_wait3A_1564 = arith.constant 0 : i32
    %dma_wait3A_1565 = tpu.memref_slice %arg2[%dma_wait3A_1563, %dma_wait3A_1564] : memref<50000x128xf32, #tpu.memory_space<hbm>> -> memref<50000x128xf32, #tpu.memory_space<hbm>>
    tpu.wait_indirect_dma semaphore(%arg9 : memref<!tpu.dma_semaphore, #tpu.memory_space<semaphore_mem>>) src(%dma_wait3A_1565 : memref<50000x128xf32, #tpu.memory_space<hbm>>) dst(%dma_wait3A_1559 : memref<20x128xf32, #tpu.memory_space<vmem>>)
    %dma_wait3A_1566 = arith.constant 24 : i32
    %dma_wait3A_1567 = arith.constant 24 : i32
    %dma_wait3A_1568 = arith.constant 0 : i32
    %dma_wait3A_1569 = arith.constant 0 : i32
    %dma_wait3A_1570 = tpu.memref_slice %arg7[%dma_wait3A_1567, %dma_wait3A_1568, %dma_wait3A_1569] : memref<32x20x128xf32, #tpu.memory_space<vmem>> -> memref<1x20x128xf32, #tpu.memory_space<vmem>>
    %dma_wait3A_1571 = tpu.memref_squeeze %dma_wait3A_1570 : memref<1x20x128xf32, #tpu.memory_space<vmem>> -> memref<20x128xf32, #tpu.memory_space<vmem>>
    %dma_wait3A_1572 = arith.constant 0 : i32
    %dma_wait3A_1573 = tpu.memref_slice %arg6[%dma_wait3A_1566, %dma_wait3A_1572] : memref<32x20xi32, #tpu.memory_space<vmem>> -> memref<1x20xi32, #tpu.memory_space<vmem>>
    %dma_wait3A_1574 = tpu.memref_squeeze %dma_wait3A_1573 : memref<1x20xi32, #tpu.memory_space<vmem>> -> memref<20xi32, #tpu.memory_space<vmem>>
    %dma_wait3A_1575 = arith.constant 0 : i32
    %dma_wait3A_1576 = arith.constant 0 : i32
    %dma_wait3A_1577 = tpu.memref_slice %arg2[%dma_wait3A_1575, %dma_wait3A_1576] : memref<50000x128xf32, #tpu.memory_space<hbm>> -> memref<50000x128xf32, #tpu.memory_space<hbm>>
    tpu.wait_indirect_dma semaphore(%arg9 : memref<!tpu.dma_semaphore, #tpu.memory_space<semaphore_mem>>) src(%dma_wait3A_1577 : memref<50000x128xf32, #tpu.memory_space<hbm>>) dst(%dma_wait3A_1571 : memref<20x128xf32, #tpu.memory_space<vmem>>)
    %dma_wait3A_1578 = arith.constant 25 : i32
    %dma_wait3A_1579 = arith.constant 25 : i32
    %dma_wait3A_1580 = arith.constant 0 : i32
    %dma_wait3A_1581 = arith.constant 0 : i32
    %dma_wait3A_1582 = tpu.memref_slice %arg7[%dma_wait3A_1579, %dma_wait3A_1580, %dma_wait3A_1581] : memref<32x20x128xf32, #tpu.memory_space<vmem>> -> memref<1x20x128xf32, #tpu.memory_space<vmem>>
    %dma_wait3A_1583 = tpu.memref_squeeze %dma_wait3A_1582 : memref<1x20x128xf32, #tpu.memory_space<vmem>> -> memref<20x128xf32, #tpu.memory_space<vmem>>
    %dma_wait3A_1584 = arith.constant 0 : i32
    %dma_wait3A_1585 = tpu.memref_slice %arg6[%dma_wait3A_1578, %dma_wait3A_1584] : memref<32x20xi32, #tpu.memory_space<vmem>> -> memref<1x20xi32, #tpu.memory_space<vmem>>
    %dma_wait3A_1586 = tpu.memref_squeeze %dma_wait3A_1585 : memref<1x20xi32, #tpu.memory_space<vmem>> -> memref<20xi32, #tpu.memory_space<vmem>>
    %dma_wait3A_1587 = arith.constant 0 : i32
    %dma_wait3A_1588 = arith.constant 0 : i32
    %dma_wait3A_1589 = tpu.memref_slice %arg2[%dma_wait3A_1587, %dma_wait3A_1588] : memref<50000x128xf32, #tpu.memory_space<hbm>> -> memref<50000x128xf32, #tpu.memory_space<hbm>>
    tpu.wait_indirect_dma semaphore(%arg9 : memref<!tpu.dma_semaphore, #tpu.memory_space<semaphore_mem>>) src(%dma_wait3A_1589 : memref<50000x128xf32, #tpu.memory_space<hbm>>) dst(%dma_wait3A_1583 : memref<20x128xf32, #tpu.memory_space<vmem>>)
    %dma_wait3A_1590 = arith.constant 26 : i32
    %dma_wait3A_1591 = arith.constant 26 : i32
    %dma_wait3A_1592 = arith.constant 0 : i32
    %dma_wait3A_1593 = arith.constant 0 : i32
    %dma_wait3A_1594 = tpu.memref_slice %arg7[%dma_wait3A_1591, %dma_wait3A_1592, %dma_wait3A_1593] : memref<32x20x128xf32, #tpu.memory_space<vmem>> -> memref<1x20x128xf32, #tpu.memory_space<vmem>>
    %dma_wait3A_1595 = tpu.memref_squeeze %dma_wait3A_1594 : memref<1x20x128xf32, #tpu.memory_space<vmem>> -> memref<20x128xf32, #tpu.memory_space<vmem>>
    %dma_wait3A_1596 = arith.constant 0 : i32
    %dma_wait3A_1597 = tpu.memref_slice %arg6[%dma_wait3A_1590, %dma_wait3A_1596] : memref<32x20xi32, #tpu.memory_space<vmem>> -> memref<1x20xi32, #tpu.memory_space<vmem>>
    %dma_wait3A_1598 = tpu.memref_squeeze %dma_wait3A_1597 : memref<1x20xi32, #tpu.memory_space<vmem>> -> memref<20xi32, #tpu.memory_space<vmem>>
    %dma_wait3A_1599 = arith.constant 0 : i32
    %dma_wait3A_1600 = arith.constant 0 : i32
    %dma_wait3A_1601 = tpu.memref_slice %arg2[%dma_wait3A_1599, %dma_wait3A_1600] : memref<50000x128xf32, #tpu.memory_space<hbm>> -> memref<50000x128xf32, #tpu.memory_space<hbm>>
    tpu.wait_indirect_dma semaphore(%arg9 : memref<!tpu.dma_semaphore, #tpu.memory_space<semaphore_mem>>) src(%dma_wait3A_1601 : memref<50000x128xf32, #tpu.memory_space<hbm>>) dst(%dma_wait3A_1595 : memref<20x128xf32, #tpu.memory_space<vmem>>)
    %dma_wait3A_1602 = arith.constant 27 : i32
    %dma_wait3A_1603 = arith.constant 27 : i32
    %dma_wait3A_1604 = arith.constant 0 : i32
    %dma_wait3A_1605 = arith.constant 0 : i32
    %dma_wait3A_1606 = tpu.memref_slice %arg7[%dma_wait3A_1603, %dma_wait3A_1604, %dma_wait3A_1605] : memref<32x20x128xf32, #tpu.memory_space<vmem>> -> memref<1x20x128xf32, #tpu.memory_space<vmem>>
    %dma_wait3A_1607 = tpu.memref_squeeze %dma_wait3A_1606 : memref<1x20x128xf32, #tpu.memory_space<vmem>> -> memref<20x128xf32, #tpu.memory_space<vmem>>
    %dma_wait3A_1608 = arith.constant 0 : i32
    %dma_wait3A_1609 = tpu.memref_slice %arg6[%dma_wait3A_1602, %dma_wait3A_1608] : memref<32x20xi32, #tpu.memory_space<vmem>> -> memref<1x20xi32, #tpu.memory_space<vmem>>
    %dma_wait3A_1610 = tpu.memref_squeeze %dma_wait3A_1609 : memref<1x20xi32, #tpu.memory_space<vmem>> -> memref<20xi32, #tpu.memory_space<vmem>>
    %dma_wait3A_1611 = arith.constant 0 : i32
    %dma_wait3A_1612 = arith.constant 0 : i32
    %dma_wait3A_1613 = tpu.memref_slice %arg2[%dma_wait3A_1611, %dma_wait3A_1612] : memref<50000x128xf32, #tpu.memory_space<hbm>> -> memref<50000x128xf32, #tpu.memory_space<hbm>>
    tpu.wait_indirect_dma semaphore(%arg9 : memref<!tpu.dma_semaphore, #tpu.memory_space<semaphore_mem>>) src(%dma_wait3A_1613 : memref<50000x128xf32, #tpu.memory_space<hbm>>) dst(%dma_wait3A_1607 : memref<20x128xf32, #tpu.memory_space<vmem>>)
    %dma_wait3A_1614 = arith.constant 28 : i32
    %dma_wait3A_1615 = arith.constant 28 : i32
    %dma_wait3A_1616 = arith.constant 0 : i32
    %dma_wait3A_1617 = arith.constant 0 : i32
    %dma_wait3A_1618 = tpu.memref_slice %arg7[%dma_wait3A_1615, %dma_wait3A_1616, %dma_wait3A_1617] : memref<32x20x128xf32, #tpu.memory_space<vmem>> -> memref<1x20x128xf32, #tpu.memory_space<vmem>>
    %dma_wait3A_1619 = tpu.memref_squeeze %dma_wait3A_1618 : memref<1x20x128xf32, #tpu.memory_space<vmem>> -> memref<20x128xf32, #tpu.memory_space<vmem>>
    %dma_wait3A_1620 = arith.constant 0 : i32
    %dma_wait3A_1621 = tpu.memref_slice %arg6[%dma_wait3A_1614, %dma_wait3A_1620] : memref<32x20xi32, #tpu.memory_space<vmem>> -> memref<1x20xi32, #tpu.memory_space<vmem>>
    %dma_wait3A_1622 = tpu.memref_squeeze %dma_wait3A_1621 : memref<1x20xi32, #tpu.memory_space<vmem>> -> memref<20xi32, #tpu.memory_space<vmem>>
    %dma_wait3A_1623 = arith.constant 0 : i32
    %dma_wait3A_1624 = arith.constant 0 : i32
    %dma_wait3A_1625 = tpu.memref_slice %arg2[%dma_wait3A_1623, %dma_wait3A_1624] : memref<50000x128xf32, #tpu.memory_space<hbm>> -> memref<50000x128xf32, #tpu.memory_space<hbm>>
    tpu.wait_indirect_dma semaphore(%arg9 : memref<!tpu.dma_semaphore, #tpu.memory_space<semaphore_mem>>) src(%dma_wait3A_1625 : memref<50000x128xf32, #tpu.memory_space<hbm>>) dst(%dma_wait3A_1619 : memref<20x128xf32, #tpu.memory_space<vmem>>)
    %dma_wait3A_1626 = arith.constant 29 : i32
    %dma_wait3A_1627 = arith.constant 29 : i32
    %dma_wait3A_1628 = arith.constant 0 : i32
    %dma_wait3A_1629 = arith.constant 0 : i32
    %dma_wait3A_1630 = tpu.memref_slice %arg7[%dma_wait3A_1627, %dma_wait3A_1628, %dma_wait3A_1629] : memref<32x20x128xf32, #tpu.memory_space<vmem>> -> memref<1x20x128xf32, #tpu.memory_space<vmem>>
    %dma_wait3A_1631 = tpu.memref_squeeze %dma_wait3A_1630 : memref<1x20x128xf32, #tpu.memory_space<vmem>> -> memref<20x128xf32, #tpu.memory_space<vmem>>
    %dma_wait3A_1632 = arith.constant 0 : i32
    %dma_wait3A_1633 = tpu.memref_slice %arg6[%dma_wait3A_1626, %dma_wait3A_1632] : memref<32x20xi32, #tpu.memory_space<vmem>> -> memref<1x20xi32, #tpu.memory_space<vmem>>
    %dma_wait3A_1634 = tpu.memref_squeeze %dma_wait3A_1633 : memref<1x20xi32, #tpu.memory_space<vmem>> -> memref<20xi32, #tpu.memory_space<vmem>>
    %dma_wait3A_1635 = arith.constant 0 : i32
    %dma_wait3A_1636 = arith.constant 0 : i32
    %dma_wait3A_1637 = tpu.memref_slice %arg2[%dma_wait3A_1635, %dma_wait3A_1636] : memref<50000x128xf32, #tpu.memory_space<hbm>> -> memref<50000x128xf32, #tpu.memory_space<hbm>>
    tpu.wait_indirect_dma semaphore(%arg9 : memref<!tpu.dma_semaphore, #tpu.memory_space<semaphore_mem>>) src(%dma_wait3A_1637 : memref<50000x128xf32, #tpu.memory_space<hbm>>) dst(%dma_wait3A_1631 : memref<20x128xf32, #tpu.memory_space<vmem>>)
    %dma_wait3A_1638 = arith.constant 30 : i32
    %dma_wait3A_1639 = arith.constant 30 : i32
    %dma_wait3A_1640 = arith.constant 0 : i32
    %dma_wait3A_1641 = arith.constant 0 : i32
    %dma_wait3A_1642 = tpu.memref_slice %arg7[%dma_wait3A_1639, %dma_wait3A_1640, %dma_wait3A_1641] : memref<32x20x128xf32, #tpu.memory_space<vmem>> -> memref<1x20x128xf32, #tpu.memory_space<vmem>>
    %dma_wait3A_1643 = tpu.memref_squeeze %dma_wait3A_1642 : memref<1x20x128xf32, #tpu.memory_space<vmem>> -> memref<20x128xf32, #tpu.memory_space<vmem>>
    %dma_wait3A_1644 = arith.constant 0 : i32
    %dma_wait3A_1645 = tpu.memref_slice %arg6[%dma_wait3A_1638, %dma_wait3A_1644] : memref<32x20xi32, #tpu.memory_space<vmem>> -> memref<1x20xi32, #tpu.memory_space<vmem>>
    %dma_wait3A_1646 = tpu.memref_squeeze %dma_wait3A_1645 : memref<1x20xi32, #tpu.memory_space<vmem>> -> memref<20xi32, #tpu.memory_space<vmem>>
    %dma_wait3A_1647 = arith.constant 0 : i32
    %dma_wait3A_1648 = arith.constant 0 : i32
    %dma_wait3A_1649 = tpu.memref_slice %arg2[%dma_wait3A_1647, %dma_wait3A_1648] : memref<50000x128xf32, #tpu.memory_space<hbm>> -> memref<50000x128xf32, #tpu.memory_space<hbm>>
    tpu.wait_indirect_dma semaphore(%arg9 : memref<!tpu.dma_semaphore, #tpu.memory_space<semaphore_mem>>) src(%dma_wait3A_1649 : memref<50000x128xf32, #tpu.memory_space<hbm>>) dst(%dma_wait3A_1643 : memref<20x128xf32, #tpu.memory_space<vmem>>)
    %dma_wait3A_1650 = arith.constant 31 : i32
    %dma_wait3A_1651 = arith.constant 31 : i32
    %dma_wait3A_1652 = arith.constant 0 : i32
    %dma_wait3A_1653 = arith.constant 0 : i32
    %dma_wait3A_1654 = tpu.memref_slice %arg7[%dma_wait3A_1651, %dma_wait3A_1652, %dma_wait3A_1653] : memref<32x20x128xf32, #tpu.memory_space<vmem>> -> memref<1x20x128xf32, #tpu.memory_space<vmem>>
    %dma_wait3A_1655 = tpu.memref_squeeze %dma_wait3A_1654 : memref<1x20x128xf32, #tpu.memory_space<vmem>> -> memref<20x128xf32, #tpu.memory_space<vmem>>
    %dma_wait3A_1656 = arith.constant 0 : i32
    %dma_wait3A_1657 = tpu.memref_slice %arg6[%dma_wait3A_1650, %dma_wait3A_1656] : memref<32x20xi32, #tpu.memory_space<vmem>> -> memref<1x20xi32, #tpu.memory_space<vmem>>
    %dma_wait3A_1658 = tpu.memref_squeeze %dma_wait3A_1657 : memref<1x20xi32, #tpu.memory_space<vmem>> -> memref<20xi32, #tpu.memory_space<vmem>>
    %dma_wait3A_1659 = arith.constant 0 : i32
    %dma_wait3A_1660 = arith.constant 0 : i32
    %dma_wait3A_1661 = tpu.memref_slice %arg2[%dma_wait3A_1659, %dma_wait3A_1660] : memref<50000x128xf32, #tpu.memory_space<hbm>> -> memref<50000x128xf32, #tpu.memory_space<hbm>>
    tpu.wait_indirect_dma semaphore(%arg9 : memref<!tpu.dma_semaphore, #tpu.memory_space<semaphore_mem>>) src(%dma_wait3A_1661 : memref<50000x128xf32, #tpu.memory_space<hbm>>) dst(%dma_wait3A_1655 : memref<20x128xf32, #tpu.memory_space<vmem>>)
    %scan3A = arith.constant 0 : i32
    %scan3A_1662 = arith.constant 32 : i32
    %scan3A_1663 = arith.addi %scan3A, %scan3A_1662 : i32
    %scan3A_1664 = arith.constant 1 : i32
    scf.for %scan3A_1666 = %scan3A to %scan3A_1663 step %scan3A_1664  : i32 {
      %get3A_1667 = arith.index_cast %scan3A_1666 : i32 to index
      %get3A_1668 = arith.constant 0 : index
      %get3A_1669 = tpu.vector_load %arg5[%get3A_1667, %get3A_1668] {strides = array<i32>} : memref<32x20xi32, #tpu.memory_space<vmem>>, vector<1x16xi32>,
      %get3A_1670 = vector.shape_cast %get3A_1669 : vector<1x16xi32> to vector<16xi32>
      %and3A = arith.constant 1 : i32
      %and3A_1671 = vector.broadcast %and3A : i32 to vector<16xi32>
      %and3A_1672 = arith.andi %get3A_1670, %and3A_1671 : vector<16xi32>
      %mul3A_1673 = arith.constant 64 : i32
      %mul3A_1674 = vector.broadcast %mul3A_1673 : i32 to vector<16xi32>
      %mul3A_1675 = arith.muli %and3A_1672, %mul3A_1674 : vector<16xi32>
      %get3A_1676 = arith.index_cast %scan3A_1666 : i32 to index
      %get3A_1677 = arith.constant 4 : index
      %get3A_1678 = tpu.vector_load %arg5[%get3A_1676, %get3A_1677] {strides = array<i32>} : memref<32x20xi32, #tpu.memory_space<vmem>>, vector<1x16xi32>,
      %get3A_1679 = vector.shape_cast %get3A_1678 : vector<1x16xi32> to vector<16xi32>
      %and3A_1680 = arith.constant 1 : i32
      %and3A_1681 = vector.broadcast %and3A_1680 : i32 to vector<16xi32>
      %and3A_1682 = arith.andi %get3A_1679, %and3A_1681 : vector<16xi32>
      %mul3A_1683 = arith.constant 64 : i32
      %mul3A_1684 = vector.broadcast %mul3A_1683 : i32 to vector<16xi32>
      %mul3A_1685 = arith.muli %and3A_1682, %mul3A_1684 : vector<16xi32>
      %slice3A = vector.extract_strided_slice %mul3A_1675 {offsets = [0], sizes = [1], strides = [1]} : vector<16xi32> to vector<1xi32>
      %squeeze3A = vector.extract %slice3A[0] : i32 from vector<1xi32>
      %add3A_1686 = arith.constant 0 : i32
      %add3A_1687 = arith.addi %squeeze3A, %add3A_1686 : i32
      %get3A_1688 = arith.constant 0 : i32
      %get3A_1689 = arith.index_cast %scan3A_1666 : i32 to index
      %get3A_1690 = arith.index_cast %get3A_1688 : i32 to index
      %get3A_1691 = arith.index_cast %add3A_1687 : i32 to index
      %get3A_1692 = tpu.vector_load %arg7[%get3A_1689, %get3A_1690, %get3A_1691] {strides = array<i32>} : memref<32x20x128xf32, #tpu.memory_space<vmem>>, vector<1x1x16xf32>,
      %get3A_1693 = vector.shape_cast %get3A_1692 : vector<1x1x16xf32> to vector<16xf32>
      %slice3A_1694 = vector.extract_strided_slice %mul3A_1675 {offsets = [1], sizes = [1], strides = [1]} : vector<16xi32> to vector<1xi32>
      %squeeze3A_1695 = vector.extract %slice3A_1694[0] : i32 from vector<1xi32>
      %add3A_1696 = arith.constant 0 : i32
      %add3A_1697 = arith.addi %squeeze3A_1695, %add3A_1696 : i32
      %get3A_1698 = arith.constant 1 : i32
      %get3A_1699 = arith.index_cast %scan3A_1666 : i32 to index
      %get3A_1700 = arith.index_cast %get3A_1698 : i32 to index
      %get3A_1701 = arith.index_cast %add3A_1697 : i32 to index
      %get3A_1702 = tpu.vector_load %arg7[%get3A_1699, %get3A_1700, %get3A_1701] {strides = array<i32>} : memref<32x20x128xf32, #tpu.memory_space<vmem>>, vector<1x1x16xf32>,
      %get3A_1703 = vector.shape_cast %get3A_1702 : vector<1x1x16xf32> to vector<16xf32>
      %add3A_1704 = arith.addf %get3A_1693, %get3A_1703 : vector<16xf32>
      %slice3A_1705 = vector.extract_strided_slice %mul3A_1675 {offsets = [2], sizes = [1], strides = [1]} : vector<16xi32> to vector<1xi32>
      %squeeze3A_1706 = vector.extract %slice3A_1705[0] : i32 from vector<1xi32>
      %add3A_1707 = arith.constant 0 : i32
      %add3A_1708 = arith.addi %squeeze3A_1706, %add3A_1707 : i32
      %get3A_1709 = arith.constant 2 : i32
      %get3A_1710 = arith.index_cast %scan3A_1666 : i32 to index
      %get3A_1711 = arith.index_cast %get3A_1709 : i32 to index
      %get3A_1712 = arith.index_cast %add3A_1708 : i32 to index
      %get3A_1713 = tpu.vector_load %arg7[%get3A_1710, %get3A_1711, %get3A_1712] {strides = array<i32>} : memref<32x20x128xf32, #tpu.memory_space<vmem>>, vector<1x1x16xf32>,
      %get3A_1714 = vector.shape_cast %get3A_1713 : vector<1x1x16xf32> to vector<16xf32>
      %add3A_1715 = arith.addf %add3A_1704, %get3A_1714 : vector<16xf32>
      %slice3A_1716 = vector.extract_strided_slice %mul3A_1675 {offsets = [3], sizes = [1], strides = [1]} : vector<16xi32> to vector<1xi32>
      %squeeze3A_1717 = vector.extract %slice3A_1716[0] : i32 from vector<1xi32>
      %add3A_1718 = arith.constant 0 : i32
      %add3A_1719 = arith.addi %squeeze3A_1717, %add3A_1718 : i32
      %get3A_1720 = arith.constant 3 : i32
      %get3A_1721 = arith.index_cast %scan3A_1666 : i32 to index
      %get3A_1722 = arith.index_cast %get3A_1720 : i32 to index
      %get3A_1723 = arith.index_cast %add3A_1719 : i32 to index
      %get3A_1724 = tpu.vector_load %arg7[%get3A_1721, %get3A_1722, %get3A_1723] {strides = array<i32>} : memref<32x20x128xf32, #tpu.memory_space<vmem>>, vector<1x1x16xf32>,
      %get3A_1725 = vector.shape_cast %get3A_1724 : vector<1x1x16xf32> to vector<16xf32>
      %add3A_1726 = arith.addf %add3A_1715, %get3A_1725 : vector<16xf32>
      %slice3A_1727 = vector.extract_strided_slice %mul3A_1675 {offsets = [4], sizes = [1], strides = [1]} : vector<16xi32> to vector<1xi32>
      %squeeze3A_1728 = vector.extract %slice3A_1727[0] : i32 from vector<1xi32>
      %add3A_1729 = arith.constant 0 : i32
      %add3A_1730 = arith.addi %squeeze3A_1728, %add3A_1729 : i32
      %get3A_1731 = arith.constant 4 : i32
      %get3A_1732 = arith.index_cast %scan3A_1666 : i32 to index
      %get3A_1733 = arith.index_cast %get3A_1731 : i32 to index
      %get3A_1734 = arith.index_cast %add3A_1730 : i32 to index
      %get3A_1735 = tpu.vector_load %arg7[%get3A_1732, %get3A_1733, %get3A_1734] {strides = array<i32>} : memref<32x20x128xf32, #tpu.memory_space<vmem>>, vector<1x1x16xf32>,
      %get3A_1736 = vector.shape_cast %get3A_1735 : vector<1x1x16xf32> to vector<16xf32>
      %add3A_1737 = arith.addf %add3A_1726, %get3A_1736 : vector<16xf32>
      %slice3A_1738 = vector.extract_strided_slice %mul3A_1675 {offsets = [5], sizes = [1], strides = [1]} : vector<16xi32> to vector<1xi32>
      %squeeze3A_1739 = vector.extract %slice3A_1738[0] : i32 from vector<1xi32>
      %add3A_1740 = arith.constant 0 : i32
      %add3A_1741 = arith.addi %squeeze3A_1739, %add3A_1740 : i32
      %get3A_1742 = arith.constant 5 : i32
      %get3A_1743 = arith.index_cast %scan3A_1666 : i32 to index
      %get3A_1744 = arith.index_cast %get3A_1742 : i32 to index
      %get3A_1745 = arith.index_cast %add3A_1741 : i32 to index
      %get3A_1746 = tpu.vector_load %arg7[%get3A_1743, %get3A_1744, %get3A_1745] {strides = array<i32>} : memref<32x20x128xf32, #tpu.memory_space<vmem>>, vector<1x1x16xf32>,
      %get3A_1747 = vector.shape_cast %get3A_1746 : vector<1x1x16xf32> to vector<16xf32>
      %add3A_1748 = arith.addf %add3A_1737, %get3A_1747 : vector<16xf32>
      %slice3A_1749 = vector.extract_strided_slice %mul3A_1675 {offsets = [6], sizes = [1], strides = [1]} : vector<16xi32> to vector<1xi32>
      %squeeze3A_1750 = vector.extract %slice3A_1749[0] : i32 from vector<1xi32>
      %add3A_1751 = arith.constant 0 : i32
      %add3A_1752 = arith.addi %squeeze3A_1750, %add3A_1751 : i32
      %get3A_1753 = arith.constant 6 : i32
      %get3A_1754 = arith.index_cast %scan3A_1666 : i32 to index
      %get3A_1755 = arith.index_cast %get3A_1753 : i32 to index
      %get3A_1756 = arith.index_cast %add3A_1752 : i32 to index
      %get3A_1757 = tpu.vector_load %arg7[%get3A_1754, %get3A_1755, %get3A_1756] {strides = array<i32>} : memref<32x20x128xf32, #tpu.memory_space<vmem>>, vector<1x1x16xf32>,
      %get3A_1758 = vector.shape_cast %get3A_1757 : vector<1x1x16xf32> to vector<16xf32>
      %add3A_1759 = arith.addf %add3A_1748, %get3A_1758 : vector<16xf32>
      %slice3A_1760 = vector.extract_strided_slice %mul3A_1675 {offsets = [7], sizes = [1], strides = [1]} : vector<16xi32> to vector<1xi32>
      %squeeze3A_1761 = vector.extract %slice3A_1760[0] : i32 from vector<1xi32>
      %add3A_1762 = arith.constant 0 : i32
      %add3A_1763 = arith.addi %squeeze3A_1761, %add3A_1762 : i32
      %get3A_1764 = arith.constant 7 : i32
      %get3A_1765 = arith.index_cast %scan3A_1666 : i32 to index
      %get3A_1766 = arith.index_cast %get3A_1764 : i32 to index
      %get3A_1767 = arith.index_cast %add3A_1763 : i32 to index
      %get3A_1768 = tpu.vector_load %arg7[%get3A_1765, %get3A_1766, %get3A_1767] {strides = array<i32>} : memref<32x20x128xf32, #tpu.memory_space<vmem>>, vector<1x1x16xf32>,
      %get3A_1769 = vector.shape_cast %get3A_1768 : vector<1x1x16xf32> to vector<16xf32>
      %add3A_1770 = arith.addf %add3A_1759, %get3A_1769 : vector<16xf32>
      %slice3A_1771 = vector.extract_strided_slice %mul3A_1675 {offsets = [8], sizes = [1], strides = [1]} : vector<16xi32> to vector<1xi32>
      %squeeze3A_1772 = vector.extract %slice3A_1771[0] : i32 from vector<1xi32>
      %add3A_1773 = arith.constant 0 : i32
      %add3A_1774 = arith.addi %squeeze3A_1772, %add3A_1773 : i32
      %get3A_1775 = arith.constant 8 : i32
      %get3A_1776 = arith.index_cast %scan3A_1666 : i32 to index
      %get3A_1777 = arith.index_cast %get3A_1775 : i32 to index
      %get3A_1778 = arith.index_cast %add3A_1774 : i32 to index
      %get3A_1779 = tpu.vector_load %arg7[%get3A_1776, %get3A_1777, %get3A_1778] {strides = array<i32>} : memref<32x20x128xf32, #tpu.memory_space<vmem>>, vector<1x1x16xf32>,
      %get3A_1780 = vector.shape_cast %get3A_1779 : vector<1x1x16xf32> to vector<16xf32>
      %add3A_1781 = arith.addf %add3A_1770, %get3A_1780 : vector<16xf32>
      %slice3A_1782 = vector.extract_strided_slice %mul3A_1675 {offsets = [9], sizes = [1], strides = [1]} : vector<16xi32> to vector<1xi32>
      %squeeze3A_1783 = vector.extract %slice3A_1782[0] : i32 from vector<1xi32>
      %add3A_1784 = arith.constant 0 : i32
      %add3A_1785 = arith.addi %squeeze3A_1783, %add3A_1784 : i32
      %get3A_1786 = arith.constant 9 : i32
      %get3A_1787 = arith.index_cast %scan3A_1666 : i32 to index
      %get3A_1788 = arith.index_cast %get3A_1786 : i32 to index
      %get3A_1789 = arith.index_cast %add3A_1785 : i32 to index
      %get3A_1790 = tpu.vector_load %arg7[%get3A_1787, %get3A_1788, %get3A_1789] {strides = array<i32>} : memref<32x20x128xf32, #tpu.memory_space<vmem>>, vector<1x1x16xf32>,
      %get3A_1791 = vector.shape_cast %get3A_1790 : vector<1x1x16xf32> to vector<16xf32>
      %add3A_1792 = arith.addf %add3A_1781, %get3A_1791 : vector<16xf32>
      %slice3A_1793 = vector.extract_strided_slice %mul3A_1675 {offsets = [10], sizes = [1], strides = [1]} : vector<16xi32> to vector<1xi32>
      %squeeze3A_1794 = vector.extract %slice3A_1793[0] : i32 from vector<1xi32>
      %add3A_1795 = arith.constant 0 : i32
      %add3A_1796 = arith.addi %squeeze3A_1794, %add3A_1795 : i32
      %get3A_1797 = arith.constant 10 : i32
      %get3A_1798 = arith.index_cast %scan3A_1666 : i32 to index
      %get3A_1799 = arith.index_cast %get3A_1797 : i32 to index
      %get3A_1800 = arith.index_cast %add3A_1796 : i32 to index
      %get3A_1801 = tpu.vector_load %arg7[%get3A_1798, %get3A_1799, %get3A_1800] {strides = array<i32>} : memref<32x20x128xf32, #tpu.memory_space<vmem>>, vector<1x1x16xf32>,
      %get3A_1802 = vector.shape_cast %get3A_1801 : vector<1x1x16xf32> to vector<16xf32>
      %add3A_1803 = arith.addf %add3A_1792, %get3A_1802 : vector<16xf32>
      %slice3A_1804 = vector.extract_strided_slice %mul3A_1675 {offsets = [11], sizes = [1], strides = [1]} : vector<16xi32> to vector<1xi32>
      %squeeze3A_1805 = vector.extract %slice3A_1804[0] : i32 from vector<1xi32>
      %add3A_1806 = arith.constant 0 : i32
      %add3A_1807 = arith.addi %squeeze3A_1805, %add3A_1806 : i32
      %get3A_1808 = arith.constant 11 : i32
      %get3A_1809 = arith.index_cast %scan3A_1666 : i32 to index
      %get3A_1810 = arith.index_cast %get3A_1808 : i32 to index
      %get3A_1811 = arith.index_cast %add3A_1807 : i32 to index
      %get3A_1812 = tpu.vector_load %arg7[%get3A_1809, %get3A_1810, %get3A_1811] {strides = array<i32>} : memref<32x20x128xf32, #tpu.memory_space<vmem>>, vector<1x1x16xf32>,
      %get3A_1813 = vector.shape_cast %get3A_1812 : vector<1x1x16xf32> to vector<16xf32>
      %add3A_1814 = arith.addf %add3A_1803, %get3A_1813 : vector<16xf32>
      %slice3A_1815 = vector.extract_strided_slice %mul3A_1675 {offsets = [12], sizes = [1], strides = [1]} : vector<16xi32> to vector<1xi32>
      %squeeze3A_1816 = vector.extract %slice3A_1815[0] : i32 from vector<1xi32>
      %add3A_1817 = arith.constant 0 : i32
      %add3A_1818 = arith.addi %squeeze3A_1816, %add3A_1817 : i32
      %get3A_1819 = arith.constant 12 : i32
      %get3A_1820 = arith.index_cast %scan3A_1666 : i32 to index
      %get3A_1821 = arith.index_cast %get3A_1819 : i32 to index
      %get3A_1822 = arith.index_cast %add3A_1818 : i32 to index
      %get3A_1823 = tpu.vector_load %arg7[%get3A_1820, %get3A_1821, %get3A_1822] {strides = array<i32>} : memref<32x20x128xf32, #tpu.memory_space<vmem>>, vector<1x1x16xf32>,
      %get3A_1824 = vector.shape_cast %get3A_1823 : vector<1x1x16xf32> to vector<16xf32>
      %add3A_1825 = arith.addf %add3A_1814, %get3A_1824 : vector<16xf32>
      %slice3A_1826 = vector.extract_strided_slice %mul3A_1675 {offsets = [13], sizes = [1], strides = [1]} : vector<16xi32> to vector<1xi32>
      %squeeze3A_1827 = vector.extract %slice3A_1826[0] : i32 from vector<1xi32>
      %add3A_1828 = arith.constant 0 : i32
      %add3A_1829 = arith.addi %squeeze3A_1827, %add3A_1828 : i32
      %get3A_1830 = arith.constant 13 : i32
      %get3A_1831 = arith.index_cast %scan3A_1666 : i32 to index
      %get3A_1832 = arith.index_cast %get3A_1830 : i32 to index
      %get3A_1833 = arith.index_cast %add3A_1829 : i32 to index
      %get3A_1834 = tpu.vector_load %arg7[%get3A_1831, %get3A_1832, %get3A_1833] {strides = array<i32>} : memref<32x20x128xf32, #tpu.memory_space<vmem>>, vector<1x1x16xf32>,
      %get3A_1835 = vector.shape_cast %get3A_1834 : vector<1x1x16xf32> to vector<16xf32>
      %add3A_1836 = arith.addf %add3A_1825, %get3A_1835 : vector<16xf32>
      %slice3A_1837 = vector.extract_strided_slice %mul3A_1675 {offsets = [14], sizes = [1], strides = [1]} : vector<16xi32> to vector<1xi32>
      %squeeze3A_1838 = vector.extract %slice3A_1837[0] : i32 from vector<1xi32>
      %add3A_1839 = arith.constant 0 : i32
      %add3A_1840 = arith.addi %squeeze3A_1838, %add3A_1839 : i32
      %get3A_1841 = arith.constant 14 : i32
      %get3A_1842 = arith.index_cast %scan3A_1666 : i32 to index
      %get3A_1843 = arith.index_cast %get3A_1841 : i32 to index
      %get3A_1844 = arith.index_cast %add3A_1840 : i32 to index
      %get3A_1845 = tpu.vector_load %arg7[%get3A_1842, %get3A_1843, %get3A_1844] {strides = array<i32>} : memref<32x20x128xf32, #tpu.memory_space<vmem>>, vector<1x1x16xf32>,
      %get3A_1846 = vector.shape_cast %get3A_1845 : vector<1x1x16xf32> to vector<16xf32>
      %add3A_1847 = arith.addf %add3A_1836, %get3A_1846 : vector<16xf32>
      %slice3A_1848 = vector.extract_strided_slice %mul3A_1675 {offsets = [15], sizes = [1], strides = [1]} : vector<16xi32> to vector<1xi32>
      %squeeze3A_1849 = vector.extract %slice3A_1848[0] : i32 from vector<1xi32>
      %add3A_1850 = arith.constant 0 : i32
      %add3A_1851 = arith.addi %squeeze3A_1849, %add3A_1850 : i32
      %get3A_1852 = arith.constant 15 : i32
      %get3A_1853 = arith.index_cast %scan3A_1666 : i32 to index
      %get3A_1854 = arith.index_cast %get3A_1852 : i32 to index
      %get3A_1855 = arith.index_cast %add3A_1851 : i32 to index
      %get3A_1856 = tpu.vector_load %arg7[%get3A_1853, %get3A_1854, %get3A_1855] {strides = array<i32>} : memref<32x20x128xf32, #tpu.memory_space<vmem>>, vector<1x1x16xf32>,
      %get3A_1857 = vector.shape_cast %get3A_1856 : vector<1x1x16xf32> to vector<16xf32>
      %add3A_1858 = arith.addf %add3A_1847, %get3A_1857 : vector<16xf32>
      %slice3A_1859 = vector.extract_strided_slice %mul3A_1685 {offsets = [12], sizes = [1], strides = [1]} : vector<16xi32> to vector<1xi32>
      %squeeze3A_1860 = vector.extract %slice3A_1859[0] : i32 from vector<1xi32>
      %add3A_1861 = arith.constant 0 : i32
      %add3A_1862 = arith.addi %squeeze3A_1860, %add3A_1861 : i32
      %get3A_1863 = arith.constant 16 : i32
      %get3A_1864 = arith.index_cast %scan3A_1666 : i32 to index
      %get3A_1865 = arith.index_cast %get3A_1863 : i32 to index
      %get3A_1866 = arith.index_cast %add3A_1862 : i32 to index
      %get3A_1867 = tpu.vector_load %arg7[%get3A_1864, %get3A_1865, %get3A_1866] {strides = array<i32>} : memref<32x20x128xf32, #tpu.memory_space<vmem>>, vector<1x1x16xf32>,
      %get3A_1868 = vector.shape_cast %get3A_1867 : vector<1x1x16xf32> to vector<16xf32>
      %add3A_1869 = arith.addf %add3A_1858, %get3A_1868 : vector<16xf32>
      %slice3A_1870 = vector.extract_strided_slice %mul3A_1685 {offsets = [13], sizes = [1], strides = [1]} : vector<16xi32> to vector<1xi32>
      %squeeze3A_1871 = vector.extract %slice3A_1870[0] : i32 from vector<1xi32>
      %add3A_1872 = arith.constant 0 : i32
      %add3A_1873 = arith.addi %squeeze3A_1871, %add3A_1872 : i32
      %get3A_1874 = arith.constant 17 : i32
      %get3A_1875 = arith.index_cast %scan3A_1666 : i32 to index
      %get3A_1876 = arith.index_cast %get3A_1874 : i32 to index
      %get3A_1877 = arith.index_cast %add3A_1873 : i32 to index
      %get3A_1878 = tpu.vector_load %arg7[%get3A_1875, %get3A_1876, %get3A_1877] {strides = array<i32>} : memref<32x20x128xf32, #tpu.memory_space<vmem>>, vector<1x1x16xf32>,
      %get3A_1879 = vector.shape_cast %get3A_1878 : vector<1x1x16xf32> to vector<16xf32>
      %add3A_1880 = arith.addf %add3A_1869, %get3A_1879 : vector<16xf32>
      %slice3A_1881 = vector.extract_strided_slice %mul3A_1685 {offsets = [14], sizes = [1], strides = [1]} : vector<16xi32> to vector<1xi32>
      %squeeze3A_1882 = vector.extract %slice3A_1881[0] : i32 from vector<1xi32>
      %add3A_1883 = arith.constant 0 : i32
      %add3A_1884 = arith.addi %squeeze3A_1882, %add3A_1883 : i32
      %get3A_1885 = arith.constant 18 : i32
      %get3A_1886 = arith.index_cast %scan3A_1666 : i32 to index
      %get3A_1887 = arith.index_cast %get3A_1885 : i32 to index
      %get3A_1888 = arith.index_cast %add3A_1884 : i32 to index
      %get3A_1889 = tpu.vector_load %arg7[%get3A_1886, %get3A_1887, %get3A_1888] {strides = array<i32>} : memref<32x20x128xf32, #tpu.memory_space<vmem>>, vector<1x1x16xf32>,
      %get3A_1890 = vector.shape_cast %get3A_1889 : vector<1x1x16xf32> to vector<16xf32>
      %add3A_1891 = arith.addf %add3A_1880, %get3A_1890 : vector<16xf32>
      %slice3A_1892 = vector.extract_strided_slice %mul3A_1685 {offsets = [15], sizes = [1], strides = [1]} : vector<16xi32> to vector<1xi32>
      %squeeze3A_1893 = vector.extract %slice3A_1892[0] : i32 from vector<1xi32>
      %add3A_1894 = arith.constant 0 : i32
      %add3A_1895 = arith.addi %squeeze3A_1893, %add3A_1894 : i32
      %get3A_1896 = arith.constant 19 : i32
      %get3A_1897 = arith.index_cast %scan3A_1666 : i32 to index
      %get3A_1898 = arith.index_cast %get3A_1896 : i32 to index
      %get3A_1899 = arith.index_cast %add3A_1895 : i32 to index
      %get3A_1900 = tpu.vector_load %arg7[%get3A_1897, %get3A_1898, %get3A_1899] {strides = array<i32>} : memref<32x20x128xf32, #tpu.memory_space<vmem>>, vector<1x1x16xf32>,
      %get3A_1901 = vector.shape_cast %get3A_1900 : vector<1x1x16xf32> to vector<16xf32>
      %add3A_1902 = arith.addf %add3A_1891, %get3A_1901 : vector<16xf32>
      %swap3A_1903 = arith.index_cast %scan3A_1666 : i32 to index
      %swap3A_1904 = arith.constant 0 : index
      %swap3A_1905 = tpu.vector_load %arg8[%swap3A_1903, %swap3A_1904] {strides = array<i32>} : memref<32x64xf32, #tpu.memory_space<vmem>>, vector<1x16xf32>,
      %swap3A_1906 = vector.shape_cast %swap3A_1905 : vector<1x16xf32> to vector<16xf32>
      %swap3A_1907 = vector.shape_cast %add3A_1902 : vector<16xf32> to vector<1x16xf32>
      tpu.vector_store %arg8[%swap3A_1903, %swap3A_1904], %swap3A_1907 {strides = array<i32>} : memref<32x64xf32, #tpu.memory_space<vmem>>, vector<1x16xf32>,
      %slice3A_1908 = vector.extract_strided_slice %mul3A_1675 {offsets = [0], sizes = [1], strides = [1]} : vector<16xi32> to vector<1xi32>
      %squeeze3A_1909 = vector.extract %slice3A_1908[0] : i32 from vector<1xi32>
      %add3A_1910 = arith.constant 16 : i32
      %add3A_1911 = arith.addi %squeeze3A_1909, %add3A_1910 : i32
      %get3A_1912 = arith.constant 0 : i32
      %get3A_1913 = arith.index_cast %scan3A_1666 : i32 to index
      %get3A_1914 = arith.index_cast %get3A_1912 : i32 to index
      %get3A_1915 = arith.index_cast %add3A_1911 : i32 to index
      %get3A_1916 = tpu.vector_load %arg7[%get3A_1913, %get3A_1914, %get3A_1915] {strides = array<i32>} : memref<32x20x128xf32, #tpu.memory_space<vmem>>, vector<1x1x16xf32>,
      %get3A_1917 = vector.shape_cast %get3A_1916 : vector<1x1x16xf32> to vector<16xf32>
      %slice3A_1918 = vector.extract_strided_slice %mul3A_1675 {offsets = [1], sizes = [1], strides = [1]} : vector<16xi32> to vector<1xi32>
      %squeeze3A_1919 = vector.extract %slice3A_1918[0] : i32 from vector<1xi32>
      %add3A_1920 = arith.constant 16 : i32
      %add3A_1921 = arith.addi %squeeze3A_1919, %add3A_1920 : i32
      %get3A_1922 = arith.constant 1 : i32
      %get3A_1923 = arith.index_cast %scan3A_1666 : i32 to index
      %get3A_1924 = arith.index_cast %get3A_1922 : i32 to index
      %get3A_1925 = arith.index_cast %add3A_1921 : i32 to index
      %get3A_1926 = tpu.vector_load %arg7[%get3A_1923, %get3A_1924, %get3A_1925] {strides = array<i32>} : memref<32x20x128xf32, #tpu.memory_space<vmem>>, vector<1x1x16xf32>,
      %get3A_1927 = vector.shape_cast %get3A_1926 : vector<1x1x16xf32> to vector<16xf32>
      %add3A_1928 = arith.addf %get3A_1917, %get3A_1927 : vector<16xf32>
      %slice3A_1929 = vector.extract_strided_slice %mul3A_1675 {offsets = [2], sizes = [1], strides = [1]} : vector<16xi32> to vector<1xi32>
      %squeeze3A_1930 = vector.extract %slice3A_1929[0] : i32 from vector<1xi32>
      %add3A_1931 = arith.constant 16 : i32
      %add3A_1932 = arith.addi %squeeze3A_1930, %add3A_1931 : i32
      %get3A_1933 = arith.constant 2 : i32
      %get3A_1934 = arith.index_cast %scan3A_1666 : i32 to index
      %get3A_1935 = arith.index_cast %get3A_1933 : i32 to index
      %get3A_1936 = arith.index_cast %add3A_1932 : i32 to index
      %get3A_1937 = tpu.vector_load %arg7[%get3A_1934, %get3A_1935, %get3A_1936] {strides = array<i32>} : memref<32x20x128xf32, #tpu.memory_space<vmem>>, vector<1x1x16xf32>,
      %get3A_1938 = vector.shape_cast %get3A_1937 : vector<1x1x16xf32> to vector<16xf32>
      %add3A_1939 = arith.addf %add3A_1928, %get3A_1938 : vector<16xf32>
      %slice3A_1940 = vector.extract_strided_slice %mul3A_1675 {offsets = [3], sizes = [1], strides = [1]} : vector<16xi32> to vector<1xi32>
      %squeeze3A_1941 = vector.extract %slice3A_1940[0] : i32 from vector<1xi32>
      %add3A_1942 = arith.constant 16 : i32
      %add3A_1943 = arith.addi %squeeze3A_1941, %add3A_1942 : i32
      %get3A_1944 = arith.constant 3 : i32
      %get3A_1945 = arith.index_cast %scan3A_1666 : i32 to index
      %get3A_1946 = arith.index_cast %get3A_1944 : i32 to index
      %get3A_1947 = arith.index_cast %add3A_1943 : i32 to index
      %get3A_1948 = tpu.vector_load %arg7[%get3A_1945, %get3A_1946, %get3A_1947] {strides = array<i32>} : memref<32x20x128xf32, #tpu.memory_space<vmem>>, vector<1x1x16xf32>,
      %get3A_1949 = vector.shape_cast %get3A_1948 : vector<1x1x16xf32> to vector<16xf32>
      %add3A_1950 = arith.addf %add3A_1939, %get3A_1949 : vector<16xf32>
      %slice3A_1951 = vector.extract_strided_slice %mul3A_1675 {offsets = [4], sizes = [1], strides = [1]} : vector<16xi32> to vector<1xi32>
      %squeeze3A_1952 = vector.extract %slice3A_1951[0] : i32 from vector<1xi32>
      %add3A_1953 = arith.constant 16 : i32
      %add3A_1954 = arith.addi %squeeze3A_1952, %add3A_1953 : i32
      %get3A_1955 = arith.constant 4 : i32
      %get3A_1956 = arith.index_cast %scan3A_1666 : i32 to index
      %get3A_1957 = arith.index_cast %get3A_1955 : i32 to index
      %get3A_1958 = arith.index_cast %add3A_1954 : i32 to index
      %get3A_1959 = tpu.vector_load %arg7[%get3A_1956, %get3A_1957, %get3A_1958] {strides = array<i32>} : memref<32x20x128xf32, #tpu.memory_space<vmem>>, vector<1x1x16xf32>,
      %get3A_1960 = vector.shape_cast %get3A_1959 : vector<1x1x16xf32> to vector<16xf32>
      %add3A_1961 = arith.addf %add3A_1950, %get3A_1960 : vector<16xf32>
      %slice3A_1962 = vector.extract_strided_slice %mul3A_1675 {offsets = [5], sizes = [1], strides = [1]} : vector<16xi32> to vector<1xi32>
      %squeeze3A_1963 = vector.extract %slice3A_1962[0] : i32 from vector<1xi32>
      %add3A_1964 = arith.constant 16 : i32
      %add3A_1965 = arith.addi %squeeze3A_1963, %add3A_1964 : i32
      %get3A_1966 = arith.constant 5 : i32
      %get3A_1967 = arith.index_cast %scan3A_1666 : i32 to index
      %get3A_1968 = arith.index_cast %get3A_1966 : i32 to index
      %get3A_1969 = arith.index_cast %add3A_1965 : i32 to index
      %get3A_1970 = tpu.vector_load %arg7[%get3A_1967, %get3A_1968, %get3A_1969] {strides = array<i32>} : memref<32x20x128xf32, #tpu.memory_space<vmem>>, vector<1x1x16xf32>,
      %get3A_1971 = vector.shape_cast %get3A_1970 : vector<1x1x16xf32> to vector<16xf32>
      %add3A_1972 = arith.addf %add3A_1961, %get3A_1971 : vector<16xf32>
      %slice3A_1973 = vector.extract_strided_slice %mul3A_1675 {offsets = [6], sizes = [1], strides = [1]} : vector<16xi32> to vector<1xi32>
      %squeeze3A_1974 = vector.extract %slice3A_1973[0] : i32 from vector<1xi32>
      %add3A_1975 = arith.constant 16 : i32
      %add3A_1976 = arith.addi %squeeze3A_1974, %add3A_1975 : i32
      %get3A_1977 = arith.constant 6 : i32
      %get3A_1978 = arith.index_cast %scan3A_1666 : i32 to index
      %get3A_1979 = arith.index_cast %get3A_1977 : i32 to index
      %get3A_1980 = arith.index_cast %add3A_1976 : i32 to index
      %get3A_1981 = tpu.vector_load %arg7[%get3A_1978, %get3A_1979, %get3A_1980] {strides = array<i32>} : memref<32x20x128xf32, #tpu.memory_space<vmem>>, vector<1x1x16xf32>,
      %get3A_1982 = vector.shape_cast %get3A_1981 : vector<1x1x16xf32> to vector<16xf32>
      %add3A_1983 = arith.addf %add3A_1972, %get3A_1982 : vector<16xf32>
      %slice3A_1984 = vector.extract_strided_slice %mul3A_1675 {offsets = [7], sizes = [1], strides = [1]} : vector<16xi32> to vector<1xi32>
      %squeeze3A_1985 = vector.extract %slice3A_1984[0] : i32 from vector<1xi32>
      %add3A_1986 = arith.constant 16 : i32
      %add3A_1987 = arith.addi %squeeze3A_1985, %add3A_1986 : i32
      %get3A_1988 = arith.constant 7 : i32
      %get3A_1989 = arith.index_cast %scan3A_1666 : i32 to index
      %get3A_1990 = arith.index_cast %get3A_1988 : i32 to index
      %get3A_1991 = arith.index_cast %add3A_1987 : i32 to index
      %get3A_1992 = tpu.vector_load %arg7[%get3A_1989, %get3A_1990, %get3A_1991] {strides = array<i32>} : memref<32x20x128xf32, #tpu.memory_space<vmem>>, vector<1x1x16xf32>,
      %get3A_1993 = vector.shape_cast %get3A_1992 : vector<1x1x16xf32> to vector<16xf32>
      %add3A_1994 = arith.addf %add3A_1983, %get3A_1993 : vector<16xf32>
      %slice3A_1995 = vector.extract_strided_slice %mul3A_1675 {offsets = [8], sizes = [1], strides = [1]} : vector<16xi32> to vector<1xi32>
      %squeeze3A_1996 = vector.extract %slice3A_1995[0] : i32 from vector<1xi32>
      %add3A_1997 = arith.constant 16 : i32
      %add3A_1998 = arith.addi %squeeze3A_1996, %add3A_1997 : i32
      %get3A_1999 = arith.constant 8 : i32
      %get3A_2000 = arith.index_cast %scan3A_1666 : i32 to index
      %get3A_2001 = arith.index_cast %get3A_1999 : i32 to index
      %get3A_2002 = arith.index_cast %add3A_1998 : i32 to index
      %get3A_2003 = tpu.vector_load %arg7[%get3A_2000, %get3A_2001, %get3A_2002] {strides = array<i32>} : memref<32x20x128xf32, #tpu.memory_space<vmem>>, vector<1x1x16xf32>,
      %get3A_2004 = vector.shape_cast %get3A_2003 : vector<1x1x16xf32> to vector<16xf32>
      %add3A_2005 = arith.addf %add3A_1994, %get3A_2004 : vector<16xf32>
      %slice3A_2006 = vector.extract_strided_slice %mul3A_1675 {offsets = [9], sizes = [1], strides = [1]} : vector<16xi32> to vector<1xi32>
      %squeeze3A_2007 = vector.extract %slice3A_2006[0] : i32 from vector<1xi32>
      %add3A_2008 = arith.constant 16 : i32
      %add3A_2009 = arith.addi %squeeze3A_2007, %add3A_2008 : i32
      %get3A_2010 = arith.constant 9 : i32
      %get3A_2011 = arith.index_cast %scan3A_1666 : i32 to index
      %get3A_2012 = arith.index_cast %get3A_2010 : i32 to index
      %get3A_2013 = arith.index_cast %add3A_2009 : i32 to index
      %get3A_2014 = tpu.vector_load %arg7[%get3A_2011, %get3A_2012, %get3A_2013] {strides = array<i32>} : memref<32x20x128xf32, #tpu.memory_space<vmem>>, vector<1x1x16xf32>,
      %get3A_2015 = vector.shape_cast %get3A_2014 : vector<1x1x16xf32> to vector<16xf32>
      %add3A_2016 = arith.addf %add3A_2005, %get3A_2015 : vector<16xf32>
      %slice3A_2017 = vector.extract_strided_slice %mul3A_1675 {offsets = [10], sizes = [1], strides = [1]} : vector<16xi32> to vector<1xi32>
      %squeeze3A_2018 = vector.extract %slice3A_2017[0] : i32 from vector<1xi32>
      %add3A_2019 = arith.constant 16 : i32
      %add3A_2020 = arith.addi %squeeze3A_2018, %add3A_2019 : i32
      %get3A_2021 = arith.constant 10 : i32
      %get3A_2022 = arith.index_cast %scan3A_1666 : i32 to index
      %get3A_2023 = arith.index_cast %get3A_2021 : i32 to index
      %get3A_2024 = arith.index_cast %add3A_2020 : i32 to index
      %get3A_2025 = tpu.vector_load %arg7[%get3A_2022, %get3A_2023, %get3A_2024] {strides = array<i32>} : memref<32x20x128xf32, #tpu.memory_space<vmem>>, vector<1x1x16xf32>,
      %get3A_2026 = vector.shape_cast %get3A_2025 : vector<1x1x16xf32> to vector<16xf32>
      %add3A_2027 = arith.addf %add3A_2016, %get3A_2026 : vector<16xf32>
      %slice3A_2028 = vector.extract_strided_slice %mul3A_1675 {offsets = [11], sizes = [1], strides = [1]} : vector<16xi32> to vector<1xi32>
      %squeeze3A_2029 = vector.extract %slice3A_2028[0] : i32 from vector<1xi32>
      %add3A_2030 = arith.constant 16 : i32
      %add3A_2031 = arith.addi %squeeze3A_2029, %add3A_2030 : i32
      %get3A_2032 = arith.constant 11 : i32
      %get3A_2033 = arith.index_cast %scan3A_1666 : i32 to index
      %get3A_2034 = arith.index_cast %get3A_2032 : i32 to index
      %get3A_2035 = arith.index_cast %add3A_2031 : i32 to index
      %get3A_2036 = tpu.vector_load %arg7[%get3A_2033, %get3A_2034, %get3A_2035] {strides = array<i32>} : memref<32x20x128xf32, #tpu.memory_space<vmem>>, vector<1x1x16xf32>,
      %get3A_2037 = vector.shape_cast %get3A_2036 : vector<1x1x16xf32> to vector<16xf32>
      %add3A_2038 = arith.addf %add3A_2027, %get3A_2037 : vector<16xf32>
      %slice3A_2039 = vector.extract_strided_slice %mul3A_1675 {offsets = [12], sizes = [1], strides = [1]} : vector<16xi32> to vector<1xi32>
      %squeeze3A_2040 = vector.extract %slice3A_2039[0] : i32 from vector<1xi32>
      %add3A_2041 = arith.constant 16 : i32
      %add3A_2042 = arith.addi %squeeze3A_2040, %add3A_2041 : i32
      %get3A_2043 = arith.constant 12 : i32
      %get3A_2044 = arith.index_cast %scan3A_1666 : i32 to index
      %get3A_2045 = arith.index_cast %get3A_2043 : i32 to index
      %get3A_2046 = arith.index_cast %add3A_2042 : i32 to index
      %get3A_2047 = tpu.vector_load %arg7[%get3A_2044, %get3A_2045, %get3A_2046] {strides = array<i32>} : memref<32x20x128xf32, #tpu.memory_space<vmem>>, vector<1x1x16xf32>,
      %get3A_2048 = vector.shape_cast %get3A_2047 : vector<1x1x16xf32> to vector<16xf32>
      %add3A_2049 = arith.addf %add3A_2038, %get3A_2048 : vector<16xf32>
      %slice3A_2050 = vector.extract_strided_slice %mul3A_1675 {offsets = [13], sizes = [1], strides = [1]} : vector<16xi32> to vector<1xi32>
      %squeeze3A_2051 = vector.extract %slice3A_2050[0] : i32 from vector<1xi32>
      %add3A_2052 = arith.constant 16 : i32
      %add3A_2053 = arith.addi %squeeze3A_2051, %add3A_2052 : i32
      %get3A_2054 = arith.constant 13 : i32
      %get3A_2055 = arith.index_cast %scan3A_1666 : i32 to index
      %get3A_2056 = arith.index_cast %get3A_2054 : i32 to index
      %get3A_2057 = arith.index_cast %add3A_2053 : i32 to index
      %get3A_2058 = tpu.vector_load %arg7[%get3A_2055, %get3A_2056, %get3A_2057] {strides = array<i32>} : memref<32x20x128xf32, #tpu.memory_space<vmem>>, vector<1x1x16xf32>,
      %get3A_2059 = vector.shape_cast %get3A_2058 : vector<1x1x16xf32> to vector<16xf32>
      %add3A_2060 = arith.addf %add3A_2049, %get3A_2059 : vector<16xf32>
      %slice3A_2061 = vector.extract_strided_slice %mul3A_1675 {offsets = [14], sizes = [1], strides = [1]} : vector<16xi32> to vector<1xi32>
      %squeeze3A_2062 = vector.extract %slice3A_2061[0] : i32 from vector<1xi32>
      %add3A_2063 = arith.constant 16 : i32
      %add3A_2064 = arith.addi %squeeze3A_2062, %add3A_2063 : i32
      %get3A_2065 = arith.constant 14 : i32
      %get3A_2066 = arith.index_cast %scan3A_1666 : i32 to index
      %get3A_2067 = arith.index_cast %get3A_2065 : i32 to index
      %get3A_2068 = arith.index_cast %add3A_2064 : i32 to index
      %get3A_2069 = tpu.vector_load %arg7[%get3A_2066, %get3A_2067, %get3A_2068] {strides = array<i32>} : memref<32x20x128xf32, #tpu.memory_space<vmem>>, vector<1x1x16xf32>,
      %get3A_2070 = vector.shape_cast %get3A_2069 : vector<1x1x16xf32> to vector<16xf32>
      %add3A_2071 = arith.addf %add3A_2060, %get3A_2070 : vector<16xf32>
      %slice3A_2072 = vector.extract_strided_slice %mul3A_1675 {offsets = [15], sizes = [1], strides = [1]} : vector<16xi32> to vector<1xi32>
      %squeeze3A_2073 = vector.extract %slice3A_2072[0] : i32 from vector<1xi32>
      %add3A_2074 = arith.constant 16 : i32
      %add3A_2075 = arith.addi %squeeze3A_2073, %add3A_2074 : i32
      %get3A_2076 = arith.constant 15 : i32
      %get3A_2077 = arith.index_cast %scan3A_1666 : i32 to index
      %get3A_2078 = arith.index_cast %get3A_2076 : i32 to index
      %get3A_2079 = arith.index_cast %add3A_2075 : i32 to index
      %get3A_2080 = tpu.vector_load %arg7[%get3A_2077, %get3A_2078, %get3A_2079] {strides = array<i32>} : memref<32x20x128xf32, #tpu.memory_space<vmem>>, vector<1x1x16xf32>,
      %get3A_2081 = vector.shape_cast %get3A_2080 : vector<1x1x16xf32> to vector<16xf32>
      %add3A_2082 = arith.addf %add3A_2071, %get3A_2081 : vector<16xf32>
      %slice3A_2083 = vector.extract_strided_slice %mul3A_1685 {offsets = [12], sizes = [1], strides = [1]} : vector<16xi32> to vector<1xi32>
      %squeeze3A_2084 = vector.extract %slice3A_2083[0] : i32 from vector<1xi32>
      %add3A_2085 = arith.constant 16 : i32
      %add3A_2086 = arith.addi %squeeze3A_2084, %add3A_2085 : i32
      %get3A_2087 = arith.constant 16 : i32
      %get3A_2088 = arith.index_cast %scan3A_1666 : i32 to index
      %get3A_2089 = arith.index_cast %get3A_2087 : i32 to index
      %get3A_2090 = arith.index_cast %add3A_2086 : i32 to index
      %get3A_2091 = tpu.vector_load %arg7[%get3A_2088, %get3A_2089, %get3A_2090] {strides = array<i32>} : memref<32x20x128xf32, #tpu.memory_space<vmem>>, vector<1x1x16xf32>,
      %get3A_2092 = vector.shape_cast %get3A_2091 : vector<1x1x16xf32> to vector<16xf32>
      %add3A_2093 = arith.addf %add3A_2082, %get3A_2092 : vector<16xf32>
      %slice3A_2094 = vector.extract_strided_slice %mul3A_1685 {offsets = [13], sizes = [1], strides = [1]} : vector<16xi32> to vector<1xi32>
      %squeeze3A_2095 = vector.extract %slice3A_2094[0] : i32 from vector<1xi32>
      %add3A_2096 = arith.constant 16 : i32
      %add3A_2097 = arith.addi %squeeze3A_2095, %add3A_2096 : i32
      %get3A_2098 = arith.constant 17 : i32
      %get3A_2099 = arith.index_cast %scan3A_1666 : i32 to index
      %get3A_2100 = arith.index_cast %get3A_2098 : i32 to index
      %get3A_2101 = arith.index_cast %add3A_2097 : i32 to index
      %get3A_2102 = tpu.vector_load %arg7[%get3A_2099, %get3A_2100, %get3A_2101] {strides = array<i32>} : memref<32x20x128xf32, #tpu.memory_space<vmem>>, vector<1x1x16xf32>,
      %get3A_2103 = vector.shape_cast %get3A_2102 : vector<1x1x16xf32> to vector<16xf32>
      %add3A_2104 = arith.addf %add3A_2093, %get3A_2103 : vector<16xf32>
      %slice3A_2105 = vector.extract_strided_slice %mul3A_1685 {offsets = [14], sizes = [1], strides = [1]} : vector<16xi32> to vector<1xi32>
      %squeeze3A_2106 = vector.extract %slice3A_2105[0] : i32 from vector<1xi32>
      %add3A_2107 = arith.constant 16 : i32
      %add3A_2108 = arith.addi %squeeze3A_2106, %add3A_2107 : i32
      %get3A_2109 = arith.constant 18 : i32
      %get3A_2110 = arith.index_cast %scan3A_1666 : i32 to index
      %get3A_2111 = arith.index_cast %get3A_2109 : i32 to index
      %get3A_2112 = arith.index_cast %add3A_2108 : i32 to index
      %get3A_2113 = tpu.vector_load %arg7[%get3A_2110, %get3A_2111, %get3A_2112] {strides = array<i32>} : memref<32x20x128xf32, #tpu.memory_space<vmem>>, vector<1x1x16xf32>,
      %get3A_2114 = vector.shape_cast %get3A_2113 : vector<1x1x16xf32> to vector<16xf32>
      %add3A_2115 = arith.addf %add3A_2104, %get3A_2114 : vector<16xf32>
      %slice3A_2116 = vector.extract_strided_slice %mul3A_1685 {offsets = [15], sizes = [1], strides = [1]} : vector<16xi32> to vector<1xi32>
      %squeeze3A_2117 = vector.extract %slice3A_2116[0] : i32 from vector<1xi32>
      %add3A_2118 = arith.constant 16 : i32
      %add3A_2119 = arith.addi %squeeze3A_2117, %add3A_2118 : i32
      %get3A_2120 = arith.constant 19 : i32
      %get3A_2121 = arith.index_cast %scan3A_1666 : i32 to index
      %get3A_2122 = arith.index_cast %get3A_2120 : i32 to index
      %get3A_2123 = arith.index_cast %add3A_2119 : i32 to index
      %get3A_2124 = tpu.vector_load %arg7[%get3A_2121, %get3A_2122, %get3A_2123] {strides = array<i32>} : memref<32x20x128xf32, #tpu.memory_space<vmem>>, vector<1x1x16xf32>,
      %get3A_2125 = vector.shape_cast %get3A_2124 : vector<1x1x16xf32> to vector<16xf32>
      %add3A_2126 = arith.addf %add3A_2115, %get3A_2125 : vector<16xf32>
      %swap3A_2127 = arith.index_cast %scan3A_1666 : i32 to index
      %swap3A_2128 = arith.constant 16 : index
      %swap3A_2129 = tpu.vector_load %arg8[%swap3A_2127, %swap3A_2128] {strides = array<i32>} : memref<32x64xf32, #tpu.memory_space<vmem>>, vector<1x16xf32>,
      %swap3A_2130 = vector.shape_cast %swap3A_2129 : vector<1x16xf32> to vector<16xf32>
      %swap3A_2131 = vector.shape_cast %add3A_2126 : vector<16xf32> to vector<1x16xf32>
      tpu.vector_store %arg8[%swap3A_2127, %swap3A_2128], %swap3A_2131 {strides = array<i32>} : memref<32x64xf32, #tpu.memory_space<vmem>>, vector<1x16xf32>,
      %slice3A_2132 = vector.extract_strided_slice %mul3A_1675 {offsets = [0], sizes = [1], strides = [1]} : vector<16xi32> to vector<1xi32>
      %squeeze3A_2133 = vector.extract %slice3A_2132[0] : i32 from vector<1xi32>
      %add3A_2134 = arith.constant 32 : i32
      %add3A_2135 = arith.addi %squeeze3A_2133, %add3A_2134 : i32
      %get3A_2136 = arith.constant 0 : i32
      %get3A_2137 = arith.index_cast %scan3A_1666 : i32 to index
      %get3A_2138 = arith.index_cast %get3A_2136 : i32 to index
      %get3A_2139 = arith.index_cast %add3A_2135 : i32 to index
      %get3A_2140 = tpu.vector_load %arg7[%get3A_2137, %get3A_2138, %get3A_2139] {strides = array<i32>} : memref<32x20x128xf32, #tpu.memory_space<vmem>>, vector<1x1x16xf32>,
      %get3A_2141 = vector.shape_cast %get3A_2140 : vector<1x1x16xf32> to vector<16xf32>
      %slice3A_2142 = vector.extract_strided_slice %mul3A_1675 {offsets = [1], sizes = [1], strides = [1]} : vector<16xi32> to vector<1xi32>
      %squeeze3A_2143 = vector.extract %slice3A_2142[0] : i32 from vector<1xi32>
      %add3A_2144 = arith.constant 32 : i32
      %add3A_2145 = arith.addi %squeeze3A_2143, %add3A_2144 : i32
      %get3A_2146 = arith.constant 1 : i32
      %get3A_2147 = arith.index_cast %scan3A_1666 : i32 to index
      %get3A_2148 = arith.index_cast %get3A_2146 : i32 to index
      %get3A_2149 = arith.index_cast %add3A_2145 : i32 to index
      %get3A_2150 = tpu.vector_load %arg7[%get3A_2147, %get3A_2148, %get3A_2149] {strides = array<i32>} : memref<32x20x128xf32, #tpu.memory_space<vmem>>, vector<1x1x16xf32>,
      %get3A_2151 = vector.shape_cast %get3A_2150 : vector<1x1x16xf32> to vector<16xf32>
      %add3A_2152 = arith.addf %get3A_2141, %get3A_2151 : vector<16xf32>
      %slice3A_2153 = vector.extract_strided_slice %mul3A_1675 {offsets = [2], sizes = [1], strides = [1]} : vector<16xi32> to vector<1xi32>
      %squeeze3A_2154 = vector.extract %slice3A_2153[0] : i32 from vector<1xi32>
      %add3A_2155 = arith.constant 32 : i32
      %add3A_2156 = arith.addi %squeeze3A_2154, %add3A_2155 : i32
      %get3A_2157 = arith.constant 2 : i32
      %get3A_2158 = arith.index_cast %scan3A_1666 : i32 to index
      %get3A_2159 = arith.index_cast %get3A_2157 : i32 to index
      %get3A_2160 = arith.index_cast %add3A_2156 : i32 to index
      %get3A_2161 = tpu.vector_load %arg7[%get3A_2158, %get3A_2159, %get3A_2160] {strides = array<i32>} : memref<32x20x128xf32, #tpu.memory_space<vmem>>, vector<1x1x16xf32>,
      %get3A_2162 = vector.shape_cast %get3A_2161 : vector<1x1x16xf32> to vector<16xf32>
      %add3A_2163 = arith.addf %add3A_2152, %get3A_2162 : vector<16xf32>
      %slice3A_2164 = vector.extract_strided_slice %mul3A_1675 {offsets = [3], sizes = [1], strides = [1]} : vector<16xi32> to vector<1xi32>
      %squeeze3A_2165 = vector.extract %slice3A_2164[0] : i32 from vector<1xi32>
      %add3A_2166 = arith.constant 32 : i32
      %add3A_2167 = arith.addi %squeeze3A_2165, %add3A_2166 : i32
      %get3A_2168 = arith.constant 3 : i32
      %get3A_2169 = arith.index_cast %scan3A_1666 : i32 to index
      %get3A_2170 = arith.index_cast %get3A_2168 : i32 to index
      %get3A_2171 = arith.index_cast %add3A_2167 : i32 to index
      %get3A_2172 = tpu.vector_load %arg7[%get3A_2169, %get3A_2170, %get3A_2171] {strides = array<i32>} : memref<32x20x128xf32, #tpu.memory_space<vmem>>, vector<1x1x16xf32>,
      %get3A_2173 = vector.shape_cast %get3A_2172 : vector<1x1x16xf32> to vector<16xf32>
      %add3A_2174 = arith.addf %add3A_2163, %get3A_2173 : vector<16xf32>
      %slice3A_2175 = vector.extract_strided_slice %mul3A_1675 {offsets = [4], sizes = [1], strides = [1]} : vector<16xi32> to vector<1xi32>
      %squeeze3A_2176 = vector.extract %slice3A_2175[0] : i32 from vector<1xi32>
      %add3A_2177 = arith.constant 32 : i32
      %add3A_2178 = arith.addi %squeeze3A_2176, %add3A_2177 : i32
      %get3A_2179 = arith.constant 4 : i32
      %get3A_2180 = arith.index_cast %scan3A_1666 : i32 to index
      %get3A_2181 = arith.index_cast %get3A_2179 : i32 to index
      %get3A_2182 = arith.index_cast %add3A_2178 : i32 to index
      %get3A_2183 = tpu.vector_load %arg7[%get3A_2180, %get3A_2181, %get3A_2182] {strides = array<i32>} : memref<32x20x128xf32, #tpu.memory_space<vmem>>, vector<1x1x16xf32>,
      %get3A_2184 = vector.shape_cast %get3A_2183 : vector<1x1x16xf32> to vector<16xf32>
      %add3A_2185 = arith.addf %add3A_2174, %get3A_2184 : vector<16xf32>
      %slice3A_2186 = vector.extract_strided_slice %mul3A_1675 {offsets = [5], sizes = [1], strides = [1]} : vector<16xi32> to vector<1xi32>
      %squeeze3A_2187 = vector.extract %slice3A_2186[0] : i32 from vector<1xi32>
      %add3A_2188 = arith.constant 32 : i32
      %add3A_2189 = arith.addi %squeeze3A_2187, %add3A_2188 : i32
      %get3A_2190 = arith.constant 5 : i32
      %get3A_2191 = arith.index_cast %scan3A_1666 : i32 to index
      %get3A_2192 = arith.index_cast %get3A_2190 : i32 to index
      %get3A_2193 = arith.index_cast %add3A_2189 : i32 to index
      %get3A_2194 = tpu.vector_load %arg7[%get3A_2191, %get3A_2192, %get3A_2193] {strides = array<i32>} : memref<32x20x128xf32, #tpu.memory_space<vmem>>, vector<1x1x16xf32>,
      %get3A_2195 = vector.shape_cast %get3A_2194 : vector<1x1x16xf32> to vector<16xf32>
      %add3A_2196 = arith.addf %add3A_2185, %get3A_2195 : vector<16xf32>
      %slice3A_2197 = vector.extract_strided_slice %mul3A_1675 {offsets = [6], sizes = [1], strides = [1]} : vector<16xi32> to vector<1xi32>
      %squeeze3A_2198 = vector.extract %slice3A_2197[0] : i32 from vector<1xi32>
      %add3A_2199 = arith.constant 32 : i32
      %add3A_2200 = arith.addi %squeeze3A_2198, %add3A_2199 : i32
      %get3A_2201 = arith.constant 6 : i32
      %get3A_2202 = arith.index_cast %scan3A_1666 : i32 to index
      %get3A_2203 = arith.index_cast %get3A_2201 : i32 to index
      %get3A_2204 = arith.index_cast %add3A_2200 : i32 to index
      %get3A_2205 = tpu.vector_load %arg7[%get3A_2202, %get3A_2203, %get3A_2204] {strides = array<i32>} : memref<32x20x128xf32, #tpu.memory_space<vmem>>, vector<1x1x16xf32>,
      %get3A_2206 = vector.shape_cast %get3A_2205 : vector<1x1x16xf32> to vector<16xf32>
      %add3A_2207 = arith.addf %add3A_2196, %get3A_2206 : vector<16xf32>
      %slice3A_2208 = vector.extract_strided_slice %mul3A_1675 {offsets = [7], sizes = [1], strides = [1]} : vector<16xi32> to vector<1xi32>
      %squeeze3A_2209 = vector.extract %slice3A_2208[0] : i32 from vector<1xi32>
      %add3A_2210 = arith.constant 32 : i32
      %add3A_2211 = arith.addi %squeeze3A_2209, %add3A_2210 : i32
      %get3A_2212 = arith.constant 7 : i32
      %get3A_2213 = arith.index_cast %scan3A_1666 : i32 to index
      %get3A_2214 = arith.index_cast %get3A_2212 : i32 to index
      %get3A_2215 = arith.index_cast %add3A_2211 : i32 to index
      %get3A_2216 = tpu.vector_load %arg7[%get3A_2213, %get3A_2214, %get3A_2215] {strides = array<i32>} : memref<32x20x128xf32, #tpu.memory_space<vmem>>, vector<1x1x16xf32>,
      %get3A_2217 = vector.shape_cast %get3A_2216 : vector<1x1x16xf32> to vector<16xf32>
      %add3A_2218 = arith.addf %add3A_2207, %get3A_2217 : vector<16xf32>
      %slice3A_2219 = vector.extract_strided_slice %mul3A_1675 {offsets = [8], sizes = [1], strides = [1]} : vector<16xi32> to vector<1xi32>
      %squeeze3A_2220 = vector.extract %slice3A_2219[0] : i32 from vector<1xi32>
      %add3A_2221 = arith.constant 32 : i32
      %add3A_2222 = arith.addi %squeeze3A_2220, %add3A_2221 : i32
      %get3A_2223 = arith.constant 8 : i32
      %get3A_2224 = arith.index_cast %scan3A_1666 : i32 to index
      %get3A_2225 = arith.index_cast %get3A_2223 : i32 to index
      %get3A_2226 = arith.index_cast %add3A_2222 : i32 to index
      %get3A_2227 = tpu.vector_load %arg7[%get3A_2224, %get3A_2225, %get3A_2226] {strides = array<i32>} : memref<32x20x128xf32, #tpu.memory_space<vmem>>, vector<1x1x16xf32>,
      %get3A_2228 = vector.shape_cast %get3A_2227 : vector<1x1x16xf32> to vector<16xf32>
      %add3A_2229 = arith.addf %add3A_2218, %get3A_2228 : vector<16xf32>
      %slice3A_2230 = vector.extract_strided_slice %mul3A_1675 {offsets = [9], sizes = [1], strides = [1]} : vector<16xi32> to vector<1xi32>
      %squeeze3A_2231 = vector.extract %slice3A_2230[0] : i32 from vector<1xi32>
      %add3A_2232 = arith.constant 32 : i32
      %add3A_2233 = arith.addi %squeeze3A_2231, %add3A_2232 : i32
      %get3A_2234 = arith.constant 9 : i32
      %get3A_2235 = arith.index_cast %scan3A_1666 : i32 to index
      %get3A_2236 = arith.index_cast %get3A_2234 : i32 to index
      %get3A_2237 = arith.index_cast %add3A_2233 : i32 to index
      %get3A_2238 = tpu.vector_load %arg7[%get3A_2235, %get3A_2236, %get3A_2237] {strides = array<i32>} : memref<32x20x128xf32, #tpu.memory_space<vmem>>, vector<1x1x16xf32>,
      %get3A_2239 = vector.shape_cast %get3A_2238 : vector<1x1x16xf32> to vector<16xf32>
      %add3A_2240 = arith.addf %add3A_2229, %get3A_2239 : vector<16xf32>
      %slice3A_2241 = vector.extract_strided_slice %mul3A_1675 {offsets = [10], sizes = [1], strides = [1]} : vector<16xi32> to vector<1xi32>
      %squeeze3A_2242 = vector.extract %slice3A_2241[0] : i32 from vector<1xi32>
      %add3A_2243 = arith.constant 32 : i32
      %add3A_2244 = arith.addi %squeeze3A_2242, %add3A_2243 : i32
      %get3A_2245 = arith.constant 10 : i32
      %get3A_2246 = arith.index_cast %scan3A_1666 : i32 to index
      %get3A_2247 = arith.index_cast %get3A_2245 : i32 to index
      %get3A_2248 = arith.index_cast %add3A_2244 : i32 to index
      %get3A_2249 = tpu.vector_load %arg7[%get3A_2246, %get3A_2247, %get3A_2248] {strides = array<i32>} : memref<32x20x128xf32, #tpu.memory_space<vmem>>, vector<1x1x16xf32>,
      %get3A_2250 = vector.shape_cast %get3A_2249 : vector<1x1x16xf32> to vector<16xf32>
      %add3A_2251 = arith.addf %add3A_2240, %get3A_2250 : vector<16xf32>
      %slice3A_2252 = vector.extract_strided_slice %mul3A_1675 {offsets = [11], sizes = [1], strides = [1]} : vector<16xi32> to vector<1xi32>
      %squeeze3A_2253 = vector.extract %slice3A_2252[0] : i32 from vector<1xi32>
      %add3A_2254 = arith.constant 32 : i32
      %add3A_2255 = arith.addi %squeeze3A_2253, %add3A_2254 : i32
      %get3A_2256 = arith.constant 11 : i32
      %get3A_2257 = arith.index_cast %scan3A_1666 : i32 to index
      %get3A_2258 = arith.index_cast %get3A_2256 : i32 to index
      %get3A_2259 = arith.index_cast %add3A_2255 : i32 to index
      %get3A_2260 = tpu.vector_load %arg7[%get3A_2257, %get3A_2258, %get3A_2259] {strides = array<i32>} : memref<32x20x128xf32, #tpu.memory_space<vmem>>, vector<1x1x16xf32>,
      %get3A_2261 = vector.shape_cast %get3A_2260 : vector<1x1x16xf32> to vector<16xf32>
      %add3A_2262 = arith.addf %add3A_2251, %get3A_2261 : vector<16xf32>
      %slice3A_2263 = vector.extract_strided_slice %mul3A_1675 {offsets = [12], sizes = [1], strides = [1]} : vector<16xi32> to vector<1xi32>
      %squeeze3A_2264 = vector.extract %slice3A_2263[0] : i32 from vector<1xi32>
      %add3A_2265 = arith.constant 32 : i32
      %add3A_2266 = arith.addi %squeeze3A_2264, %add3A_2265 : i32
      %get3A_2267 = arith.constant 12 : i32
      %get3A_2268 = arith.index_cast %scan3A_1666 : i32 to index
      %get3A_2269 = arith.index_cast %get3A_2267 : i32 to index
      %get3A_2270 = arith.index_cast %add3A_2266 : i32 to index
      %get3A_2271 = tpu.vector_load %arg7[%get3A_2268, %get3A_2269, %get3A_2270] {strides = array<i32>} : memref<32x20x128xf32, #tpu.memory_space<vmem>>, vector<1x1x16xf32>,
      %get3A_2272 = vector.shape_cast %get3A_2271 : vector<1x1x16xf32> to vector<16xf32>
      %add3A_2273 = arith.addf %add3A_2262, %get3A_2272 : vector<16xf32>
      %slice3A_2274 = vector.extract_strided_slice %mul3A_1675 {offsets = [13], sizes = [1], strides = [1]} : vector<16xi32> to vector<1xi32>
      %squeeze3A_2275 = vector.extract %slice3A_2274[0] : i32 from vector<1xi32>
      %add3A_2276 = arith.constant 32 : i32
      %add3A_2277 = arith.addi %squeeze3A_2275, %add3A_2276 : i32
      %get3A_2278 = arith.constant 13 : i32
      %get3A_2279 = arith.index_cast %scan3A_1666 : i32 to index
      %get3A_2280 = arith.index_cast %get3A_2278 : i32 to index
      %get3A_2281 = arith.index_cast %add3A_2277 : i32 to index
      %get3A_2282 = tpu.vector_load %arg7[%get3A_2279, %get3A_2280, %get3A_2281] {strides = array<i32>} : memref<32x20x128xf32, #tpu.memory_space<vmem>>, vector<1x1x16xf32>,
      %get3A_2283 = vector.shape_cast %get3A_2282 : vector<1x1x16xf32> to vector<16xf32>
      %add3A_2284 = arith.addf %add3A_2273, %get3A_2283 : vector<16xf32>
      %slice3A_2285 = vector.extract_strided_slice %mul3A_1675 {offsets = [14], sizes = [1], strides = [1]} : vector<16xi32> to vector<1xi32>
      %squeeze3A_2286 = vector.extract %slice3A_2285[0] : i32 from vector<1xi32>
      %add3A_2287 = arith.constant 32 : i32
      %add3A_2288 = arith.addi %squeeze3A_2286, %add3A_2287 : i32
      %get3A_2289 = arith.constant 14 : i32
      %get3A_2290 = arith.index_cast %scan3A_1666 : i32 to index
      %get3A_2291 = arith.index_cast %get3A_2289 : i32 to index
      %get3A_2292 = arith.index_cast %add3A_2288 : i32 to index
      %get3A_2293 = tpu.vector_load %arg7[%get3A_2290, %get3A_2291, %get3A_2292] {strides = array<i32>} : memref<32x20x128xf32, #tpu.memory_space<vmem>>, vector<1x1x16xf32>,
      %get3A_2294 = vector.shape_cast %get3A_2293 : vector<1x1x16xf32> to vector<16xf32>
      %add3A_2295 = arith.addf %add3A_2284, %get3A_2294 : vector<16xf32>
      %slice3A_2296 = vector.extract_strided_slice %mul3A_1675 {offsets = [15], sizes = [1], strides = [1]} : vector<16xi32> to vector<1xi32>
      %squeeze3A_2297 = vector.extract %slice3A_2296[0] : i32 from vector<1xi32>
      %add3A_2298 = arith.constant 32 : i32
      %add3A_2299 = arith.addi %squeeze3A_2297, %add3A_2298 : i32
      %get3A_2300 = arith.constant 15 : i32
      %get3A_2301 = arith.index_cast %scan3A_1666 : i32 to index
      %get3A_2302 = arith.index_cast %get3A_2300 : i32 to index
      %get3A_2303 = arith.index_cast %add3A_2299 : i32 to index
      %get3A_2304 = tpu.vector_load %arg7[%get3A_2301, %get3A_2302, %get3A_2303] {strides = array<i32>} : memref<32x20x128xf32, #tpu.memory_space<vmem>>, vector<1x1x16xf32>,
      %get3A_2305 = vector.shape_cast %get3A_2304 : vector<1x1x16xf32> to vector<16xf32>
      %add3A_2306 = arith.addf %add3A_2295, %get3A_2305 : vector<16xf32>
      %slice3A_2307 = vector.extract_strided_slice %mul3A_1685 {offsets = [12], sizes = [1], strides = [1]} : vector<16xi32> to vector<1xi32>
      %squeeze3A_2308 = vector.extract %slice3A_2307[0] : i32 from vector<1xi32>
      %add3A_2309 = arith.constant 32 : i32
      %add3A_2310 = arith.addi %squeeze3A_2308, %add3A_2309 : i32
      %get3A_2311 = arith.constant 16 : i32
      %get3A_2312 = arith.index_cast %scan3A_1666 : i32 to index
      %get3A_2313 = arith.index_cast %get3A_2311 : i32 to index
      %get3A_2314 = arith.index_cast %add3A_2310 : i32 to index
      %get3A_2315 = tpu.vector_load %arg7[%get3A_2312, %get3A_2313, %get3A_2314] {strides = array<i32>} : memref<32x20x128xf32, #tpu.memory_space<vmem>>, vector<1x1x16xf32>,
      %get3A_2316 = vector.shape_cast %get3A_2315 : vector<1x1x16xf32> to vector<16xf32>
      %add3A_2317 = arith.addf %add3A_2306, %get3A_2316 : vector<16xf32>
      %slice3A_2318 = vector.extract_strided_slice %mul3A_1685 {offsets = [13], sizes = [1], strides = [1]} : vector<16xi32> to vector<1xi32>
      %squeeze3A_2319 = vector.extract %slice3A_2318[0] : i32 from vector<1xi32>
      %add3A_2320 = arith.constant 32 : i32
      %add3A_2321 = arith.addi %squeeze3A_2319, %add3A_2320 : i32
      %get3A_2322 = arith.constant 17 : i32
      %get3A_2323 = arith.index_cast %scan3A_1666 : i32 to index
      %get3A_2324 = arith.index_cast %get3A_2322 : i32 to index
      %get3A_2325 = arith.index_cast %add3A_2321 : i32 to index
      %get3A_2326 = tpu.vector_load %arg7[%get3A_2323, %get3A_2324, %get3A_2325] {strides = array<i32>} : memref<32x20x128xf32, #tpu.memory_space<vmem>>, vector<1x1x16xf32>,
      %get3A_2327 = vector.shape_cast %get3A_2326 : vector<1x1x16xf32> to vector<16xf32>
      %add3A_2328 = arith.addf %add3A_2317, %get3A_2327 : vector<16xf32>
      %slice3A_2329 = vector.extract_strided_slice %mul3A_1685 {offsets = [14], sizes = [1], strides = [1]} : vector<16xi32> to vector<1xi32>
      %squeeze3A_2330 = vector.extract %slice3A_2329[0] : i32 from vector<1xi32>
      %add3A_2331 = arith.constant 32 : i32
      %add3A_2332 = arith.addi %squeeze3A_2330, %add3A_2331 : i32
      %get3A_2333 = arith.constant 18 : i32
      %get3A_2334 = arith.index_cast %scan3A_1666 : i32 to index
      %get3A_2335 = arith.index_cast %get3A_2333 : i32 to index
      %get3A_2336 = arith.index_cast %add3A_2332 : i32 to index
      %get3A_2337 = tpu.vector_load %arg7[%get3A_2334, %get3A_2335, %get3A_2336] {strides = array<i32>} : memref<32x20x128xf32, #tpu.memory_space<vmem>>, vector<1x1x16xf32>,
      %get3A_2338 = vector.shape_cast %get3A_2337 : vector<1x1x16xf32> to vector<16xf32>
      %add3A_2339 = arith.addf %add3A_2328, %get3A_2338 : vector<16xf32>
      %slice3A_2340 = vector.extract_strided_slice %mul3A_1685 {offsets = [15], sizes = [1], strides = [1]} : vector<16xi32> to vector<1xi32>
      %squeeze3A_2341 = vector.extract %slice3A_2340[0] : i32 from vector<1xi32>
      %add3A_2342 = arith.constant 32 : i32
      %add3A_2343 = arith.addi %squeeze3A_2341, %add3A_2342 : i32
      %get3A_2344 = arith.constant 19 : i32
      %get3A_2345 = arith.index_cast %scan3A_1666 : i32 to index
      %get3A_2346 = arith.index_cast %get3A_2344 : i32 to index
      %get3A_2347 = arith.index_cast %add3A_2343 : i32 to index
      %get3A_2348 = tpu.vector_load %arg7[%get3A_2345, %get3A_2346, %get3A_2347] {strides = array<i32>} : memref<32x20x128xf32, #tpu.memory_space<vmem>>, vector<1x1x16xf32>,
      %get3A_2349 = vector.shape_cast %get3A_2348 : vector<1x1x16xf32> to vector<16xf32>
      %add3A_2350 = arith.addf %add3A_2339, %get3A_2349 : vector<16xf32>
      %swap3A_2351 = arith.index_cast %scan3A_1666 : i32 to index
      %swap3A_2352 = arith.constant 32 : index
      %swap3A_2353 = tpu.vector_load %arg8[%swap3A_2351, %swap3A_2352] {strides = array<i32>} : memref<32x64xf32, #tpu.memory_space<vmem>>, vector<1x16xf32>,
      %swap3A_2354 = vector.shape_cast %swap3A_2353 : vector<1x16xf32> to vector<16xf32>
      %swap3A_2355 = vector.shape_cast %add3A_2350 : vector<16xf32> to vector<1x16xf32>
      tpu.vector_store %arg8[%swap3A_2351, %swap3A_2352], %swap3A_2355 {strides = array<i32>} : memref<32x64xf32, #tpu.memory_space<vmem>>, vector<1x16xf32>,
      %slice3A_2356 = vector.extract_strided_slice %mul3A_1675 {offsets = [0], sizes = [1], strides = [1]} : vector<16xi32> to vector<1xi32>
      %squeeze3A_2357 = vector.extract %slice3A_2356[0] : i32 from vector<1xi32>
      %add3A_2358 = arith.constant 48 : i32
      %add3A_2359 = arith.addi %squeeze3A_2357, %add3A_2358 : i32
      %get3A_2360 = arith.constant 0 : i32
      %get3A_2361 = arith.index_cast %scan3A_1666 : i32 to index
      %get3A_2362 = arith.index_cast %get3A_2360 : i32 to index
      %get3A_2363 = arith.index_cast %add3A_2359 : i32 to index
      %get3A_2364 = tpu.vector_load %arg7[%get3A_2361, %get3A_2362, %get3A_2363] {strides = array<i32>} : memref<32x20x128xf32, #tpu.memory_space<vmem>>, vector<1x1x16xf32>,
      %get3A_2365 = vector.shape_cast %get3A_2364 : vector<1x1x16xf32> to vector<16xf32>
      %slice3A_2366 = vector.extract_strided_slice %mul3A_1675 {offsets = [1], sizes = [1], strides = [1]} : vector<16xi32> to vector<1xi32>
      %squeeze3A_2367 = vector.extract %slice3A_2366[0] : i32 from vector<1xi32>
      %add3A_2368 = arith.constant 48 : i32
      %add3A_2369 = arith.addi %squeeze3A_2367, %add3A_2368 : i32
      %get3A_2370 = arith.constant 1 : i32
      %get3A_2371 = arith.index_cast %scan3A_1666 : i32 to index
      %get3A_2372 = arith.index_cast %get3A_2370 : i32 to index
      %get3A_2373 = arith.index_cast %add3A_2369 : i32 to index
      %get3A_2374 = tpu.vector_load %arg7[%get3A_2371, %get3A_2372, %get3A_2373] {strides = array<i32>} : memref<32x20x128xf32, #tpu.memory_space<vmem>>, vector<1x1x16xf32>,
      %get3A_2375 = vector.shape_cast %get3A_2374 : vector<1x1x16xf32> to vector<16xf32>
      %add3A_2376 = arith.addf %get3A_2365, %get3A_2375 : vector<16xf32>
      %slice3A_2377 = vector.extract_strided_slice %mul3A_1675 {offsets = [2], sizes = [1], strides = [1]} : vector<16xi32> to vector<1xi32>
      %squeeze3A_2378 = vector.extract %slice3A_2377[0] : i32 from vector<1xi32>
      %add3A_2379 = arith.constant 48 : i32
      %add3A_2380 = arith.addi %squeeze3A_2378, %add3A_2379 : i32
      %get3A_2381 = arith.constant 2 : i32
      %get3A_2382 = arith.index_cast %scan3A_1666 : i32 to index
      %get3A_2383 = arith.index_cast %get3A_2381 : i32 to index
      %get3A_2384 = arith.index_cast %add3A_2380 : i32 to index
      %get3A_2385 = tpu.vector_load %arg7[%get3A_2382, %get3A_2383, %get3A_2384] {strides = array<i32>} : memref<32x20x128xf32, #tpu.memory_space<vmem>>, vector<1x1x16xf32>,
      %get3A_2386 = vector.shape_cast %get3A_2385 : vector<1x1x16xf32> to vector<16xf32>
      %add3A_2387 = arith.addf %add3A_2376, %get3A_2386 : vector<16xf32>
      %slice3A_2388 = vector.extract_strided_slice %mul3A_1675 {offsets = [3], sizes = [1], strides = [1]} : vector<16xi32> to vector<1xi32>
      %squeeze3A_2389 = vector.extract %slice3A_2388[0] : i32 from vector<1xi32>
      %add3A_2390 = arith.constant 48 : i32
      %add3A_2391 = arith.addi %squeeze3A_2389, %add3A_2390 : i32
      %get3A_2392 = arith.constant 3 : i32
      %get3A_2393 = arith.index_cast %scan3A_1666 : i32 to index
      %get3A_2394 = arith.index_cast %get3A_2392 : i32 to index
      %get3A_2395 = arith.index_cast %add3A_2391 : i32 to index
      %get3A_2396 = tpu.vector_load %arg7[%get3A_2393, %get3A_2394, %get3A_2395] {strides = array<i32>} : memref<32x20x128xf32, #tpu.memory_space<vmem>>, vector<1x1x16xf32>,
      %get3A_2397 = vector.shape_cast %get3A_2396 : vector<1x1x16xf32> to vector<16xf32>
      %add3A_2398 = arith.addf %add3A_2387, %get3A_2397 : vector<16xf32>
      %slice3A_2399 = vector.extract_strided_slice %mul3A_1675 {offsets = [4], sizes = [1], strides = [1]} : vector<16xi32> to vector<1xi32>
      %squeeze3A_2400 = vector.extract %slice3A_2399[0] : i32 from vector<1xi32>
      %add3A_2401 = arith.constant 48 : i32
      %add3A_2402 = arith.addi %squeeze3A_2400, %add3A_2401 : i32
      %get3A_2403 = arith.constant 4 : i32
      %get3A_2404 = arith.index_cast %scan3A_1666 : i32 to index
      %get3A_2405 = arith.index_cast %get3A_2403 : i32 to index
      %get3A_2406 = arith.index_cast %add3A_2402 : i32 to index
      %get3A_2407 = tpu.vector_load %arg7[%get3A_2404, %get3A_2405, %get3A_2406] {strides = array<i32>} : memref<32x20x128xf32, #tpu.memory_space<vmem>>, vector<1x1x16xf32>,
      %get3A_2408 = vector.shape_cast %get3A_2407 : vector<1x1x16xf32> to vector<16xf32>
      %add3A_2409 = arith.addf %add3A_2398, %get3A_2408 : vector<16xf32>
      %slice3A_2410 = vector.extract_strided_slice %mul3A_1675 {offsets = [5], sizes = [1], strides = [1]} : vector<16xi32> to vector<1xi32>
      %squeeze3A_2411 = vector.extract %slice3A_2410[0] : i32 from vector<1xi32>
      %add3A_2412 = arith.constant 48 : i32
      %add3A_2413 = arith.addi %squeeze3A_2411, %add3A_2412 : i32
      %get3A_2414 = arith.constant 5 : i32
      %get3A_2415 = arith.index_cast %scan3A_1666 : i32 to index
      %get3A_2416 = arith.index_cast %get3A_2414 : i32 to index
      %get3A_2417 = arith.index_cast %add3A_2413 : i32 to index
      %get3A_2418 = tpu.vector_load %arg7[%get3A_2415, %get3A_2416, %get3A_2417] {strides = array<i32>} : memref<32x20x128xf32, #tpu.memory_space<vmem>>, vector<1x1x16xf32>,
      %get3A_2419 = vector.shape_cast %get3A_2418 : vector<1x1x16xf32> to vector<16xf32>
      %add3A_2420 = arith.addf %add3A_2409, %get3A_2419 : vector<16xf32>
      %slice3A_2421 = vector.extract_strided_slice %mul3A_1675 {offsets = [6], sizes = [1], strides = [1]} : vector<16xi32> to vector<1xi32>
      %squeeze3A_2422 = vector.extract %slice3A_2421[0] : i32 from vector<1xi32>
      %add3A_2423 = arith.constant 48 : i32
      %add3A_2424 = arith.addi %squeeze3A_2422, %add3A_2423 : i32
      %get3A_2425 = arith.constant 6 : i32
      %get3A_2426 = arith.index_cast %scan3A_1666 : i32 to index
      %get3A_2427 = arith.index_cast %get3A_2425 : i32 to index
      %get3A_2428 = arith.index_cast %add3A_2424 : i32 to index
      %get3A_2429 = tpu.vector_load %arg7[%get3A_2426, %get3A_2427, %get3A_2428] {strides = array<i32>} : memref<32x20x128xf32, #tpu.memory_space<vmem>>, vector<1x1x16xf32>,
      %get3A_2430 = vector.shape_cast %get3A_2429 : vector<1x1x16xf32> to vector<16xf32>
      %add3A_2431 = arith.addf %add3A_2420, %get3A_2430 : vector<16xf32>
      %slice3A_2432 = vector.extract_strided_slice %mul3A_1675 {offsets = [7], sizes = [1], strides = [1]} : vector<16xi32> to vector<1xi32>
      %squeeze3A_2433 = vector.extract %slice3A_2432[0] : i32 from vector<1xi32>
      %add3A_2434 = arith.constant 48 : i32
      %add3A_2435 = arith.addi %squeeze3A_2433, %add3A_2434 : i32
      %get3A_2436 = arith.constant 7 : i32
      %get3A_2437 = arith.index_cast %scan3A_1666 : i32 to index
      %get3A_2438 = arith.index_cast %get3A_2436 : i32 to index
      %get3A_2439 = arith.index_cast %add3A_2435 : i32 to index
      %get3A_2440 = tpu.vector_load %arg7[%get3A_2437, %get3A_2438, %get3A_2439] {strides = array<i32>} : memref<32x20x128xf32, #tpu.memory_space<vmem>>, vector<1x1x16xf32>,
      %get3A_2441 = vector.shape_cast %get3A_2440 : vector<1x1x16xf32> to vector<16xf32>
      %add3A_2442 = arith.addf %add3A_2431, %get3A_2441 : vector<16xf32>
      %slice3A_2443 = vector.extract_strided_slice %mul3A_1675 {offsets = [8], sizes = [1], strides = [1]} : vector<16xi32> to vector<1xi32>
      %squeeze3A_2444 = vector.extract %slice3A_2443[0] : i32 from vector<1xi32>
      %add3A_2445 = arith.constant 48 : i32
      %add3A_2446 = arith.addi %squeeze3A_2444, %add3A_2445 : i32
      %get3A_2447 = arith.constant 8 : i32
      %get3A_2448 = arith.index_cast %scan3A_1666 : i32 to index
      %get3A_2449 = arith.index_cast %get3A_2447 : i32 to index
      %get3A_2450 = arith.index_cast %add3A_2446 : i32 to index
      %get3A_2451 = tpu.vector_load %arg7[%get3A_2448, %get3A_2449, %get3A_2450] {strides = array<i32>} : memref<32x20x128xf32, #tpu.memory_space<vmem>>, vector<1x1x16xf32>,
      %get3A_2452 = vector.shape_cast %get3A_2451 : vector<1x1x16xf32> to vector<16xf32>
      %add3A_2453 = arith.addf %add3A_2442, %get3A_2452 : vector<16xf32>
      %slice3A_2454 = vector.extract_strided_slice %mul3A_1675 {offsets = [9], sizes = [1], strides = [1]} : vector<16xi32> to vector<1xi32>
      %squeeze3A_2455 = vector.extract %slice3A_2454[0] : i32 from vector<1xi32>
      %add3A_2456 = arith.constant 48 : i32
      %add3A_2457 = arith.addi %squeeze3A_2455, %add3A_2456 : i32
      %get3A_2458 = arith.constant 9 : i32
      %get3A_2459 = arith.index_cast %scan3A_1666 : i32 to index
      %get3A_2460 = arith.index_cast %get3A_2458 : i32 to index
      %get3A_2461 = arith.index_cast %add3A_2457 : i32 to index
      %get3A_2462 = tpu.vector_load %arg7[%get3A_2459, %get3A_2460, %get3A_2461] {strides = array<i32>} : memref<32x20x128xf32, #tpu.memory_space<vmem>>, vector<1x1x16xf32>,
      %get3A_2463 = vector.shape_cast %get3A_2462 : vector<1x1x16xf32> to vector<16xf32>
      %add3A_2464 = arith.addf %add3A_2453, %get3A_2463 : vector<16xf32>
      %slice3A_2465 = vector.extract_strided_slice %mul3A_1675 {offsets = [10], sizes = [1], strides = [1]} : vector<16xi32> to vector<1xi32>
      %squeeze3A_2466 = vector.extract %slice3A_2465[0] : i32 from vector<1xi32>
      %add3A_2467 = arith.constant 48 : i32
      %add3A_2468 = arith.addi %squeeze3A_2466, %add3A_2467 : i32
      %get3A_2469 = arith.constant 10 : i32
      %get3A_2470 = arith.index_cast %scan3A_1666 : i32 to index
      %get3A_2471 = arith.index_cast %get3A_2469 : i32 to index
      %get3A_2472 = arith.index_cast %add3A_2468 : i32 to index
      %get3A_2473 = tpu.vector_load %arg7[%get3A_2470, %get3A_2471, %get3A_2472] {strides = array<i32>} : memref<32x20x128xf32, #tpu.memory_space<vmem>>, vector<1x1x16xf32>,
      %get3A_2474 = vector.shape_cast %get3A_2473 : vector<1x1x16xf32> to vector<16xf32>
      %add3A_2475 = arith.addf %add3A_2464, %get3A_2474 : vector<16xf32>
      %slice3A_2476 = vector.extract_strided_slice %mul3A_1675 {offsets = [11], sizes = [1], strides = [1]} : vector<16xi32> to vector<1xi32>
      %squeeze3A_2477 = vector.extract %slice3A_2476[0] : i32 from vector<1xi32>
      %add3A_2478 = arith.constant 48 : i32
      %add3A_2479 = arith.addi %squeeze3A_2477, %add3A_2478 : i32
      %get3A_2480 = arith.constant 11 : i32
      %get3A_2481 = arith.index_cast %scan3A_1666 : i32 to index
      %get3A_2482 = arith.index_cast %get3A_2480 : i32 to index
      %get3A_2483 = arith.index_cast %add3A_2479 : i32 to index
      %get3A_2484 = tpu.vector_load %arg7[%get3A_2481, %get3A_2482, %get3A_2483] {strides = array<i32>} : memref<32x20x128xf32, #tpu.memory_space<vmem>>, vector<1x1x16xf32>,
      %get3A_2485 = vector.shape_cast %get3A_2484 : vector<1x1x16xf32> to vector<16xf32>
      %add3A_2486 = arith.addf %add3A_2475, %get3A_2485 : vector<16xf32>
      %slice3A_2487 = vector.extract_strided_slice %mul3A_1675 {offsets = [12], sizes = [1], strides = [1]} : vector<16xi32> to vector<1xi32>
      %squeeze3A_2488 = vector.extract %slice3A_2487[0] : i32 from vector<1xi32>
      %add3A_2489 = arith.constant 48 : i32
      %add3A_2490 = arith.addi %squeeze3A_2488, %add3A_2489 : i32
      %get3A_2491 = arith.constant 12 : i32
      %get3A_2492 = arith.index_cast %scan3A_1666 : i32 to index
      %get3A_2493 = arith.index_cast %get3A_2491 : i32 to index
      %get3A_2494 = arith.index_cast %add3A_2490 : i32 to index
      %get3A_2495 = tpu.vector_load %arg7[%get3A_2492, %get3A_2493, %get3A_2494] {strides = array<i32>} : memref<32x20x128xf32, #tpu.memory_space<vmem>>, vector<1x1x16xf32>,
      %get3A_2496 = vector.shape_cast %get3A_2495 : vector<1x1x16xf32> to vector<16xf32>
      %add3A_2497 = arith.addf %add3A_2486, %get3A_2496 : vector<16xf32>
      %slice3A_2498 = vector.extract_strided_slice %mul3A_1675 {offsets = [13], sizes = [1], strides = [1]} : vector<16xi32> to vector<1xi32>
      %squeeze3A_2499 = vector.extract %slice3A_2498[0] : i32 from vector<1xi32>
      %add3A_2500 = arith.constant 48 : i32
      %add3A_2501 = arith.addi %squeeze3A_2499, %add3A_2500 : i32
      %get3A_2502 = arith.constant 13 : i32
      %get3A_2503 = arith.index_cast %scan3A_1666 : i32 to index
      %get3A_2504 = arith.index_cast %get3A_2502 : i32 to index
      %get3A_2505 = arith.index_cast %add3A_2501 : i32 to index
      %get3A_2506 = tpu.vector_load %arg7[%get3A_2503, %get3A_2504, %get3A_2505] {strides = array<i32>} : memref<32x20x128xf32, #tpu.memory_space<vmem>>, vector<1x1x16xf32>,
      %get3A_2507 = vector.shape_cast %get3A_2506 : vector<1x1x16xf32> to vector<16xf32>
      %add3A_2508 = arith.addf %add3A_2497, %get3A_2507 : vector<16xf32>
      %slice3A_2509 = vector.extract_strided_slice %mul3A_1675 {offsets = [14], sizes = [1], strides = [1]} : vector<16xi32> to vector<1xi32>
      %squeeze3A_2510 = vector.extract %slice3A_2509[0] : i32 from vector<1xi32>
      %add3A_2511 = arith.constant 48 : i32
      %add3A_2512 = arith.addi %squeeze3A_2510, %add3A_2511 : i32
      %get3A_2513 = arith.constant 14 : i32
      %get3A_2514 = arith.index_cast %scan3A_1666 : i32 to index
      %get3A_2515 = arith.index_cast %get3A_2513 : i32 to index
      %get3A_2516 = arith.index_cast %add3A_2512 : i32 to index
      %get3A_2517 = tpu.vector_load %arg7[%get3A_2514, %get3A_2515, %get3A_2516] {strides = array<i32>} : memref<32x20x128xf32, #tpu.memory_space<vmem>>, vector<1x1x16xf32>,
      %get3A_2518 = vector.shape_cast %get3A_2517 : vector<1x1x16xf32> to vector<16xf32>
      %add3A_2519 = arith.addf %add3A_2508, %get3A_2518 : vector<16xf32>
      %slice3A_2520 = vector.extract_strided_slice %mul3A_1675 {offsets = [15], sizes = [1], strides = [1]} : vector<16xi32> to vector<1xi32>
      %squeeze3A_2521 = vector.extract %slice3A_2520[0] : i32 from vector<1xi32>
      %add3A_2522 = arith.constant 48 : i32
      %add3A_2523 = arith.addi %squeeze3A_2521, %add3A_2522 : i32
      %get3A_2524 = arith.constant 15 : i32
      %get3A_2525 = arith.index_cast %scan3A_1666 : i32 to index
      %get3A_2526 = arith.index_cast %get3A_2524 : i32 to index
      %get3A_2527 = arith.index_cast %add3A_2523 : i32 to index
      %get3A_2528 = tpu.vector_load %arg7[%get3A_2525, %get3A_2526, %get3A_2527] {strides = array<i32>} : memref<32x20x128xf32, #tpu.memory_space<vmem>>, vector<1x1x16xf32>,
      %get3A_2529 = vector.shape_cast %get3A_2528 : vector<1x1x16xf32> to vector<16xf32>
      %add3A_2530 = arith.addf %add3A_2519, %get3A_2529 : vector<16xf32>
      %slice3A_2531 = vector.extract_strided_slice %mul3A_1685 {offsets = [12], sizes = [1], strides = [1]} : vector<16xi32> to vector<1xi32>
      %squeeze3A_2532 = vector.extract %slice3A_2531[0] : i32 from vector<1xi32>
      %add3A_2533 = arith.constant 48 : i32
      %add3A_2534 = arith.addi %squeeze3A_2532, %add3A_2533 : i32
      %get3A_2535 = arith.constant 16 : i32
      %get3A_2536 = arith.index_cast %scan3A_1666 : i32 to index
      %get3A_2537 = arith.index_cast %get3A_2535 : i32 to index
      %get3A_2538 = arith.index_cast %add3A_2534 : i32 to index
      %get3A_2539 = tpu.vector_load %arg7[%get3A_2536, %get3A_2537, %get3A_2538] {strides = array<i32>} : memref<32x20x128xf32, #tpu.memory_space<vmem>>, vector<1x1x16xf32>,
      %get3A_2540 = vector.shape_cast %get3A_2539 : vector<1x1x16xf32> to vector<16xf32>
      %add3A_2541 = arith.addf %add3A_2530, %get3A_2540 : vector<16xf32>
      %slice3A_2542 = vector.extract_strided_slice %mul3A_1685 {offsets = [13], sizes = [1], strides = [1]} : vector<16xi32> to vector<1xi32>
      %squeeze3A_2543 = vector.extract %slice3A_2542[0] : i32 from vector<1xi32>
      %add3A_2544 = arith.constant 48 : i32
      %add3A_2545 = arith.addi %squeeze3A_2543, %add3A_2544 : i32
      %get3A_2546 = arith.constant 17 : i32
      %get3A_2547 = arith.index_cast %scan3A_1666 : i32 to index
      %get3A_2548 = arith.index_cast %get3A_2546 : i32 to index
      %get3A_2549 = arith.index_cast %add3A_2545 : i32 to index
      %get3A_2550 = tpu.vector_load %arg7[%get3A_2547, %get3A_2548, %get3A_2549] {strides = array<i32>} : memref<32x20x128xf32, #tpu.memory_space<vmem>>, vector<1x1x16xf32>,
      %get3A_2551 = vector.shape_cast %get3A_2550 : vector<1x1x16xf32> to vector<16xf32>
      %add3A_2552 = arith.addf %add3A_2541, %get3A_2551 : vector<16xf32>
      %slice3A_2553 = vector.extract_strided_slice %mul3A_1685 {offsets = [14], sizes = [1], strides = [1]} : vector<16xi32> to vector<1xi32>
      %squeeze3A_2554 = vector.extract %slice3A_2553[0] : i32 from vector<1xi32>
      %add3A_2555 = arith.constant 48 : i32
      %add3A_2556 = arith.addi %squeeze3A_2554, %add3A_2555 : i32
      %get3A_2557 = arith.constant 18 : i32
      %get3A_2558 = arith.index_cast %scan3A_1666 : i32 to index
      %get3A_2559 = arith.index_cast %get3A_2557 : i32 to index
      %get3A_2560 = arith.index_cast %add3A_2556 : i32 to index
      %get3A_2561 = tpu.vector_load %arg7[%get3A_2558, %get3A_2559, %get3A_2560] {strides = array<i32>} : memref<32x20x128xf32, #tpu.memory_space<vmem>>, vector<1x1x16xf32>,
      %get3A_2562 = vector.shape_cast %get3A_2561 : vector<1x1x16xf32> to vector<16xf32>
      %add3A_2563 = arith.addf %add3A_2552, %get3A_2562 : vector<16xf32>
      %slice3A_2564 = vector.extract_strided_slice %mul3A_1685 {offsets = [15], sizes = [1], strides = [1]} : vector<16xi32> to vector<1xi32>
      %squeeze3A_2565 = vector.extract %slice3A_2564[0] : i32 from vector<1xi32>
      %add3A_2566 = arith.constant 48 : i32
      %add3A_2567 = arith.addi %squeeze3A_2565, %add3A_2566 : i32
      %get3A_2568 = arith.constant 19 : i32
      %get3A_2569 = arith.index_cast %scan3A_1666 : i32 to index
      %get3A_2570 = arith.index_cast %get3A_2568 : i32 to index
      %get3A_2571 = arith.index_cast %add3A_2567 : i32 to index
      %get3A_2572 = tpu.vector_load %arg7[%get3A_2569, %get3A_2570, %get3A_2571] {strides = array<i32>} : memref<32x20x128xf32, #tpu.memory_space<vmem>>, vector<1x1x16xf32>,
      %get3A_2573 = vector.shape_cast %get3A_2572 : vector<1x1x16xf32> to vector<16xf32>
      %add3A_2574 = arith.addf %add3A_2563, %get3A_2573 : vector<16xf32>
      %swap3A_2575 = arith.index_cast %scan3A_1666 : i32 to index
      %swap3A_2576 = arith.constant 48 : index
      %swap3A_2577 = tpu.vector_load %arg8[%swap3A_2575, %swap3A_2576] {strides = array<i32>} : memref<32x64xf32, #tpu.memory_space<vmem>>, vector<1x16xf32>,
      %swap3A_2578 = vector.shape_cast %swap3A_2577 : vector<1x16xf32> to vector<16xf32>
      %swap3A_2579 = vector.shape_cast %add3A_2574 : vector<16xf32> to vector<1x16xf32>
      tpu.vector_store %arg8[%swap3A_2575, %swap3A_2576], %swap3A_2579 {strides = array<i32>} : memref<32x64xf32, #tpu.memory_space<vmem>>, vector<1x16xf32>,
    }
    %scan3A_1665 = arith.constant 32 : i32
    "tpu.region"() ({
      %run_scoped3A = tpu.sem_alloc : memref<!tpu.dma_semaphore, #tpu.memory_space<semaphore_mem>>
      %dma_start3A_1666 = arith.constant 0 : i32
      %dma_start3A_1667 = tpu.memref_slice %arg4[%mul3A_2, %dma_start3A_1666] : memref<1024x64xf32, #tpu.memory_space<hbm>> -> memref<32x64xf32, #tpu.memory_space<hbm>>
      %dma_start3A_1668 = arith.constant 0 : i32
      %dma_start3A_1669 = tpu.memref_slice %arg4[%mul3A_2, %dma_start3A_1668] : memref<1024x64xf32, #tpu.memory_space<hbm>> -> memref<32x64xf32, #tpu.memory_space<hbm>>
      tpu.enqueue_dma source(%arg8 : memref<32x64xf32, #tpu.memory_space<vmem>>) target(%dma_start3A_1669 : memref<32x64xf32, #tpu.memory_space<hbm>>) target_semaphore(%run_scoped3A : memref<!tpu.dma_semaphore, #tpu.memory_space<semaphore_mem>>)
      %dma_wait3A_1670 = arith.constant 0 : i32
      %dma_wait3A_1671 = tpu.memref_slice %arg4[%mul3A_2, %dma_wait3A_1670] : memref<1024x64xf32, #tpu.memory_space<hbm>> -> memref<32x64xf32, #tpu.memory_space<hbm>>
      %dma_wait3A_1672 = arith.constant 0 : i32
      %dma_wait3A_1673 = tpu.memref_slice %arg4[%mul3A_2, %dma_wait3A_1672] : memref<1024x64xf32, #tpu.memory_space<hbm>> -> memref<32x64xf32, #tpu.memory_space<hbm>>
      tpu.wait_dma2 semaphore(%run_scoped3A : memref<!tpu.dma_semaphore, #tpu.memory_space<semaphore_mem>>) src(%arg8 : memref<32x64xf32, #tpu.memory_space<vmem>>) dst(%dma_wait3A_1673 : memref<32x64xf32, #tpu.memory_space<hbm>>)
      tpu.yield
    }) : () -> ()
    return
  }
}

module attributes {stable_mosaic.version = 14 : i64} {
  func.func @_mlp_body(%arg0: i32, %arg1: memref<64x1024xf32, #tpu.memory_space<vmem>>, %arg2: memref<64x128xf32, #tpu.memory_space<vmem>>, %arg3: memref<128x1xf32, #tpu.memory_space<vmem>>, %arg4: memref<2000x128xf32, #tpu.memory_space<vmem>>, %arg5: memref<2000x1xf32, #tpu.memory_space<vmem>>, %arg6: memref<2000x1024xf32, #tpu.memory_space<vmem>>, %arg7: memref<128x1024xf32, #tpu.memory_space<vmem>>) attributes {dimension_semantics = [#tpu.dimension_semantics<arbitrary>], iteration_bounds = array<i64: 50>, scalar_prefetch = 0 : i64, scratch_operands = 1 : i64, tpu.core_type = #tpu.core_type<tc>, window_params = [{pipeline_mode = #tpu.pipeline_mode<synchronous>, transform_indices = @transform_0, window_bounds = array<i64: 64, 1024>}, {pipeline_mode = #tpu.pipeline_mode<synchronous>, transform_indices = @transform_1, window_bounds = array<i64: 64, 128>}, {pipeline_mode = #tpu.pipeline_mode<synchronous>, transform_indices = @transform_2, window_bounds = array<i64: 128, 1>}, {transform_indices = @transform_3, window_bounds = array<i64: 2000, 128>}, {transform_indices = @transform_4, window_bounds = array<i64: 2000, 1>}, {transform_indices = @transform_5, window_bounds = array<i64: 2000, 1024>}]} {
    %eq3A = arith.constant 0 : i32
    %eq3A_0 = arith.cmpi eq, %arg0, %eq3A : i32
    %convert_element_type3A = arith.extui %eq3A_0 : i1 to i32
    %cond3A = arith.constant 0 : i32
    %cond3A_1 = arith.cmpi ne, %convert_element_type3A, %cond3A : i32
    scf.if %cond3A_1 {
      %get3A_14 = arith.constant 0 : index
      %get3A_15 = arith.constant 0 : index
      %get3A_16 = vector.load %arg2[%get3A_14, %get3A_15] : memref<64x128xf32, #tpu.memory_space<vmem>>, vector<64x128xf32>
      %get3A_17 = arith.constant 0 : index
      %get3A_18 = arith.constant 0 : index
      %get3A_19 = vector.load %arg1[%get3A_17, %get3A_18] : memref<64x1024xf32, #tpu.memory_space<vmem>>, vector<64x1024xf32>
      %dot_general3A_20 = arith.constant dense<0.000000e+00> : vector<128x1024xf32>
      %dot_general3A_21 = tpu.matmul %get3A_16, %get3A_19, %dot_general3A_20 {dimension_numbers = #tpu.dot_dimension_numbers<[0], [0], [1], [1], [0, 1, 1, 1], [], []>, transpose_lhs_hint = false} : vector<64x128xf32>, vector<64x1024xf32>, vector<128x1024xf32> -> vector<128x1024xf32>
      %get3A_22 = arith.constant 0 : index
      %get3A_23 = arith.constant 0 : index
      %get3A_24 = vector.load %arg3[%get3A_22, %get3A_23] : memref<128x1xf32, #tpu.memory_space<vmem>>, vector<128x1xf32>
      %add3A_25 = vector.broadcast %get3A_24 : vector<128x1xf32> to vector<128x1024xf32>
      %add3A_26 = arith.addf %dot_general3A_21, %add3A_25 : vector<128x1024xf32>
      %max3A = arith.constant 0.000000e+00 : f32
      %max3A_27 = vector.broadcast %max3A : f32 to vector<128x1024xf32>
      %max3A_28 = arith.maximumf %add3A_26, %max3A_27 : vector<128x1024xf32>
      %swap3A_29 = arith.constant 0 : index
      %swap3A_30 = arith.constant 0 : index
      %swap3A_31 = vector.load %arg7[%swap3A_29, %swap3A_30] : memref<128x1024xf32, #tpu.memory_space<vmem>>, vector<128x1024xf32>
      tpu.vector_store %arg7[%swap3A_29, %swap3A_30], %max3A_28 {strides = array<i32>} : memref<128x1024xf32, #tpu.memory_space<vmem>>, vector<128x1024xf32>,
    } else {
    }
    %get3A = arith.constant 0 : index
    %get3A_2 = arith.constant 0 : index
    %get3A_3 = vector.load %arg4[%get3A, %get3A_2] : memref<2000x128xf32, #tpu.memory_space<vmem>>, vector<2000x128xf32>
    %get3A_4 = arith.constant 0 : index
    %get3A_5 = arith.constant 0 : index
    %get3A_6 = vector.load %arg7[%get3A_4, %get3A_5] : memref<128x1024xf32, #tpu.memory_space<vmem>>, vector<128x1024xf32>
    %dot_general3A = arith.constant dense<0.000000e+00> : vector<2000x1024xf32>
    %dot_general3A_7 = tpu.matmul %get3A_3, %get3A_6, %dot_general3A {dimension_numbers = #tpu.dot_dimension_numbers<[1], [0], [0], [1], [0, 0, 1, 1], [], []>, transpose_lhs_hint = false} : vector<2000x128xf32>, vector<128x1024xf32>, vector<2000x1024xf32> -> vector<2000x1024xf32>
    %get3A_8 = arith.constant 0 : index
    %get3A_9 = arith.constant 0 : index
    %get3A_10 = vector.load %arg5[%get3A_8, %get3A_9] : memref<2000x1xf32, #tpu.memory_space<vmem>>, vector<2000x1xf32>
    %add3A = vector.broadcast %get3A_10 : vector<2000x1xf32> to vector<2000x1024xf32>
    %add3A_11 = arith.addf %dot_general3A_7, %add3A : vector<2000x1024xf32>
    %swap3A = arith.constant 0 : index
    %swap3A_12 = arith.constant 0 : index
    %swap3A_13 = vector.load %arg6[%swap3A, %swap3A_12] : memref<2000x1024xf32, #tpu.memory_space<vmem>>, vector<2000x1024xf32>
    tpu.vector_store %arg6[%swap3A, %swap3A_12], %add3A_11 {strides = array<i32>} : memref<2000x1024xf32, #tpu.memory_space<vmem>>, vector<2000x1024xf32>,
    return
  }
  func.func @transform_0(%arg0: i32) -> (i32, i32) {
    %c0_i32 = arith.constant 0 : i32
    %c0_i32_0 = arith.constant 0 : i32
    %c0_i32_1 = arith.constant 0 : i32
    return %c0_i32, %c0_i32_0 : i32, i32
  }
  func.func @transform_1(%arg0: i32) -> (i32, i32) {
    %c0_i32 = arith.constant 0 : i32
    %c0_i32_0 = arith.constant 0 : i32
    %c0_i32_1 = arith.constant 0 : i32
    return %c0_i32, %c0_i32_0 : i32, i32
  }
  func.func @transform_2(%arg0: i32) -> (i32, i32) {
    %c0_i32 = arith.constant 0 : i32
    %c0_i32_0 = arith.constant 0 : i32
    %c0_i32_1 = arith.constant 0 : i32
    return %c0_i32, %c0_i32_0 : i32, i32
  }
  func.func @transform_3(%arg0: i32) -> (i32, i32) {
    %c0_i32 = arith.constant 0 : i32
    %c0_i32_0 = arith.constant 0 : i32
    return %arg0, %c0_i32 : i32, i32
  }
  func.func @transform_4(%arg0: i32) -> (i32, i32) {
    %c0_i32 = arith.constant 0 : i32
    %c0_i32_0 = arith.constant 0 : i32
    return %arg0, %c0_i32 : i32, i32
  }
  func.func @transform_5(%arg0: i32) -> (i32, i32) {
    %c0_i32 = arith.constant 0 : i32
    %c0_i32_0 = arith.constant 0 : i32
    return %arg0, %c0_i32 : i32, i32
  }
}

</mosaic_0001>

<sc_bundles>
// kernel: kernel.4.cloned.1.call-start
scs
__scs_entry_jumppad:
0x0: {  	(pc) =	sbr.rel $0x88, $3  }
0x1: {  	(tag) =	ssettag $0x0;
	lr =	simm.s32 $0x1  }
0x2: {  	[smem:$0x3F9B] =	sst lr;
	_ =	strace $0xD0000000  }
0x3: {  	_ = 	snop  }
0x4: {  	_ = 	snop  }
0x5: {  	_ = 	snop  }
0x6: {  	_ = 	snop  }
0x7: {  	_ = 	snop  }
__scs_overlays_trampoline_lowered:
0x8: {  	[smem:$0x3FAA] =	sst s0  }
0x9: {  	[smem:$0x3FAB] =	sst s1  }
0xa: {  	[smem:$0x3FAC] =	sst s2  }
0xb: {  	[smem:$0x3FAD] =	sst s3  }
0xc: {  	[smem:$0x3FAE] =	sst s4  }
0xd: {  	[smem:$0x3FAF] =	sst s5  }
0xe: {  	[smem:$0x3FB0] =	sst s6  }
0xf: {  	[smem:$0x3FB1] =	sst s7  }
0x10: {  	[smem:$0x3FB2] =	sst s8  }
0x11: {  	[smem:$0x3FB3] =	sst s9;
	s0 =	simm.s32 @!p0 $0x0  }
0x12: {  	s1 =	sld [smem:$0x3F99];
	s0 =	simm.s32 @p0 $0x1  }
0x13: {  	[smem:$0x3FB4] =	sst s0;
	s0 =	simm.s32 @!p1 $0x0  }
0x14: {  	s2 =	sld [smem:$0x3F98];
	s0 =	simm.s32 @p1 $0x1  }
0x15: {  	[smem:$0x3FB5] =	sst s0;
	s0 =	simm.s32 @!p2 $0x0  }
0x16: {  	s3 =	sld [smem:$0x3FDB];
	s0 =	simm.s32 @p2 $0x1  }
0x17: {  	s4 =	simm.s32 $0x1BF5;
	[smem:$0x3FB7] =	sst s0  }
0x18: {  	s0 =	sld [smem:$0x3F9A];
	_ =	swait.ge [sflag:s4], $0x0  }
0x19: {  	s7 =	sld [smem:$0x3F9B]  }
0x1a: {  	s8 =	sadd.s32 $0xFFFFE003, lr  }
0x1b: {  	s9 =	sadd.s32 $0xFFFFFEF7, lr;
	s5 =	simm.s32 $0xFFFFFFFF;
	p2 =	slt.u32 s8, $0xFFFFF086  }
0x1c: {  	p1 =	slt.u32 s9, $0xF7A;
	s5 =	simm.s32 @!p2 $0x0  }
0x1d: {  	s5 =	simm.s32 @p1 $0x1;
	p0 =	seq.s32 s7, s2  }
0x1e: {  	s7 =	smul.u32 @!p0 $0xF7A, s2;
	p2 =	seq.s32 @!p0 s5, $0x0  }
0x1f: {  	s9 =	smul.u32 $0xF7A, s1;
	s8 =	simm.s32 @!p0 $0x1BF5;
	p2 =	por !p2, p0  }
0x20: {  	[sflag:s8] =	ssyncset.s32 @!p0 $0xFFFFF086;
	s6 =	sadd.s32 @!p0 s3, s7;
	s7 =	simm.s32 @!p0 $0x108  }
0x21: {  	s3 =	sadd.s32 s3, s9;
	s6 =	sadd.s32 @!p0 $0x88, s6;
	s7 =	simm.s32 @p2 $0x1082  }
0x22: {  	[simem:s7], [sflag:s8] =	dma.local @!p0 [hbm:s6], $0xF7A  }
0x23: {  	s9 =	sor.u32 $0xD0000000, s2;
	s6 =	simm.s32 $0x108;
	_ =	swait.ge @!p0 [sflag:s8], $0x0  }
0x24: {  	s3 =	sadd.s32 $0x88, s3;
	s6 =	simm.s32 @!p1 $0x1082;
	[sflag:s4] =	ssyncset.s32 $0xFFFFF086  }
0x25: {  	[simem:s6], [sflag:s4] =	dma.local [hbm:s3], $0xF7A  }
0x26: {  	[smem:$0x3F9B] =	sst s1;
	(tag) =	ssettag s2;
	_ =	strace s9  }
0x27: {  	s1 =	sld [smem:$0x3FAB]  }
0x28: {  	s2 =	sld [smem:$0x3FAC]  }
0x29: {  	s4 =	sld [smem:$0x3FAE]  }
0x2a: {  	p0 =	seq.s32 s5, $0x0;
	s5 =	sld [smem:$0x3FAF]  }
0x2b: {  	s6 =	sld [smem:$0x3FB0]  }
0x2c: {  	s7 =	sld [smem:$0x3FB1]  }
0x2d: {  	s3 =	simm.s32 $0x108;
	s8 =	sld [smem:$0x3FB2]  }
0x2e: {  	s3 =	simm.s32 @!p0 $0x1082;
	s9 =	sld [smem:$0x3FB3]  }
0x2f: {  	lr =	sadd.s32 s0, s3;
	s0 =	sld [smem:$0x3FAA]  }
0x30: {  	s3 =	sld [smem:$0x3FAD]  }
0x31: {  	[smem:$0x3FB6] =	sst s10  }
0x32: {  	s10 =	sld [smem:$0x3FB4];
	_ =	sdelay $0x3  }
0x33: {  	p0 =	seq.s32 s10, $0x1;
	s10 =	sld [smem:$0x3FB6];
	_ =	sdelay $0x3  }
0x34: {  	[smem:$0x3FB6] =	sst s10  }
0x35: {  	s10 =	sld [smem:$0x3FB5];
	_ =	sdelay $0x3  }
0x36: {  	p1 =	seq.s32 s10, $0x1;
	s10 =	sld [smem:$0x3FB6];
	_ =	sdelay $0x3  }
0x37: {  	[smem:$0x3FB6] =	sst s10  }
0x38: {  	s10 =	sld [smem:$0x3FB7]  }
0x39: {  	_ = 	snop;
	(pc) =	sbr.ind lr, $3  }
0x3a: {  	_ = 	snop  }
0x3b: {  	_ = 	snop  }
0x3c: {  	p2 =	seq.s32 s10, $0x1;
	s10 =	sld [smem:$0x3FB6]  }
0x3d: {  	_ =	shalt  }
0x3e: {  	_ =	shalt  }
0x3f: {  	_ =	shalt  }
0x40: {  	_ =	shalt  }
0x41: {  	_ =	shalt  }
0x42: {  	_ =	shalt  }
0x43: {  	_ =	shalt  }
0x44: {  	_ =	shalt  }
0x45: {  	_ =	shalt  }
0x46: {  	_ =	shalt  }
0x47: {  	_ =	shalt  }
0x48: {  	_ =	shalt  }
0x49: {  	_ =	shalt  }
0x4a: {  	_ =	shalt  }
0x4b: {  	_ =	shalt  }
0x4c: {  	_ =	shalt  }
0x4d: {  	_ =	shalt  }
0x4e: {  	_ =	shalt  }
0x4f: {  	_ =	shalt  }
0x50: {  	_ =	shalt  }
0x51: {  	_ =	shalt  }
0x52: {  	_ =	shalt  }
0x53: {  	_ =	shalt  }
0x54: {  	_ =	shalt  }
0x55: {  	_ =	shalt  }
0x56: {  	_ =	shalt  }
0x57: {  	_ =	shalt  }
0x58: {  	_ =	shalt  }
0x59: {  	_ =	shalt  }
0x5a: {  	_ =	shalt  }
0x5b: {  	_ =	shalt  }
0x5c: {  	_ =	shalt  }
0x5d: {  	_ =	shalt  }
0x5e: {  	_ =	shalt  }
0x5f: {  	_ =	shalt  }
0x60: {  	_ =	shalt  }
0x61: {  	_ =	shalt  }
0x62: {  	_ =	shalt  }
0x63: {  	_ =	shalt  }
0x64: {  	_ =	shalt  }
0x65: {  	_ =	shalt  }
0x66: {  	_ =	shalt  }
0x67: {  	_ =	shalt  }
0x68: {  	_ =	shalt  }
0x69: {  	_ =	shalt  }
0x6a: {  	_ =	shalt  }
0x6b: {  	_ =	shalt  }
0x6c: {  	_ =	shalt  }
0x6d: {  	_ =	shalt  }
0x6e: {  	_ =	shalt  }
0x6f: {  	_ =	shalt  }
0x70: {  	_ =	shalt  }
0x71: {  	_ =	shalt  }
0x72: {  	_ =	shalt  }
0x73: {  	_ =	shalt  }
0x74: {  	_ =	shalt  }
0x75: {  	_ =	shalt  }
0x76: {  	_ =	shalt  }
0x77: {  	_ =	shalt  }
0x78: {  	_ =	shalt  }
0x79: {  	_ =	shalt  }
0x7a: {  	_ =	shalt  }
0x7b: {  	_ =	shalt  }
0x7c: {  	_ =	shalt  }
0x7d: {  	_ =	shalt  }
0x7e: {  	_ =	shalt  }
0x7f: {  	_ =	shalt  }
0x80: {  	_ =	shalt  }
0x81: {  	_ =	shalt  }
0x82: {  	_ =	shalt  }
0x83: {  	_ =	shalt  }
0x84: {  	_ =	shalt  }
0x85: {  	_ =	shalt  }
0x86: {  	_ =	shalt  }
0x87: {  	_ =	shalt  }
.Lfunc_end0:
.L_simem_size_0:
called_computation_lowered:
.L_overlay_start_0:
0x88: {  	s2 =	sld [smem:$0x3FD9]  }
0x89: {  	s3 =	sld [smem:$0x3FFE];
	_ =	sdelay $0x1  }
0x8a: {  	s1 =	srdreg.scid  }
0x8b: {  	s0 =	sand.u32 $0x1, s1  }
0x8c: {  	s17 =	sshll.u32 s0, $0xA;
	s2 =	sadd.s32 s3, s2  }
0x8d: {  	s2 =	sadd.s32 s2, s17  }
0x8e: {  	[smem:$0x3FC2] =	sst s2  }
0x8f: {  	_ = 	snop  }
0x90: {  	s2 =	sld [smem:$0x3FD0];
	(tm) =	ssettm $0x1  }
0x91: {  	s18 =	sld [smem:$0x3FFB];
	_ =	sdelay $0x3  }
0x92: {  	_ =	strace s18  }
0x93: {  	s3 =	sld [smem:$0x3FFC];
	_ =	sdelay $0x3  }
0x94: {  	_ =	strace s3  }
0x95: {  	s3 =	sld [smem:$0x3FFD];
	_ =	sdelay $0x3  }
0x96: {  	_ =	strace s3  }
0x97: {  	_ =	strace $0x8FFFFFFF  }
0x98: {  	s19 =	sld [smem:$0x3FDB];
	_ =	sdelay $0x1  }
0x99: {  	s4 =	simm.s32 $_scs_section_size  }
0x9a: {  	s5 =	simm.s32 $_size__tile_overlayer_lowered;
	s6 =	simm.s32 $_tile_overlayer_lowered  }
0x9b: {  	s22 =	simm.s32 $0x1BFF;
	s21 =	sshll.u32 s6, $0x1;
	s3 =	sadd.s32 s4, s19  }
0x9c: {  	s7 =	simm.s32 $0x0;
	s20 =	sshll.u32 s5, $0x1;
	s5 =	sadd.s32 s21, s3  }
0x9d: {  	[timem:s7], [sflag:s22] =	dma.local [hbm:s5], s20  }
0x9e: {  	_ =	swait.ge [sflag:s22], s20  }
0x9f: {  	s4 =	ssub.s32 $0x0, s20;
	[sflag:s22] =	ssyncset.done $0x0  }
0xa0: {  	[sflag:s22] =	ssyncadd.s32 s4;
	_ =	sdelay $0x1  }
0xa1: {  	s23 =	simm.s32 $0x1B8B  }
0xa2: {  	_ =	swait.ge [sflag:s23], $0x1  }
0xa3: {  	[sflag:s23] =	ssyncset.done $0x0  }
0xa4: {  	s25 =	simm.s32 $0x1B8E;
	s24 =	sld [smem:$0x3FFE];
	[sflag:s23] =	ssyncadd.s32 $0xFFFFFFFF  }
0xa5: {  	s26 =	simm.s32 $execute0_lowered;
	[smem:$0x3FD2] =	sst s25  }
0xa6: {  	s5 =	sshll.u32 s26, $0x1;
	_ =	strace $0x80000046;
	[dreg:$0x1] =	wrdreg $0xFFFFFFFF  }
0xa7: {  	s28 =	simm.s32 $_size_execute0_lowered;
	s3 =	sadd.s32 s3, s5;
	[dreg:$0x0] =	wrdreg $0x0  }
0xa8: {  	s5 =	sshll.u32 s28, $0x1;
	[dreg:$0x2] =	wrdreg s3  }
0xa9: {  	[dreg:$0x3] =	wrdreg s5  }
0xaa: {  	[dreg:$0x4] =	wrdreg $0xC0  }
0xab: {  	_ =	task [dreg:s7], $0x5FFFF  }
0xac: {  	[dreg:$0x1] =	wrdreg $0xFFFFFFFF  }
0xad: {  	[dreg:$0x0] =	wrdreg $0x60  }
0xae: {  	[dreg:$0x2] =	wrdreg s24  }
0xaf: {  	[dreg:$0x3] =	wrdreg s2  }
0xb0: {  	[dreg:$0x4] =	wrdreg $0x9  }
0xb1: {  	_ =	task.clear_ibuf [dreg:s7], $0x5FFFF;
	_ =	strace $0x90000046  }
0xb2: {  	s29 =	simm.s32 $0x9;
	_ =	strace $0x80000048  }
0xb3: {  	_ =	swait.ge [sflag:s29], $0x1  }
0xb4: {  	[sflag:s29] =	ssyncadd.s32 $0xFFFFFFFF  }
0xb5: {  	_ =	strace $0x90000048  }
0xb6: {  	_ =	sfence  }
0xb7: {  	s30 =	sld [smem:$0x0];
	_ =	sdelay $0x2  }
0xb8: {  	s31 =	sshll.u32 s1, $0xD;
	s1 =	sshrl.u32 s1, $0x2  }
0xb9: {  	s3 =	sand.u32 $0x4000, s31;
	s1 =	sadd.s32 s1, s30  }
0xba: {  	s0 =	sor.u32 s3, s0;
	s1 =	sshll.u32 s1, $0x11  }
0xbb: {  	s0 =	sor.u32 s1, s0  }
0xbc: {  	s0 =	sadd.s32 $0x8F2B, s0  }
0xbd: {  	[sflag:s0] =	ssyncadd.remote.s32 $0x1  }
0xbe: {  	_ =	sfence.sel $0xFFFF  }
0xbf: {  	[dreg:$0x0] =	wrdreg $0xFFFFFFFF;
	(pc) =	sbr.abs _section_cstart, $3  }
0xc0: {  	[dreg:$0x1] =	wrdreg $0xFFFFFFFF  }
0xc1: {  	_ =	task.clear_ibuf [dreg:s7], $0x2FFFF;
	_ =	strace $0x9FFFFFFF  }
0xc2: {  	(tm) =	ssettm $0x7FFFFFFF  }
0xc3: {  	_ =	shalt  }
tec
execute0_lowered:
.L_overlay_start_1:
0x0: {  	(tag) =	ssettag $0x1  }
0x1: {  	s0 =	rddreg [dreg:$0x0]  }
0x2: {  	s1 =	rddreg [dreg:$0x1];
	s9 =	simm.s32 $0x0  }
0x3: {  	s2 =	srdreg.scid;
	s3 =	stileid.u32;
	s7 =	simm.s32 $0x2  }
0x4: {  	s8 =	simm.s32 $0x14;
	s25 =	simm.s32 $0x1;
	s2 =	sand.u32 $0x1, s2  }
0x5: {  	s28 =	simm.s32 $0x0;
	s3 =	sshll.u32 s3, $0xA;
	s4 =	sshll.u32 s2, $0x9  }
0x6: {  	[smem:$0x7FF] =	sst s9;
	s2 =	ssub.s32 $0x2, s2;
	s4 =	sor.u32 s4, s3  }
0x7: {  	s5 =	sshrl.u32 s2, $0x1;
	s3 =	sadd.s32 $0x4A00, s0;
	s0 =	sadd.s32 s4, s0  }
0x8: {  	_ =	strace $0x80000047;
	s2 =	ssub.s32 s2, s5;
	s0 =	sadd.s32 $0xA00, s0  }
0x9: {  	s5 =	sadd.s32 s1, s4;
	s6 =	smax.u32 s2, $0x1;
	[dreg:$0x3] =	wrdreg s0  }
.LBB2_1:
0xa: {  	s0 =	rddreg [dreg:$0x3]  }
0xb: {  	[tilespmem:s9], [sflag:$0x2] =	stream.linear.gather [hbm4b:s0+s9], $0x1000, $0x38;
	[tilespmem:$0x1B000] =	vst v63  }
0xc: {  	_ =	swait.ge [sflag:s7], $0x1000  }
0xd: {  	[sflag:s7] =	ssyncset.done $0x0  }
0xe: {  	[sflag:s7] =	ssyncadd.s32 $0xFFFFF000  }
0xf: {  	v0 =	vld [tilespmem:$0x0]  }
0x10: {  	v1 =	vld [tilespmem:$0x4]  }
0x11: {  	v2 =	vld [tilespmem:$0x80]  }
0x12: {  	v3 =	vld [tilespmem:$0x84]  }
0x13: {  	v4 =	vld [tilespmem:$0x100]  }
0x14: {  	v5 =	vld [tilespmem:$0x104];
	v0 =	vshra.s32 v0, $0x1  }
0x15: {  	[tilespmem:$0x1000] =	vst v0;
	v0 =	vshra.s32 v1, $0x1;
	v1 =	vld [tilespmem:$0x180]  }
0x16: {  	[tilespmem:$0x1004] =	vst v0;
	v0 =	vshra.s32 v2, $0x1;
	v2 =	vld [tilespmem:$0x184]  }
0x17: {  	[tilespmem:$0x1080] =	vst v0;
	v0 =	vshra.s32 v3, $0x1;
	v3 =	vld [tilespmem:$0x200]  }
0x18: {  	v38 =	vld [tilespmem:$0x204];
	[tilespmem:$0x1084] =	vst v0;
	v0 =	vshra.s32 v4, $0x1  }
0x19: {  	v39 =	vld [tilespmem:$0x280];
	[tilespmem:$0x1100] =	vst v0;
	v0 =	vshra.s32 v5, $0x1  }
0x1a: {  	[tilespmem:$0x1104] =	vst v0;
	v0 =	vshra.s32 v1, $0x1;
	v1 =	vld [tilespmem:$0x284]  }
0x1b: {  	[tilespmem:$0x1180] =	vst v0;
	v0 =	vshra.s32 v2, $0x1;
	v2 =	vld [tilespmem:$0x300]  }
0x1c: {  	[tilespmem:$0x1184] =	vst v0;
	v0 =	vshra.s32 v3, $0x1;
	v3 =	vld [tilespmem:$0x304]  }
0x1d: {  	v40 =	vld [tilespmem:$0x380];
	[tilespmem:$0x1200] =	vst v0;
	v0 =	vshra.s32 v38, $0x1  }
0x1e: {  	v41 =	vld [tilespmem:$0x384];
	[tilespmem:$0x1204] =	vst v0;
	v0 =	vshra.s32 v39, $0x1  }
0x1f: {  	[tilespmem:$0x1280] =	vst v0;
	v0 =	vshra.s32 v1, $0x1;
	v1 =	vld [tilespmem:$0x400]  }
0x20: {  	[tilespmem:$0x1284] =	vst v0;
	v0 =	vshra.s32 v2, $0x1;
	v2 =	vld [tilespmem:$0x404]  }
0x21: {  	[tilespmem:$0x1300] =	vst v0;
	v0 =	vshra.s32 v3, $0x1;
	v3 =	vld [tilespmem:$0x480]  }
0x22: {  	v42 =	vld [tilespmem:$0x484];
	[tilespmem:$0x1304] =	vst v0;
	v0 =	vshra.s32 v40, $0x1  }
0x23: {  	v43 =	vld [tilespmem:$0x500];
	[tilespmem:$0x1380] =	vst v0;
	v0 =	vshra.s32 v41, $0x1  }
0x24: {  	[tilespmem:$0x1384] =	vst v0;
	v0 =	vshra.s32 v1, $0x1;
	v1 =	vld [tilespmem:$0x504]  }
0x25: {  	[tilespmem:$0x1400] =	vst v0;
	v0 =	vshra.s32 v2, $0x1;
	v2 =	vld [tilespmem:$0x580]  }
0x26: {  	[tilespmem:$0x1404] =	vst v0;
	v0 =	vshra.s32 v3, $0x1;
	v3 =	vld [tilespmem:$0x584]  }
0x27: {  	v44 =	vld [tilespmem:$0x600];
	[tilespmem:$0x1480] =	vst v0;
	v0 =	vshra.s32 v42, $0x1  }
0x28: {  	v45 =	vld [tilespmem:$0x604];
	[tilespmem:$0x1484] =	vst v0;
	v0 =	vshra.s32 v43, $0x1  }
0x29: {  	[tilespmem:$0x1500] =	vst v0;
	v0 =	vshra.s32 v1, $0x1;
	v1 =	vld [tilespmem:$0x680]  }
0x2a: {  	[tilespmem:$0x1504] =	vst v0;
	v0 =	vshra.s32 v2, $0x1;
	v2 =	vld [tilespmem:$0x684]  }
0x2b: {  	[tilespmem:$0x1580] =	vst v0;
	v0 =	vshra.s32 v3, $0x1;
	v3 =	vld [tilespmem:$0x700]  }
0x2c: {  	v46 =	vld [tilespmem:$0x704];
	[tilespmem:$0x1584] =	vst v0;
	v0 =	vshra.s32 v44, $0x1  }
0x2d: {  	v47 =	vld [tilespmem:$0x780];
	[tilespmem:$0x1600] =	vst v0;
	v0 =	vshra.s32 v45, $0x1  }
0x2e: {  	[tilespmem:$0x1604] =	vst v0;
	v0 =	vshra.s32 v1, $0x1;
	v1 =	vld [tilespmem:$0x784]  }
0x2f: {  	[tilespmem:$0x1680] =	vst v0;
	v0 =	vshra.s32 v2, $0x1;
	v2 =	vld [tilespmem:$0x800]  }
0x30: {  	[tilespmem:$0x1684] =	vst v0;
	v0 =	vshra.s32 v3, $0x1;
	v3 =	vld [tilespmem:$0x804]  }
0x31: {  	v48 =	vld [tilespmem:$0x880];
	[tilespmem:$0x1700] =	vst v0;
	v0 =	vshra.s32 v46, $0x1  }
0x32: {  	v49 =	vld [tilespmem:$0x884];
	[tilespmem:$0x1704] =	vst v0;
	v0 =	vshra.s32 v47, $0x1  }
0x33: {  	[tilespmem:$0x1780] =	vst v0;
	v0 =	vshra.s32 v1, $0x1;
	v1 =	vld [tilespmem:$0x900]  }
0x34: {  	[tilespmem:$0x1784] =	vst v0;
	v0 =	vshra.s32 v2, $0x1;
	v2 =	vld [tilespmem:$0x904]  }
0x35: {  	[tilespmem:$0x1800] =	vst v0;
	v0 =	vshra.s32 v3, $0x1;
	v3 =	vld [tilespmem:$0x980]  }
0x36: {  	v50 =	vld [tilespmem:$0x984];
	[tilespmem:$0x1804] =	vst v0;
	v0 =	vshra.s32 v48, $0x1  }
0x37: {  	v51 =	vld [tilespmem:$0xA00];
	[tilespmem:$0x1880] =	vst v0;
	v0 =	vshra.s32 v49, $0x1  }
0x38: {  	[tilespmem:$0x1884] =	vst v0;
	v0 =	vshra.s32 v1, $0x1;
	v1 =	vld [tilespmem:$0xA04]  }
0x39: {  	[tilespmem:$0x1900] =	vst v0;
	v0 =	vshra.s32 v2, $0x1;
	v2 =	vld [tilespmem:$0xA80]  }
0x3a: {  	[tilespmem:$0x1904] =	vst v0;
	v0 =	vshra.s32 v3, $0x1;
	v3 =	vld [tilespmem:$0xA84]  }
0x3b: {  	v52 =	vld [tilespmem:$0xB00];
	[tilespmem:$0x1980] =	vst v0;
	v0 =	vshra.s32 v50, $0x1  }
0x3c: {  	v53 =	vld [tilespmem:$0xB04];
	[tilespmem:$0x1984] =	vst v0;
	v0 =	vshra.s32 v51, $0x1  }
0x3d: {  	[tilespmem:$0x1A00] =	vst v0;
	v0 =	vshra.s32 v1, $0x1;
	v1 =	vld [tilespmem:$0xB80]  }
0x3e: {  	[tilespmem:$0x1A04] =	vst v0;
	v0 =	vshra.s32 v2, $0x1;
	v2 =	vld [tilespmem:$0xB84]  }
0x3f: {  	[tilespmem:$0x1A80] =	vst v0;
	v0 =	vshra.s32 v3, $0x1;
	v3 =	vld [tilespmem:$0xC00]  }
0x40: {  	v54 =	vld [tilespmem:$0xC04];
	[tilespmem:$0x1A84] =	vst v0;
	v0 =	vshra.s32 v52, $0x1  }
0x41: {  	v55 =	vld [tilespmem:$0xC80];
	[tilespmem:$0x1B00] =	vst v0;
	v0 =	vshra.s32 v53, $0x1  }
0x42: {  	[tilespmem:$0x1B04] =	vst v0;
	v0 =	vshra.s32 v1, $0x1;
	v1 =	vld [tilespmem:$0xC84]  }
0x43: {  	[tilespmem:$0x1B80] =	vst v0;
	v0 =	vshra.s32 v2, $0x1;
	v2 =	vld [tilespmem:$0xD00]  }
0x44: {  	[tilespmem:$0x1B84] =	vst v0;
	v0 =	vshra.s32 v3, $0x1;
	v3 =	vld [tilespmem:$0xD04]  }
0x45: {  	v56 =	vld [tilespmem:$0xD80];
	[tilespmem:$0x1C00] =	vst v0;
	v0 =	vshra.s32 v54, $0x1  }
0x46: {  	v57 =	vld [tilespmem:$0xD84];
	[tilespmem:$0x1C04] =	vst v0;
	v0 =	vshra.s32 v55, $0x1  }
0x47: {  	[tilespmem:$0x1C80] =	vst v0;
	v0 =	vshra.s32 v1, $0x1;
	v1 =	vld [tilespmem:$0xE00]  }
0x48: {  	[tilespmem:$0x1C84] =	vst v0;
	v0 =	vshra.s32 v2, $0x1;
	v2 =	vld [tilespmem:$0xE04]  }
0x49: {  	[tilespmem:$0x1D00] =	vst v0;
	v0 =	vshra.s32 v3, $0x1;
	v3 =	vld [tilespmem:$0xE80]  }
0x4a: {  	v58 =	vld [tilespmem:$0xE84];
	[tilespmem:$0x1D04] =	vst v0;
	v0 =	vshra.s32 v56, $0x1  }
0x4b: {  	v59 =	vld [tilespmem:$0xF00];
	[tilespmem:$0x1D80] =	vst v0;
	v0 =	vshra.s32 v57, $0x1  }
0x4c: {  	[tilespmem:$0x1D84] =	vst v0;
	v0 =	vshra.s32 v1, $0x1;
	v1 =	vld [tilespmem:$0xF04]  }
0x4d: {  	[tilespmem:$0x1E00] =	vst v0;
	v0 =	vshra.s32 v2, $0x1;
	v2 =	vld [tilespmem:$0xF80]  }
0x4e: {  	[tilespmem:$0x1E04] =	vst v0;
	v0 =	vshra.s32 v3, $0x1;
	v3 =	vld [tilespmem:$0xF84]  }
0x4f: {  	[tilespmem:$0x1E80] =	vst v0;
	v0 =	vshra.s32 v58, $0x1  }
0x50: {  	[tilespmem:$0x1E84] =	vst v0;
	v0 =	vshra.s32 v59, $0x1  }
0x51: {  	[tilespmem:$0x1F00] =	vst v0;
	v0 =	vshra.s32 v1, $0x1  }
0x52: {  	[tilespmem:$0x1F04] =	vst v0;
	v0 =	vshra.s32 v2, $0x1  }
0x53: {  	[tilespmem:$0x1F80] =	vst v0;
	v0 =	vshra.s32 v3, $0x1  }
0x54: {  	s21 =	simm.s32 $0x1000;
	s1 =	simm.s32 $0x2000;
	[tilespmem:$0x1F84] =	vst v0  }
0x55: {  	[tilespmem:s1], [sflag:$0x1] =	stream.indirect.gather [hbm4b:s3+s8], $0x80, s21, s8, $0xb8;
	[tilespmem:$0x1B000] =	vst v63  }
0x56: {  	s22 =	simm.s32 $0x1080;
	s23 =	simm.s32 $0x2C00  }
0x57: {  	[tilespmem:s23], [sflag:$0x1] =	stream.indirect.gather [hbm4b:s3+s8], $0x80, s22, s8, $0xb8;
	[tilespmem:$0x1B000] =	vst v63  }
0x58: {  	s24 =	simm.s32 $0x1100;
	s26 =	simm.s32 $0x3800  }
0x59: {  	[tilespmem:s26], [sflag:$0x1] =	stream.indirect.gather [hbm4b:s3+s8], $0x80, s24, s8, $0xb8;
	[tilespmem:$0x1B000] =	vst v63  }
0x5a: {  	s2 =	simm.s32 $0x4400;
	s1 =	simm.s32 $0x1180  }
0x5b: {  	[tilespmem:s2], [sflag:$0x1] =	stream.indirect.gather [hbm4b:s3+s8], $0x80, s1, s8, $0xb8;
	[tilespmem:$0x1B000] =	vst v63  }
0x5c: {  	s4 =	simm.s32 $0x1200;
	s9 =	simm.s32 $0x5000  }
0x5d: {  	[tilespmem:s9], [sflag:$0x1] =	stream.indirect.gather [hbm4b:s3+s8], $0x80, s4, s8, $0xb8;
	[tilespmem:$0x1B000] =	vst v63  }
0x5e: {  	s10 =	simm.s32 $0x1280;
	s11 =	simm.s32 $0x5C00  }
0x5f: {  	[tilespmem:s11], [sflag:$0x1] =	stream.indirect.gather [hbm4b:s3+s8], $0x80, s10, s8, $0xb8;
	[tilespmem:$0x1B000] =	vst v63  }
0x60: {  	s12 =	simm.s32 $0x1300;
	s13 =	simm.s32 $0x6800  }
0x61: {  	[tilespmem:s13], [sflag:$0x1] =	stream.indirect.gather [hbm4b:s3+s8], $0x80, s12, s8, $0xb8;
	[tilespmem:$0x1B000] =	vst v63  }
0x62: {  	s14 =	simm.s32 $0x1380;
	s15 =	simm.s32 $0x7400  }
0x63: {  	[tilespmem:s15], [sflag:$0x1] =	stream.indirect.gather [hbm4b:s3+s8], $0x80, s14, s8, $0xb8;
	[tilespmem:$0x1B000] =	vst v63  }
0x64: {  	s16 =	simm.s32 $0x1400;
	s17 =	simm.s32 $0x8000  }
0x65: {  	[tilespmem:s17], [sflag:$0x1] =	stream.indirect.gather [hbm4b:s3+s8], $0x80, s16, s8, $0xb8;
	[tilespmem:$0x1B000] =	vst v63  }
0x66: {  	s18 =	simm.s32 $0x1480;
	s19 =	simm.s32 $0x8C00  }
0x67: {  	[tilespmem:s19], [sflag:$0x1] =	stream.indirect.gather [hbm4b:s3+s8], $0x80, s18, s8, $0xb8;
	[tilespmem:$0x1B000] =	vst v63  }
0x68: {  	s20 =	simm.s32 $0x1500;
	s21 =	simm.s32 $0x9800  }
0x69: {  	[tilespmem:s21], [sflag:$0x1] =	stream.indirect.gather [hbm4b:s3+s8], $0x80, s20, s8, $0xb8;
	[tilespmem:$0x1B000] =	vst v63  }
0x6a: {  	s22 =	simm.s32 $0x1580;
	s23 =	simm.s32 $0xA400  }
0x6b: {  	[tilespmem:s23], [sflag:$0x1] =	stream.indirect.gather [hbm4b:s3+s8], $0x80, s22, s8, $0xb8;
	[tilespmem:$0x1B000] =	vst v63  }
0x6c: {  	s24 =	simm.s32 $0x1600;
	s26 =	simm.s32 $0xB000  }
0x6d: {  	[tilespmem:s26], [sflag:$0x1] =	stream.indirect.gather [hbm4b:s3+s8], $0x80, s24, s8, $0xb8;
	[tilespmem:$0x1B000] =	vst v63  }
0x6e: {  	s1 =	simm.s32 $0x1680;
	s2 =	simm.s32 $0xBC00  }
0x6f: {  	[tilespmem:s2], [sflag:$0x1] =	stream.indirect.gather [hbm4b:s3+s8], $0x80, s1, s8, $0xb8;
	[tilespmem:$0x1B000] =	vst v63  }
0x70: {  	s4 =	simm.s32 $0x1700;
	s9 =	simm.s32 $0xC800  }
0x71: {  	[tilespmem:s9], [sflag:$0x1] =	stream.indirect.gather [hbm4b:s3+s8], $0x80, s4, s8, $0xb8;
	[tilespmem:$0x1B000] =	vst v63  }
0x72: {  	s10 =	simm.s32 $0x1780;
	s11 =	simm.s32 $0xD400  }
0x73: {  	[tilespmem:s11], [sflag:$0x1] =	stream.indirect.gather [hbm4b:s3+s8], $0x80, s10, s8, $0xb8;
	[tilespmem:$0x1B000] =	vst v63  }
0x74: {  	s12 =	simm.s32 $0x1800;
	s13 =	simm.s32 $0xE000  }
0x75: {  	[tilespmem:s13], [sflag:$0x1] =	stream.indirect.gather [hbm4b:s3+s8], $0x80, s12, s8, $0xb8;
	[tilespmem:$0x1B000] =	vst v63  }
0x76: {  	s14 =	simm.s32 $0x1880;
	s15 =	simm.s32 $0xEC00  }
0x77: {  	[tilespmem:s15], [sflag:$0x1] =	stream.indirect.gather [hbm4b:s3+s8], $0x80, s14, s8, $0xb8;
	[tilespmem:$0x1B000] =	vst v63  }
0x78: {  	s16 =	simm.s32 $0x1900;
	s17 =	simm.s32 $0xF800  }
0x79: {  	[tilespmem:s17], [sflag:$0x1] =	stream.indirect.gather [hbm4b:s3+s8], $0x80, s16, s8, $0xb8;
	[tilespmem:$0x1B000] =	vst v63  }
0x7a: {  	s18 =	simm.s32 $0x1980;
	s19 =	simm.s32 $0x10400  }
0x7b: {  	[tilespmem:s19], [sflag:$0x1] =	stream.indirect.gather [hbm4b:s3+s8], $0x80, s18, s8, $0xb8;
	[tilespmem:$0x1B000] =	vst v63  }
0x7c: {  	s20 =	simm.s32 $0x1A00;
	s21 =	simm.s32 $0x11000  }
0x7d: {  	[tilespmem:s21], [sflag:$0x1] =	stream.indirect.gather [hbm4b:s3+s8], $0x80, s20, s8, $0xb8;
	[tilespmem:$0x1B000] =	vst v63  }
0x7e: {  	s22 =	simm.s32 $0x1A80;
	s23 =	simm.s32 $0x11C00  }
0x7f: {  	[tilespmem:s23], [sflag:$0x1] =	stream.indirect.gather [hbm4b:s3+s8], $0x80, s22, s8, $0xb8;
	[tilespmem:$0x1B000] =	vst v63  }
0x80: {  	s24 =	simm.s32 $0x1B00;
	s26 =	simm.s32 $0x12800  }
0x81: {  	[tilespmem:s26], [sflag:$0x1] =	stream.indirect.gather [hbm4b:s3+s8], $0x80, s24, s8, $0xb8;
	[tilespmem:$0x1B000] =	vst v63  }
0x82: {  	s2 =	simm.s32 $0x1B80;
	s4 =	simm.s32 $0x13400  }
0x83: {  	[tilespmem:s4], [sflag:$0x1] =	stream.indirect.gather [hbm4b:s3+s8], $0x80, s2, s8, $0xb8;
	[tilespmem:$0x1B000] =	vst v63  }
0x84: {  	s9 =	simm.s32 $0x1C00;
	s10 =	simm.s32 $0x14000  }
0x85: {  	[tilespmem:s10], [sflag:$0x1] =	stream.indirect.gather [hbm4b:s3+s8], $0x80, s9, s8, $0xb8;
	[tilespmem:$0x1B000] =	vst v63  }
0x86: {  	s11 =	simm.s32 $0x1C80;
	s12 =	simm.s32 $0x14C00  }
0x87: {  	[tilespmem:s12], [sflag:$0x1] =	stream.indirect.gather [hbm4b:s3+s8], $0x80, s11, s8, $0xb8;
	[tilespmem:$0x1B000] =	vst v63  }
0x88: {  	s13 =	simm.s32 $0x1D00;
	s14 =	simm.s32 $0x15800  }
0x89: {  	[tilespmem:s14], [sflag:$0x1] =	stream.indirect.gather [hbm4b:s3+s8], $0x80, s13, s8, $0xb8;
	[tilespmem:$0x1B000] =	vst v63  }
0x8a: {  	s15 =	simm.s32 $0x1D80;
	s16 =	simm.s32 $0x16400  }
0x8b: {  	[tilespmem:s16], [sflag:$0x1] =	stream.indirect.gather [hbm4b:s3+s8], $0x80, s15, s8, $0xb8;
	[tilespmem:$0x1B000] =	vst v63  }
0x8c: {  	s17 =	simm.s32 $0x1E00;
	s18 =	simm.s32 $0x17000  }
0x8d: {  	[tilespmem:s18], [sflag:$0x1] =	stream.indirect.gather [hbm4b:s3+s8], $0x80, s17, s8, $0xb8;
	[tilespmem:$0x1B000] =	vst v63  }
0x8e: {  	s19 =	simm.s32 $0x1E80;
	s20 =	simm.s32 $0x17C00  }
0x8f: {  	[tilespmem:s20], [sflag:$0x1] =	stream.indirect.gather [hbm4b:s3+s8], $0x80, s19, s8, $0xb8;
	[tilespmem:$0x1B000] =	vst v63  }
0x90: {  	s21 =	simm.s32 $0x1F00;
	s22 =	simm.s32 $0x18800  }
0x91: {  	[tilespmem:s22], [sflag:$0x1] =	stream.indirect.gather [hbm4b:s3+s8], $0x80, s21, s8, $0xb8;
	[tilespmem:$0x1B000] =	vst v63  }
0x92: {  	s23 =	simm.s32 $0x1F80;
	s24 =	simm.s32 $0x19400  }
0x93: {  	[tilespmem:s24], [sflag:$0x1] =	stream.indirect.gather [hbm4b:s3+s8], $0x80, s23, s8, $0xb8;
	[tilespmem:$0x1B000] =	vst v63  }
0x94: {  	_ =	swait.ge [sflag:s25], $0xA00  }
0x95: {  	[sflag:s25] =	ssyncset.done $0x0  }
0x96: {  	[sflag:s25] =	ssyncadd.s32 $0xFFFFF600  }
0x97: {  	_ =	swait.ge [sflag:s25], $0xA00  }
0x98: {  	[sflag:s25] =	ssyncset.done $0x0  }
0x99: {  	[sflag:s25] =	ssyncadd.s32 $0xFFFFF600  }
0x9a: {  	_ =	swait.ge [sflag:s25], $0xA00  }
0x9b: {  	[sflag:s25] =	ssyncset.done $0x0  }
0x9c: {  	[sflag:s25] =	ssyncadd.s32 $0xFFFFF600  }
0x9d: {  	_ =	swait.ge [sflag:s25], $0xA00  }
0x9e: {  	[sflag:s25] =	ssyncset.done $0x0  }
0x9f: {  	[sflag:s25] =	ssyncadd.s32 $0xFFFFF600  }
0xa0: {  	_ =	swait.ge [sflag:s25], $0xA00  }
0xa1: {  	[sflag:s25] =	ssyncset.done $0x0  }
0xa2: {  	[sflag:s25] =	ssyncadd.s32 $0xFFFFF600  }
0xa3: {  	_ =	swait.ge [sflag:s25], $0xA00  }
0xa4: {  	[sflag:s25] =	ssyncset.done $0x0  }
0xa5: {  	[sflag:s25] =	ssyncadd.s32 $0xFFFFF600  }
0xa6: {  	_ =	swait.ge [sflag:s25], $0xA00  }
0xa7: {  	[sflag:s25] =	ssyncset.done $0x0  }
0xa8: {  	[sflag:s25] =	ssyncadd.s32 $0xFFFFF600  }
0xa9: {  	_ =	swait.ge [sflag:s25], $0xA00  }
0xaa: {  	[sflag:s25] =	ssyncset.done $0x0  }
0xab: {  	[sflag:s25] =	ssyncadd.s32 $0xFFFFF600  }
0xac: {  	_ =	swait.ge [sflag:s25], $0xA00  }
0xad: {  	[sflag:s25] =	ssyncset.done $0x0  }
0xae: {  	[sflag:s25] =	ssyncadd.s32 $0xFFFFF600  }
0xaf: {  	_ =	swait.ge [sflag:s25], $0xA00  }
0xb0: {  	[sflag:s25] =	ssyncset.done $0x0  }
0xb1: {  	[sflag:s25] =	ssyncadd.s32 $0xFFFFF600  }
0xb2: {  	_ =	swait.ge [sflag:s25], $0xA00  }
0xb3: {  	[sflag:s25] =	ssyncset.done $0x0  }
0xb4: {  	[sflag:s25] =	ssyncadd.s32 $0xFFFFF600  }
0xb5: {  	_ =	swait.ge [sflag:s25], $0xA00  }
0xb6: {  	[sflag:s25] =	ssyncset.done $0x0  }
0xb7: {  	[sflag:s25] =	ssyncadd.s32 $0xFFFFF600  }
0xb8: {  	_ =	swait.ge [sflag:s25], $0xA00  }
0xb9: {  	[sflag:s25] =	ssyncset.done $0x0  }
0xba: {  	[sflag:s25] =	ssyncadd.s32 $0xFFFFF600  }
0xbb: {  	_ =	swait.ge [sflag:s25], $0xA00  }
0xbc: {  	[sflag:s25] =	ssyncset.done $0x0  }
0xbd: {  	[sflag:s25] =	ssyncadd.s32 $0xFFFFF600  }
0xbe: {  	_ =	swait.ge [sflag:s25], $0xA00  }
0xbf: {  	[sflag:s25] =	ssyncset.done $0x0  }
0xc0: {  	[sflag:s25] =	ssyncadd.s32 $0xFFFFF600  }
0xc1: {  	_ =	swait.ge [sflag:s25], $0xA00  }
0xc2: {  	[sflag:s25] =	ssyncset.done $0x0  }
0xc3: {  	[sflag:s25] =	ssyncadd.s32 $0xFFFFF600  }
0xc4: {  	_ =	swait.ge [sflag:s25], $0xA00  }
0xc5: {  	[sflag:s25] =	ssyncset.done $0x0  }
0xc6: {  	[sflag:s25] =	ssyncadd.s32 $0xFFFFF600  }
0xc7: {  	_ =	swait.ge [sflag:s25], $0xA00  }
0xc8: {  	[sflag:s25] =	ssyncset.done $0x0  }
0xc9: {  	[sflag:s25] =	ssyncadd.s32 $0xFFFFF600  }
0xca: {  	_ =	swait.ge [sflag:s25], $0xA00  }
0xcb: {  	[sflag:s25] =	ssyncset.done $0x0  }
0xcc: {  	[sflag:s25] =	ssyncadd.s32 $0xFFFFF600  }
0xcd: {  	_ =	swait.ge [sflag:s25], $0xA00  }
0xce: {  	[sflag:s25] =	ssyncset.done $0x0  }
0xcf: {  	[sflag:s25] =	ssyncadd.s32 $0xFFFFF600  }
0xd0: {  	_ =	swait.ge [sflag:s25], $0xA00  }
0xd1: {  	[sflag:s25] =	ssyncset.done $0x0  }
0xd2: {  	[sflag:s25] =	ssyncadd.s32 $0xFFFFF600  }
0xd3: {  	_ =	swait.ge [sflag:s25], $0xA00  }
0xd4: {  	[sflag:s25] =	ssyncset.done $0x0  }
0xd5: {  	[sflag:s25] =	ssyncadd.s32 $0xFFFFF600  }
0xd6: {  	_ =	swait.ge [sflag:s25], $0xA00  }
0xd7: {  	[sflag:s25] =	ssyncset.done $0x0  }
0xd8: {  	[sflag:s25] =	ssyncadd.s32 $0xFFFFF600  }
0xd9: {  	_ =	swait.ge [sflag:s25], $0xA00  }
0xda: {  	[sflag:s25] =	ssyncset.done $0x0  }
0xdb: {  	[sflag:s25] =	ssyncadd.s32 $0xFFFFF600  }
0xdc: {  	_ =	swait.ge [sflag:s25], $0xA00  }
0xdd: {  	[sflag:s25] =	ssyncset.done $0x0  }
0xde: {  	[sflag:s25] =	ssyncadd.s32 $0xFFFFF600  }
0xdf: {  	_ =	swait.ge [sflag:s25], $0xA00  }
0xe0: {  	[sflag:s25] =	ssyncset.done $0x0  }
0xe1: {  	[sflag:s25] =	ssyncadd.s32 $0xFFFFF600  }
0xe2: {  	_ =	swait.ge [sflag:s25], $0xA00  }
0xe3: {  	[sflag:s25] =	ssyncset.done $0x0  }
0xe4: {  	[sflag:s25] =	ssyncadd.s32 $0xFFFFF600  }
0xe5: {  	_ =	swait.ge [sflag:s25], $0xA00  }
0xe6: {  	[sflag:s25] =	ssyncset.done $0x0  }
0xe7: {  	[sflag:s25] =	ssyncadd.s32 $0xFFFFF600  }
0xe8: {  	_ =	swait.ge [sflag:s25], $0xA00  }
0xe9: {  	[sflag:s25] =	ssyncset.done $0x0  }
0xea: {  	[sflag:s25] =	ssyncadd.s32 $0xFFFFF600  }
0xeb: {  	_ =	swait.ge [sflag:s25], $0xA00  }
0xec: {  	[sflag:s25] =	ssyncset.done $0x0  }
0xed: {  	[sflag:s25] =	ssyncadd.s32 $0xFFFFF600  }
0xee: {  	_ =	swait.ge [sflag:s25], $0xA00  }
0xef: {  	[sflag:s25] =	ssyncset.done $0x0  }
0xf0: {  	[sflag:s25] =	ssyncadd.s32 $0xFFFFF600  }
0xf1: {  	_ =	swait.ge [sflag:s25], $0xA00  }
0xf2: {  	[sflag:s25] =	ssyncset.done $0x0  }
0xf3: {  	s29 =	simm.s32 $0x4;
	[sflag:s25] =	ssyncadd.s32 $0xFFFFF600  }
0xf4: {  	v0 =	vld [tilespmem:s29+$0xFFFFFFFC];
	_ =	sdelay $0x4  }
0xf5: {  	v0 =	vshll.u32 v0, $0x6  }
0xf6: {  	s13 =	simm.s32 $0x0;
	v0 =	vand.u32 $0x40, v0  }
0xf7: {  	v0 =	vadd.s32 s13, v0  }
0xf8: {  	(v2sf) =	vpush v0, $0x1  }
0xf9: {  	(v2sf) =	vpush v0, $0x0;
	_ =	sdelay $0x1  }
0xfa: {  	(v2sf) =	vpush v0, $0x2;
	_ =	sdelay $0x1  }
0xfb: {  	(v2sf) =	vpush v0, $0x3;
	_ =	sdelay $0x1  }
0xfc: {  	(v2sf) =	vpush v0, $0x4;
	_ =	sdelay $0x1  }
0xfd: {  	(v2sf) =	vpush v0, $0x5;
	_ =	sdelay $0x1  }
0xfe: {  	(v2sf) =	vpush v0, $0x6;
	_ =	sdelay $0x1  }
0xff: {  	(v2sf) =	vpush v0, $0x7;
	_ =	sdelay $0x1  }
0x100: {  	(v2sf) =	vpush v0, $0x8;
	s0 =	spop (v2sf)  }
0x101: {  	v1 =	vld [tilespmem:s0+$0x2080];
	s1 =	spop (v2sf)  }
0x102: {  	(v2sf) =	vpush v0, $0x9;
	v2 =	vld [tilespmem:s1+$0x2000]  }
0x103: {  	s2 =	spop (v2sf)  }
0x104: {  	(v2sf) =	vpush v0, $0xA;
	v3 =	vld [tilespmem:s2+$0x2100]  }
0x105: {  	s4 =	spop (v2sf)  }
0x106: {  	(v2sf) =	vpush v0, $0xB;
	v60 =	vld [tilespmem:s4+$0x2180]  }
0x107: {  	v61 =	vld [tilespmem:s29+$0x0];
	s9 =	spop (v2sf);
	v1 =	vadd.f32 v1, v2  }
0x108: {  	(v2sf) =	vpush v0, $0xC;
	v2 =	vld [tilespmem:s9+$0x2200]  }
0x109: {  	s10 =	spop (v2sf);
	v1 =	vadd.f32 v3, v1  }
0x10a: {  	(v2sf) =	vpush v0, $0xD;
	v3 =	vld [tilespmem:s10+$0x2280]  }
0x10b: {  	s11 =	spop (v2sf);
	v1 =	vadd.f32 v60, v1  }
0x10c: {  	v62 =	vshll.u32 v61, $0x6;
	(v2sf) =	vpush v0, $0xE;
	v63 =	vld [tilespmem:s11+$0x2300]  }
0x10d: {  	v4 =	vand.u32 $0x40, v62;
	s12 =	spop (v2sf);
	v1 =	vadd.f32 v2, v1  }
0x10e: {  	v4 =	vadd.s32 s13, v4;
	(v2sf) =	vpush v0, $0xF;
	v2 =	vld [tilespmem:s12+$0x2380]  }
0x10f: {  	s26 =	spop (v2sf);
	(v2sf) =	vpush v4, $0xE;
	v0 =	vadd.f32 v3, v1  }
0x110: {  	(v2sf) =	vpush v4, $0xC;
	v1 =	vld [tilespmem:s26+$0x2400]  }
0x111: {  	s14 =	spop (v2sf);
	v0 =	vadd.f32 v63, v0  }
0x112: {  	(v2sf) =	vpush v4, $0xD;
	v3 =	vld [tilespmem:s14+$0x2480]  }
0x113: {  	s15 =	spop (v2sf);
	v0 =	vadd.f32 v2, v0  }
0x114: {  	v2 =	vld [tilespmem:s15+$0x2500]  }
0x115: {  	s16 =	spop (v2sf);
	v0 =	vadd.f32 v1, v0  }
0x116: {  	(v2sf) =	vpush v4, $0xF;
	v1 =	vld [tilespmem:s16+$0x2580]  }
0x117: {  	s18 =	spop (v2sf);
	v0 =	vadd.f32 v3, v0  }
0x118: {  	v3 =	vld [tilespmem:s18+$0x2600]  }
0x119: {  	s19 =	spop (v2sf);
	v0 =	vadd.f32 v2, v0  }
0x11a: {  	v2 =	vld [tilespmem:s19+$0x2680]  }
0x11b: {  	s20 =	spop (v2sf);
	v0 =	vadd.f32 v1, v0  }
0x11c: {  	v1 =	vld [tilespmem:s20+$0x2700]  }
0x11d: {  	s21 =	spop (v2sf);
	v0 =	vadd.f32 v3, v0  }
0x11e: {  	s17 =	spop (v2sf);
	v3 =	vld [tilespmem:s21+$0x2780]  }
0x11f: {  	s22 =	spop (v2sf);
	v0 =	vadd.f32 v2, v0  }
0x120: {  	v2 =	vld [tilespmem:s22+$0x2800]  }
0x121: {  	s23 =	spop (v2sf);
	v0 =	vadd.f32 v1, v0  }
0x122: {  	v1 =	vld [tilespmem:s23+$0x2880]  }
0x123: {  	v0 =	vadd.f32 v3, v0  }
0x124: {  	v3 =	vld [tilespmem:s17+$0x2900]  }
0x125: {  	s24 =	spop (v2sf);
	v0 =	vadd.f32 v2, v0  }
0x126: {  	v2 =	vld [tilespmem:s24+$0x2980]  }
0x127: {  	v0 =	vadd.f32 v1, v0;
	_ =	sdelay $0x1  }
0x128: {  	v0 =	vadd.f32 v3, v0;
	_ =	sdelay $0x1  }
0x129: {  	v0 =	vadd.f32 v2, v0  }
0x12a: {  	s30 =	simm.s32 $0x1A020  }
0x12b: {  	[tilespmem:s30+$0xFFFFFFE0] =	vst v0  }
0x12c: {  	v0 =	vld [tilespmem:s1+$0x2010]  }
0x12d: {  	v1 =	vld [tilespmem:s0+$0x2090];
	_ =	sdelay $0x1  }
0x12e: {  	v2 =	vld [tilespmem:s2+$0x2110];
	_ =	sdelay $0x1  }
0x12f: {  	v3 =	vld [tilespmem:s4+$0x2190]  }
0x130: {  	v0 =	vadd.f32 v1, v0  }
0x131: {  	v1 =	vld [tilespmem:s9+$0x2210]  }
0x132: {  	v0 =	vadd.f32 v2, v0  }
0x133: {  	v2 =	vld [tilespmem:s10+$0x2290]  }
0x134: {  	v0 =	vadd.f32 v3, v0  }
0x135: {  	v3 =	vld [tilespmem:s11+$0x2310]  }
0x136: {  	v0 =	vadd.f32 v1, v0  }
0x137: {  	v1 =	vld [tilespmem:s12+$0x2390]  }
0x138: {  	v0 =	vadd.f32 v2, v0  }
0x139: {  	v2 =	vld [tilespmem:s26+$0x2410]  }
0x13a: {  	v0 =	vadd.f32 v3, v0  }
0x13b: {  	v3 =	vld [tilespmem:s14+$0x2490]  }
0x13c: {  	v0 =	vadd.f32 v1, v0  }
0x13d: {  	v1 =	vld [tilespmem:s15+$0x2510]  }
0x13e: {  	v0 =	vadd.f32 v2, v0  }
0x13f: {  	v2 =	vld [tilespmem:s16+$0x2590]  }
0x140: {  	v0 =	vadd.f32 v3, v0  }
0x141: {  	v3 =	vld [tilespmem:s18+$0x2610]  }
0x142: {  	v0 =	vadd.f32 v1, v0  }
0x143: {  	v1 =	vld [tilespmem:s19+$0x2690]  }
0x144: {  	v0 =	vadd.f32 v2, v0  }
0x145: {  	v2 =	vld [tilespmem:s20+$0x2710]  }
0x146: {  	v0 =	vadd.f32 v3, v0  }
0x147: {  	v3 =	vld [tilespmem:s21+$0x2790]  }
0x148: {  	v0 =	vadd.f32 v1, v0  }
0x149: {  	v1 =	vld [tilespmem:s22+$0x2810]  }
0x14a: {  	v0 =	vadd.f32 v2, v0  }
0x14b: {  	v2 =	vld [tilespmem:s23+$0x2890]  }
0x14c: {  	v0 =	vadd.f32 v3, v0  }
0x14d: {  	v3 =	vld [tilespmem:s17+$0x2910]  }
0x14e: {  	v0 =	vadd.f32 v1, v0  }
0x14f: {  	v1 =	vld [tilespmem:s24+$0x2990]  }
0x150: {  	v0 =	vadd.f32 v2, v0;
	_ =	sdelay $0x1  }
0x151: {  	v0 =	vadd.f32 v3, v0;
	_ =	sdelay $0x1  }
0x152: {  	v0 =	vadd.f32 v1, v0;
	_ =	sdelay $0x1  }
0x153: {  	[tilespmem:s30+$0xFFFFFFF0] =	vst v0  }
0x154: {  	v0 =	vld [tilespmem:s1+$0x2020]  }
0x155: {  	v1 =	vld [tilespmem:s0+$0x20A0];
	_ =	sdelay $0x1  }
0x156: {  	v2 =	vld [tilespmem:s2+$0x2120];
	_ =	sdelay $0x1  }
0x157: {  	v3 =	vld [tilespmem:s4+$0x21A0]  }
0x158: {  	v0 =	vadd.f32 v1, v0  }
0x159: {  	v1 =	vld [tilespmem:s9+$0x2220]  }
0x15a: {  	v0 =	vadd.f32 v2, v0  }
0x15b: {  	v2 =	vld [tilespmem:s10+$0x22A0]  }
0x15c: {  	v0 =	vadd.f32 v3, v0  }
0x15d: {  	v3 =	vld [tilespmem:s11+$0x2320]  }
0x15e: {  	v0 =	vadd.f32 v1, v0  }
0x15f: {  	v1 =	vld [tilespmem:s12+$0x23A0]  }
0x160: {  	v0 =	vadd.f32 v2, v0  }
0x161: {  	v2 =	vld [tilespmem:s26+$0x2420]  }
0x162: {  	v0 =	vadd.f32 v3, v0  }
0x163: {  	v3 =	vld [tilespmem:s14+$0x24A0]  }
0x164: {  	v0 =	vadd.f32 v1, v0  }
0x165: {  	v1 =	vld [tilespmem:s15+$0x2520]  }
0x166: {  	v0 =	vadd.f32 v2, v0  }
0x167: {  	v2 =	vld [tilespmem:s16+$0x25A0]  }
0x168: {  	v0 =	vadd.f32 v3, v0  }
0x169: {  	v3 =	vld [tilespmem:s18+$0x2620]  }
0x16a: {  	v0 =	vadd.f32 v1, v0  }
0x16b: {  	v1 =	vld [tilespmem:s19+$0x26A0]  }
0x16c: {  	v0 =	vadd.f32 v2, v0  }
0x16d: {  	v2 =	vld [tilespmem:s20+$0x2720]  }
0x16e: {  	v0 =	vadd.f32 v3, v0  }
0x16f: {  	v3 =	vld [tilespmem:s21+$0x27A0]  }
0x170: {  	v0 =	vadd.f32 v1, v0  }
0x171: {  	v1 =	vld [tilespmem:s22+$0x2820]  }
0x172: {  	v0 =	vadd.f32 v2, v0  }
0x173: {  	v2 =	vld [tilespmem:s23+$0x28A0]  }
0x174: {  	v0 =	vadd.f32 v3, v0  }
0x175: {  	v3 =	vld [tilespmem:s17+$0x2920]  }
0x176: {  	v0 =	vadd.f32 v1, v0  }
0x177: {  	v1 =	vld [tilespmem:s24+$0x29A0]  }
0x178: {  	v0 =	vadd.f32 v2, v0;
	_ =	sdelay $0x1  }
0x179: {  	v0 =	vadd.f32 v3, v0;
	_ =	sdelay $0x1  }
0x17a: {  	v0 =	vadd.f32 v1, v0;
	_ =	sdelay $0x1  }
0x17b: {  	[tilespmem:s30+$0x0] =	vst v0  }
0x17c: {  	v0 =	vld [tilespmem:s1+$0x2030]  }
0x17d: {  	v1 =	vld [tilespmem:s0+$0x20B0];
	_ =	sdelay $0x1  }
0x17e: {  	v2 =	vld [tilespmem:s2+$0x2130];
	_ =	sdelay $0x1  }
0x17f: {  	v3 =	vld [tilespmem:s4+$0x21B0]  }
0x180: {  	v0 =	vadd.f32 v1, v0  }
0x181: {  	v1 =	vld [tilespmem:s9+$0x2230]  }
0x182: {  	v0 =	vadd.f32 v2, v0  }
0x183: {  	v2 =	vld [tilespmem:s10+$0x22B0]  }
0x184: {  	v0 =	vadd.f32 v3, v0  }
0x185: {  	v3 =	vld [tilespmem:s11+$0x2330]  }
0x186: {  	v0 =	vadd.f32 v1, v0  }
0x187: {  	v1 =	vld [tilespmem:s12+$0x23B0]  }
0x188: {  	v0 =	vadd.f32 v2, v0  }
0x189: {  	v2 =	vld [tilespmem:s26+$0x2430]  }
0x18a: {  	v0 =	vadd.f32 v3, v0  }
0x18b: {  	v3 =	vld [tilespmem:s14+$0x24B0]  }
0x18c: {  	v0 =	vadd.f32 v1, v0  }
0x18d: {  	v1 =	vld [tilespmem:s15+$0x2530]  }
0x18e: {  	v0 =	vadd.f32 v2, v0  }
0x18f: {  	v2 =	vld [tilespmem:s16+$0x25B0]  }
0x190: {  	v0 =	vadd.f32 v3, v0  }
0x191: {  	v3 =	vld [tilespmem:s18+$0x2630]  }
0x192: {  	v0 =	vadd.f32 v1, v0  }
0x193: {  	v1 =	vld [tilespmem:s19+$0x26B0]  }
0x194: {  	v0 =	vadd.f32 v2, v0  }
0x195: {  	v2 =	vld [tilespmem:s20+$0x2730]  }
0x196: {  	v0 =	vadd.f32 v3, v0  }
0x197: {  	v3 =	vld [tilespmem:s21+$0x27B0]  }
0x198: {  	v0 =	vadd.f32 v1, v0  }
0x199: {  	v1 =	vld [tilespmem:s22+$0x2830]  }
0x19a: {  	v0 =	vadd.f32 v2, v0;
	_ =	sdelay $0x1  }
0x19b: {  	v2 =	vld [tilespmem:s23+$0x28B0];
	v0 =	vadd.f32 v3, v0;
	_ =	sdelay $0x1  }
0x19c: {  	v3 =	vadd.f32 v1, v0;
	v1 =	vld [tilespmem:s17+$0x2930];
	_ =	sdelay $0x1  }
0x19d: {  	v0 =	vld [tilespmem:s24+$0x29B0]  }
0x19e: {  	s31 =	simm.s32 $0x3000;
	s0 =	simm.s32 $0x1A020;
	v2 =	vadd.f32 v2, v3  }
.LBB2_2:
0x19f: {  	p0 =	sne.s32 s31, $0x5D000;
	s30 =	sadd.s32 $0x80, s30;
	s29 =	sadd.s32 $0x80, s29  }
0x1a0: {  	s1 =	smov.u32 s31;
	s31 =	sadd.s32 $0x3000, s31;
	v1 =	vadd.f32 v1, v2;
	_ =	sdelay $0x1  }
0x1a1: {  	v0 =	vadd.f32 v0, v1;
	_ =	sdelay $0x1  }
0x1a2: {  	[tilespmem:s0+$0x10] =	vst v0;
	s0 =	smov.u32 s30  }
0x1a3: {  	v0 =	vld [tilespmem:s29+$0xFFFFFFFC];
	_ =	sdelay $0x4  }
0x1a4: {  	v0 =	vshll.u32 v0, $0x6  }
0x1a5: {  	s2 =	sshra.s32 s1, $0x2;
	v0 =	vand.u32 $0x40, v0  }
0x1a6: {  	v0 =	vadd.s32 s2, v0  }
0x1a7: {  	(v2sf) =	vpush v0, $0x1  }
0x1a8: {  	(v2sf) =	vpush v0, $0x0;
	_ =	sdelay $0x1  }
0x1a9: {  	(v2sf) =	vpush v0, $0x2;
	_ =	sdelay $0x1  }
0x1aa: {  	(v2sf) =	vpush v0, $0x3;
	_ =	sdelay $0x1  }
0x1ab: {  	(v2sf) =	vpush v0, $0x4;
	_ =	sdelay $0x1  }
0x1ac: {  	(v2sf) =	vpush v0, $0x5;
	_ =	sdelay $0x1  }
0x1ad: {  	(v2sf) =	vpush v0, $0x6;
	_ =	sdelay $0x1  }
0x1ae: {  	(v2sf) =	vpush v0, $0x7;
	_ =	sdelay $0x1  }
0x1af: {  	s1 =	spop (v2sf);
	(v2sf) =	vpush v0, $0x8  }
0x1b0: {  	v1 =	vld [tilespmem:s1+$0x2080];
	s9 =	spop (v2sf)  }
0x1b1: {  	v2 =	vld [tilespmem:s9+$0x2000];
	(v2sf) =	vpush v0, $0x9  }
0x1b2: {  	s10 =	spop (v2sf)  }
0x1b3: {  	v3 =	vld [tilespmem:s10+$0x2100];
	(v2sf) =	vpush v0, $0xA  }
0x1b4: {  	s11 =	spop (v2sf)  }
0x1b5: {  	v4 =	vld [tilespmem:s11+$0x2180];
	(v2sf) =	vpush v0, $0xB  }
0x1b6: {  	v5 =	vld [tilespmem:s29+$0x0];
	v1 =	vadd.f32 v1, v2;
	s12 =	spop (v2sf)  }
0x1b7: {  	v2 =	vld [tilespmem:s12+$0x2200];
	(v2sf) =	vpush v0, $0xC  }
0x1b8: {  	v1 =	vadd.f32 v3, v1;
	s13 =	spop (v2sf)  }
0x1b9: {  	v3 =	vld [tilespmem:s13+$0x2280];
	(v2sf) =	vpush v0, $0xD  }
0x1ba: {  	v1 =	vadd.f32 v4, v1;
	s14 =	spop (v2sf)  }
0x1bb: {  	v4 =	vshll.u32 v5, $0x6;
	v5 =	vld [tilespmem:s14+$0x2300];
	(v2sf) =	vpush v0, $0xE  }
0x1bc: {  	v4 =	vand.u32 $0x40, v4;
	v1 =	vadd.f32 v2, v1;
	s15 =	spop (v2sf)  }
0x1bd: {  	v2 =	vld [tilespmem:s15+$0x2380];
	v4 =	vadd.s32 s2, v4;
	(v2sf) =	vpush v0, $0xF  }
0x1be: {  	v0 =	vadd.f32 v3, v1;
	s16 =	spop (v2sf);
	(v2sf) =	vpush v4, $0xE  }
0x1bf: {  	v1 =	vld [tilespmem:s16+$0x2400];
	(v2sf) =	vpush v4, $0xC  }
0x1c0: {  	v0 =	vadd.f32 v5, v0;
	s17 =	spop (v2sf)  }
0x1c1: {  	v3 =	vld [tilespmem:s17+$0x2480];
	(v2sf) =	vpush v4, $0xD  }
0x1c2: {  	v0 =	vadd.f32 v2, v0;
	s18 =	spop (v2sf)  }
0x1c3: {  	v2 =	vld [tilespmem:s18+$0x2500]  }
0x1c4: {  	v0 =	vadd.f32 v1, v0;
	s19 =	spop (v2sf)  }
0x1c5: {  	v1 =	vld [tilespmem:s19+$0x2580];
	(v2sf) =	vpush v4, $0xF  }
0x1c6: {  	v0 =	vadd.f32 v3, v0;
	s20 =	spop (v2sf)  }
0x1c7: {  	v3 =	vld [tilespmem:s20+$0x2600]  }
0x1c8: {  	v0 =	vadd.f32 v2, v0;
	s21 =	spop (v2sf)  }
0x1c9: {  	v2 =	vld [tilespmem:s21+$0x2680]  }
0x1ca: {  	v0 =	vadd.f32 v1, v0;
	s23 =	spop (v2sf)  }
0x1cb: {  	v1 =	vld [tilespmem:s23+$0x2700]  }
0x1cc: {  	v0 =	vadd.f32 v3, v0;
	s24 =	spop (v2sf)  }
0x1cd: {  	v3 =	vld [tilespmem:s24+$0x2780];
	s22 =	spop (v2sf)  }
0x1ce: {  	v0 =	vadd.f32 v2, v0;
	s26 =	spop (v2sf)  }
0x1cf: {  	v2 =	vld [tilespmem:s26+$0x2800]  }
0x1d0: {  	v0 =	vadd.f32 v1, v0;
	s2 =	spop (v2sf)  }
0x1d1: {  	v1 =	vld [tilespmem:s2+$0x2880]  }
0x1d2: {  	v0 =	vadd.f32 v3, v0  }
0x1d3: {  	v3 =	vld [tilespmem:s22+$0x2900]  }
0x1d4: {  	v0 =	vadd.f32 v2, v0;
	s4 =	spop (v2sf)  }
0x1d5: {  	v2 =	vld [tilespmem:s4+$0x2980]  }
0x1d6: {  	v0 =	vadd.f32 v1, v0;
	_ =	sdelay $0x1  }
0x1d7: {  	v0 =	vadd.f32 v3, v0;
	_ =	sdelay $0x1  }
0x1d8: {  	v0 =	vadd.f32 v2, v0;
	_ =	sdelay $0x1  }
0x1d9: {  	[tilespmem:s30+$0xFFFFFFE0] =	vst v0  }
0x1da: {  	v0 =	vld [tilespmem:s9+$0x2010]  }
0x1db: {  	v1 =	vld [tilespmem:s1+$0x2090];
	_ =	sdelay $0x1  }
0x1dc: {  	v2 =	vld [tilespmem:s10+$0x2110];
	_ =	sdelay $0x1  }
0x1dd: {  	v3 =	vld [tilespmem:s11+$0x2190]  }
0x1de: {  	v0 =	vadd.f32 v1, v0  }
0x1df: {  	v1 =	vld [tilespmem:s12+$0x2210]  }
0x1e0: {  	v0 =	vadd.f32 v2, v0  }
0x1e1: {  	v2 =	vld [tilespmem:s13+$0x2290]  }
0x1e2: {  	v0 =	vadd.f32 v3, v0  }
0x1e3: {  	v3 =	vld [tilespmem:s14+$0x2310]  }
0x1e4: {  	v0 =	vadd.f32 v1, v0  }
0x1e5: {  	v1 =	vld [tilespmem:s15+$0x2390]  }
0x1e6: {  	v0 =	vadd.f32 v2, v0  }
0x1e7: {  	v2 =	vld [tilespmem:s16+$0x2410]  }
0x1e8: {  	v0 =	vadd.f32 v3, v0  }
0x1e9: {  	v3 =	vld [tilespmem:s17+$0x2490]  }
0x1ea: {  	v0 =	vadd.f32 v1, v0  }
0x1eb: {  	v1 =	vld [tilespmem:s18+$0x2510]  }
0x1ec: {  	v0 =	vadd.f32 v2, v0  }
0x1ed: {  	v2 =	vld [tilespmem:s19+$0x2590]  }
0x1ee: {  	v0 =	vadd.f32 v3, v0  }
0x1ef: {  	v3 =	vld [tilespmem:s20+$0x2610]  }
0x1f0: {  	v0 =	vadd.f32 v1, v0  }
0x1f1: {  	v1 =	vld [tilespmem:s21+$0x2690]  }
0x1f2: {  	v0 =	vadd.f32 v2, v0  }
0x1f3: {  	v2 =	vld [tilespmem:s23+$0x2710]  }
0x1f4: {  	v0 =	vadd.f32 v3, v0  }
0x1f5: {  	v3 =	vld [tilespmem:s24+$0x2790]  }
0x1f6: {  	v0 =	vadd.f32 v1, v0  }
0x1f7: {  	v1 =	vld [tilespmem:s26+$0x2810]  }
0x1f8: {  	v0 =	vadd.f32 v2, v0  }
0x1f9: {  	v2 =	vld [tilespmem:s2+$0x2890]  }
0x1fa: {  	v0 =	vadd.f32 v3, v0  }
0x1fb: {  	v3 =	vld [tilespmem:s22+$0x2910]  }
0x1fc: {  	v0 =	vadd.f32 v1, v0  }
0x1fd: {  	v1 =	vld [tilespmem:s4+$0x2990]  }
0x1fe: {  	v0 =	vadd.f32 v2, v0;
	_ =	sdelay $0x1  }
0x1ff: {  	v0 =	vadd.f32 v3, v0;
	_ =	sdelay $0x1  }
0x200: {  	v0 =	vadd.f32 v1, v0;
	_ =	sdelay $0x1  }
0x201: {  	[tilespmem:s30+$0xFFFFFFF0] =	vst v0  }
0x202: {  	v0 =	vld [tilespmem:s9+$0x2020]  }
0x203: {  	v1 =	vld [tilespmem:s1+$0x20A0];
	_ =	sdelay $0x1  }
0x204: {  	v2 =	vld [tilespmem:s10+$0x2120];
	_ =	sdelay $0x1  }
0x205: {  	v3 =	vld [tilespmem:s11+$0x21A0]  }
0x206: {  	v0 =	vadd.f32 v1, v0  }
0x207: {  	v1 =	vld [tilespmem:s12+$0x2220]  }
0x208: {  	v0 =	vadd.f32 v2, v0  }
0x209: {  	v2 =	vld [tilespmem:s13+$0x22A0]  }
0x20a: {  	v0 =	vadd.f32 v3, v0  }
0x20b: {  	v3 =	vld [tilespmem:s14+$0x2320]  }
0x20c: {  	v0 =	vadd.f32 v1, v0  }
0x20d: {  	v1 =	vld [tilespmem:s15+$0x23A0]  }
0x20e: {  	v0 =	vadd.f32 v2, v0  }
0x20f: {  	v2 =	vld [tilespmem:s16+$0x2420]  }
0x210: {  	v0 =	vadd.f32 v3, v0  }
0x211: {  	v3 =	vld [tilespmem:s17+$0x24A0]  }
0x212: {  	v0 =	vadd.f32 v1, v0  }
0x213: {  	v1 =	vld [tilespmem:s18+$0x2520]  }
0x214: {  	v0 =	vadd.f32 v2, v0  }
0x215: {  	v2 =	vld [tilespmem:s19+$0x25A0]  }
0x216: {  	v0 =	vadd.f32 v3, v0  }
0x217: {  	v3 =	vld [tilespmem:s20+$0x2620]  }
0x218: {  	v0 =	vadd.f32 v1, v0  }
0x219: {  	v1 =	vld [tilespmem:s21+$0x26A0]  }
0x21a: {  	v0 =	vadd.f32 v2, v0  }
0x21b: {  	v2 =	vld [tilespmem:s23+$0x2720]  }
0x21c: {  	v0 =	vadd.f32 v3, v0  }
0x21d: {  	v3 =	vld [tilespmem:s24+$0x27A0]  }
0x21e: {  	v0 =	vadd.f32 v1, v0  }
0x21f: {  	v1 =	vld [tilespmem:s26+$0x2820]  }
0x220: {  	v0 =	vadd.f32 v2, v0  }
0x221: {  	v2 =	vld [tilespmem:s2+$0x28A0]  }
0x222: {  	v0 =	vadd.f32 v3, v0  }
0x223: {  	v3 =	vld [tilespmem:s22+$0x2920]  }
0x224: {  	v0 =	vadd.f32 v1, v0  }
0x225: {  	v1 =	vld [tilespmem:s4+$0x29A0]  }
0x226: {  	v0 =	vadd.f32 v2, v0;
	_ =	sdelay $0x1  }
0x227: {  	v0 =	vadd.f32 v3, v0;
	_ =	sdelay $0x1  }
0x228: {  	v0 =	vadd.f32 v1, v0;
	_ =	sdelay $0x1  }
0x229: {  	[tilespmem:s30+$0x0] =	vst v0  }
0x22a: {  	v0 =	vld [tilespmem:s9+$0x2030]  }
0x22b: {  	v1 =	vld [tilespmem:s1+$0x20B0]  }
0x22c: {  	v2 =	vld [tilespmem:s10+$0x2130]  }
0x22d: {  	v3 =	vld [tilespmem:s11+$0x21B0]  }
0x22e: {  	v4 =	vld [tilespmem:s12+$0x2230]  }
0x22f: {  	v5 =	vld [tilespmem:s13+$0x22B0]  }
0x230: {  	v0 =	vadd.f32 v1, v0;
	v1 =	vld [tilespmem:s14+$0x2330]  }
0x231: {  	v6 =	vld [tilespmem:s15+$0x23B0]  }
0x232: {  	v0 =	vadd.f32 v2, v0;
	v2 =	vld [tilespmem:s16+$0x2430]  }
0x233: {  	v7 =	vld [tilespmem:s17+$0x24B0]  }
0x234: {  	v0 =	vadd.f32 v3, v0;
	v3 =	vld [tilespmem:s18+$0x2530]  }
0x235: {  	v8 =	vld [tilespmem:s19+$0x25B0]  }
0x236: {  	v0 =	vadd.f32 v4, v0;
	v4 =	vld [tilespmem:s20+$0x2630]  }
0x237: {  	v9 =	vld [tilespmem:s21+$0x26B0]  }
0x238: {  	v0 =	vadd.f32 v5, v0;
	v5 =	vld [tilespmem:s23+$0x2730]  }
0x239: {  	v10 =	vld [tilespmem:s24+$0x27B0]  }
0x23a: {  	v0 =	vadd.f32 v1, v0;
	v11 =	vld [tilespmem:s26+$0x2830]  }
0x23b: {  	v12 =	vld [tilespmem:s2+$0x28B0]  }
0x23c: {  	v6 =	vadd.f32 v6, v0;
	v1 =	vld [tilespmem:s22+$0x2930]  }
0x23d: {  	v0 =	vld [tilespmem:s4+$0x29B0]  }
0x23e: {  	v2 =	vadd.f32 v2, v6;
	_ =	sdelay $0x1  }
0x23f: {  	v2 =	vadd.f32 v7, v2;
	_ =	sdelay $0x1  }
0x240: {  	v2 =	vadd.f32 v3, v2;
	_ =	sdelay $0x1  }
0x241: {  	v2 =	vadd.f32 v8, v2;
	_ =	sdelay $0x1  }
0x242: {  	v2 =	vadd.f32 v4, v2;
	_ =	sdelay $0x1  }
0x243: {  	v2 =	vadd.f32 v9, v2;
	_ =	sdelay $0x1  }
0x244: {  	v2 =	vadd.f32 v5, v2;
	_ =	sdelay $0x1  }
.Ltmp0:
0x245: {  	v2 =	vadd.f32 v10, v2;
	(pc) =	sbr.rel @p0 .LBB2_2-.Ltmp0, $3  }
0x246: {  	_ = 	snop  }
0x247: {  	v2 =	vadd.f32 v11, v2;
	_ =	sdelay $0x1  }
0x248: {  	v2 =	vadd.f32 v12, v2  }
0x249: {  	_ = 	snop  }
0x24a: {  	v1 =	vadd.f32 v1, v2;
	_ =	sdelay $0x1  }
0x24b: {  	s28 =	sadd.s32 $0x1, s28;
	v0 =	vadd.f32 v0, v1  }
0x24c: {  	p0 =	sne.s32 s28, s6  }
.Ltmp1:
0x24d: {  	s9 =	simm.s32 $0x0;
	s31 =	simm.s32 $0x1A000;
	[tilespmem:s0+$0x10] =	vst v0;
	(pc) =	sbr.rel @p0 .LBB2_1-.Ltmp1, $4  }
0x24e: {  	[hbm4b:s5+s9] =	stream.linear.scatter [tilespmem:s31], [sflag:$0x2], $0x1000, $0x38;
	[tilespmem:$0x1B000] =	vst v63  }
0x24f: {  	_ =	swait.ge [sflag:s7], $0x1000  }
0x250: {  	[sflag:s7] =	ssyncset.done $0x0  }
0x251: {  	[sflag:s7] =	ssyncadd.s32 $0xFFFFF000  }
0x252: {  	_ =	sfence.sel $0x180000  }
0x253: {  	[bflag:$0x0] =	sbarrier.arrive $0xFFFF  }
0x254: {  	_ =	strace $0x90000047  }
0x255: {  	s0 =	stileid.u32;
	[bflag:$0x2] =	sbarrier.arrive $0xFFFF  }
0x256: {  	p0 =	sne.s32 s0, $0x0;
	s0 =	rddreg [dreg:$0x2]  }
0x257: {  	s0 =	sadd.s32 @!p0 $0x100000, s0  }
0x258: {  	[sflag:s0] =	ssyncadd.tile.s32 @!p0 $0x1;
	_ =	shalt  }
.Lfunc_end2:
_tile_overlayer_lowered:
.L_overlay_start_2:
0x259: {  	(tag) =	ssettag $0x2  }
0x25a: {  	s0 =	rddreg [dreg:$0x0];
	s2 =	stileid.u32  }
0x25b: {  	s1 =	rddreg [dreg:$0x1];
	p0 =	sne.s32 s2, $0x0  }
0x25c: {  	s3 =	rddreg [dreg:$0x2];
	[bflag:$0x3] =	sbarrier.arrive $0xFFFF;
	s2 =	simm.s32 @!p0 $0x1C02  }
0x25d: {  	[timem:s3], [sflag:s2] =	dma.local @!p0 [hbm:s0], s1  }
0x25e: {  	s0 =	simm.s32 @!p0 $0x2  }
0x25f: {  	_ =	swait.ge @!p0 [sflag:s0], s1  }
0x260: {  	s1 =	ssub.s32 @!p0 $0x0, s1;
	[sflag:s0] =	ssyncset.done @!p0 $0x0  }
0x261: {  	[sflag:s0] =	ssyncadd.s32 @!p0 s1  }
0x262: {  	[bflag:$0x3] =	sbarrier.arrive $0xFFFF  }
0x263: {  	_ =	shalt  }

</sc_bundles>
